<compile_context>
chip_gen: v7x
topology: tpu7x:2x2x1
jax: 0.10.2.dev20260603
libtpu: 0.0.44.dev20260713+nightly
codegen_flags: <defaults>
</compile_context>

<pallas_src>
import jax
import jax.numpy as jnp
from jax import lax
from jax.experimental import pallas as pl
from jax.experimental.pallas import tpu as pltpu
from jax.experimental.pallas import tpu_sc as plsc

N_NODES = 10000
D_IN = 128
D_OUT = 128
N_EDGES = 320000

NC = 2
NS = 16
L = 16
NW = NC * NS

CH = 64
NCHUNK = 160
EPT = NCHUNK * CH
E_PAD = NW * EPT
ROWS_PER_TILE = N_NODES // NS
NGRP = D_OUT // L
NBUF = 5
NSLOT = 2 * NBUF
GAHEAD = 3
SLACK = 2


def _mm_body(f_ref, w_ref, o_ref):
    o_ref[...] = jnp.dot(f_ref[...], w_ref[...],
                         preferred_element_type=jnp.float32)


def _support_matmul(features, weight):
    blk = 1000
    grid = N_NODES // blk
    return pl.pallas_call(
        _mm_body,
        grid=(grid,),
        in_specs=[
            pl.BlockSpec((blk, D_IN), lambda i: (i, 0)),
            pl.BlockSpec((D_IN, D_OUT), lambda i: (0, 0)),
        ],
        out_specs=pl.BlockSpec((blk, D_OUT), lambda i: (i, 0)),
        out_shape=jax.ShapeDtypeStruct((N_NODES, D_OUT), jnp.float32),
    )(features, weight)


def _spmm_body(support_hbm, edata_hbm, wdata_hbm, out_hbm,
               acc, idx, wrng,
               rowb0, rowb1, rowb2, rowb3, rowb4,
               gbuf0, gbuf1, gbuf2, gbuf3, gbuf4,
               gsem0, gsem1, gsem2, gsem3, gsem4,
               ssem0, ssem1, ssem2, ssem3, ssem4,
               isem0, isem1, isem2, isem3, isem4,
               isem5, isem6, isem7, isem8, isem9,
               wsem0, wsem1, wsem2, wsem3, wsem4,
               wsem5, wsem6, wsem7, wsem8, wsem9):
    cid = lax.axis_index("c")
    sid = lax.axis_index("s")
    wid = sid * NC + cid
    rowbufs = (rowb0, rowb1, rowb2, rowb3, rowb4)
    gbufs = (gbuf0, gbuf1, gbuf2, gbuf3, gbuf4)
    gsems = (gsem0, gsem1, gsem2, gsem3, gsem4)
    ssems = (ssem0, ssem1, ssem2, ssem3, ssem4)
    isems = (isem0, isem1, isem2, isem3, isem4,
             isem5, isem6, isem7, isem8, isem9)
    wsems = (wsem0, wsem1, wsem2, wsem3, wsem4,
             wsem5, wsem6, wsem7, wsem8, wsem9)

    @pl.loop(0, CH)
    def _zero(i):
        for j in range(NGRP):
            gbuf0[i, pl.ds(j * L, L)] = jnp.zeros((L,), jnp.float32)

    r0 = sid * ROWS_PER_TILE
    for k in range(ROWS_PER_TILE // CH):
        pltpu.sync_copy(gbuf0, acc.at[pl.ds(r0 + k * CH, CH)])
    rem = ROWS_PER_TILE % CH
    pltpu.sync_copy(gbuf0.at[pl.ds(0, rem)],
                    acc.at[pl.ds(r0 + ROWS_PER_TILE - rem, rem)])
    plsc.subcore_barrier()

    for s in range(NSLOT - 2):
        pltpu.async_copy(edata_hbm.at[wid, s], idx.at[s], isems[s])
        pltpu.async_copy(wdata_hbm.at[wid, s], wrng.at[s], wsems[s])
    for s in range(GAHEAD):
        pltpu.make_async_copy(edata_hbm.at[wid, s], idx.at[s],
                              isems[s]).wait()
        pltpu.make_async_copy(wdata_hbm.at[wid, s], wrng.at[s],
                              wsems[s]).wait()
        pltpu.async_copy(support_hbm.at[idx.at[s, 1]], gbufs[s], gsems[s])

    @pl.loop(0, NCHUNK, step=NSLOT)
    def _dec(c0):
        for b in range(NSLOT):
            c = c0 + b
            g = b % NBUF
            gb = gbufs[g]
            g2 = (b + GAHEAD) % NBUF
            nslot = (b + GAHEAD) % NSLOT
            lslot = (b + NSLOT - 2) % NSLOT

            pltpu.make_async_copy(support_hbm.at[idx.at[b, 1]], gb,
                                  gsems[g]).wait()


            for k in range(CH // L):
                rowbufs[g][pl.ds(k * L, L)] = idx[b, 0, pl.ds(k * L, L)]
            pltpu.async_copy(gb, acc.at[rowbufs[g]], ssems[g], add=True)

            @pl.when(c >= SLACK)
            def _():
                pltpu.make_async_copy(gbufs[g2], acc.at[rowbufs[g2]],
                                      ssems[g2]).wait()

            @pl.when(c + NSLOT - 2 < NCHUNK)
            def _():
                pltpu.async_copy(edata_hbm.at[wid, c + NSLOT - 2],
                                 idx.at[lslot], isems[lslot])
                pltpu.async_copy(wdata_hbm.at[wid, c + NSLOT - 2],
                                 wrng.at[lslot], wsems[lslot])

            @pl.when(c + GAHEAD < NCHUNK)
            def _():
                pltpu.make_async_copy(edata_hbm.at[wid, c + GAHEAD],
                                      idx.at[nslot], isems[nslot]).wait()
                pltpu.make_async_copy(wdata_hbm.at[wid, c + GAHEAD],
                                      wrng.at[nslot], wsems[nslot]).wait()
                pltpu.async_copy(support_hbm.at[idx.at[nslot, 1]], gbufs[g2],
                                 gsems[g2])

    for t in range(SLACK):
        g = (NCHUNK - SLACK + t) % NBUF
        pltpu.make_async_copy(gbufs[g], acc.at[rowbufs[g]],
                              ssems[g]).wait()

    plsc.subcore_barrier()
    pltpu.sync_copy(acc.at[pl.ds(r0, ROWS_PER_TILE)], out_hbm.at[cid, sid])


def _sc_spmm(support, edata, wdata):
    mesh = plsc.VectorSubcoreMesh(core_axis_name="c", subcore_axis_name="s")
    k = pl.kernel(
        _spmm_body,
        out_type=jax.ShapeDtypeStruct((NC, NS, ROWS_PER_TILE, D_OUT),
                                      jnp.float32),
        mesh=mesh,
        scratch_types=[
            pltpu.VMEM_SHARED((N_NODES, D_OUT), jnp.float32),
            pltpu.VMEM((NSLOT, 2, CH), jnp.int32),
            pltpu.VMEM((NSLOT, CH), jnp.float32),
        ] + [pltpu.VMEM((CH,), jnp.int32)] * NBUF
          + [pltpu.VMEM((CH, D_OUT), jnp.float32)] * NBUF
          + [pltpu.SemaphoreType.DMA] * (2 * NBUF + 2 * NSLOT),
    )
    return k(support, edata, wdata)


def _combine_body(p_ref, o_ref):
    o_ref[...] = jnp.maximum(p_ref[0] + p_ref[1], 0.0)


def _combine_relu(partials):
    blk = 1000
    grid = N_NODES // blk
    return pl.pallas_call(
        _combine_body,
        grid=(grid,),
        in_specs=[pl.BlockSpec((NC, blk, D_OUT), lambda i: (0, i, 0))],
        out_specs=pl.BlockSpec((blk, D_OUT), lambda i: (i, 0)),
        out_shape=jax.ShapeDtypeStruct((N_NODES, D_OUT), jnp.float32),
    )(partials)


def kernel(features, edge_index, edge_weight, weight):
    support = _support_matmul(features, weight)

    row = edge_index[0].astype(jnp.int32)
    col = edge_index[1].astype(jnp.int32)
    pad = E_PAD - N_EDGES
    row = jnp.pad(row, (0, pad)).reshape(NW, NCHUNK, 1, CH)
    col = jnp.pad(col, (0, pad)).reshape(NW, NCHUNK, 1, CH)
    wdata = jnp.pad(edge_weight, (0, pad)).reshape(NW, NCHUNK, CH)
    edata = jnp.concatenate([row, col], axis=2)

    partials = _sc_spmm(support, edata, wdata)
    partials = partials.reshape(NC, N_NODES, D_OUT)
    return _combine_relu(partials)

# --- scband reference (transcript-rebuilt; emitter-appended) ---
"""Pipeline reference for scband-graph-convolution-layer-481036337832 (READ-ONLY COPY).

The authoritative reference and input builder live on the scoring server;
editing this copy changes nothing except your own understanding.
"""

import jax, jax.numpy as jnp
import numpy as np

N_NODES = 10000
N_EDGES = 320000
D_IN = 128
D_OUT = 128


def setup_inputs(seed: int = 0) -> dict:
    key = jax.random.key(seed)
    k1, k2, k3, k4 = jax.random.split(key, 4)
    features = jax.random.normal(k1, (N_NODES, D_IN), dtype=jnp.float32)
    edge_index = jax.random.randint(k2, (2, N_EDGES), 0, N_NODES, dtype=jnp.int64)
    edge_weight = jax.random.uniform(k3, (N_EDGES,), dtype=jnp.float32)
    # Xavier-uniform weight, matching torch.nn.init.xavier_uniform_
    limit = float(np.sqrt(6.0 / (D_IN + D_OUT)))
    weight = jax.random.uniform(k4, (D_IN, D_OUT), minval=-limit, maxval=limit, dtype=jnp.float32)
    return {"features": features, "edge_index": edge_index, "edge_weight": edge_weight, "weight": weight}


def reference(features, edge_index, edge_weight, weight):
    # dropout p=0.0 in eval -> identity
    support = features @ weight                      # torch.mm(features, self.weight)
    # torch.spmm(adj, support): out[row] += adj_val * support[col]
    row = edge_index[0]
    col = edge_index[1]
    messages = edge_weight[:, None] * jnp.take(support, col, axis=0)
    output = jnp.zeros((features.shape[0], weight.shape[1]), dtype=support.dtype).at[row].add(messages)
    output = jax.nn.relu(output)                     # self.act = F.relu
    return output

if __name__ == "__main__":
    import jax
    _d = setup_inputs()
    print(jax.jit(kernel)(*tuple(_d.values())))

</pallas_src>

<mosaic_0001>
#map = affine_map<(d0, d1) -> (0, 0)>
#map1 = affine_map<(d0, d1) -> (0, 0, 0, 0)>
#map2 = affine_map<(d0, d1) -> (0, 0, 0)>
module attributes {stable_mosaic.version = 14 : i64} {
  func.func @_spmm_body(%arg0: i32, %arg1: i32, %arg2: memref<10000x128xf32, #tpu.memory_space<hbm>>, %arg3: memref<32x160x2x64xi32, #tpu.memory_space<hbm>>, %arg4: memref<32x160x64xf32, #tpu.memory_space<hbm>>, %arg5: memref<2x16x625x128xf32, #tpu.memory_space<hbm>>, %arg6: memref<10000x128xf32, #tpu.memory_space<vmem_shared>>, %arg7: memref<10x2x64xi32, #tpu.memory_space<vmem>>, %arg8: memref<10x64xf32, #tpu.memory_space<vmem>>, %arg9: memref<64xi32, #tpu.memory_space<vmem>>, %arg10: memref<64xi32, #tpu.memory_space<vmem>>, %arg11: memref<64xi32, #tpu.memory_space<vmem>>, %arg12: memref<64xi32, #tpu.memory_space<vmem>>, %arg13: memref<64xi32, #tpu.memory_space<vmem>>, %arg14: memref<64x128xf32, #tpu.memory_space<vmem>>, %arg15: memref<64x128xf32, #tpu.memory_space<vmem>>, %arg16: memref<64x128xf32, #tpu.memory_space<vmem>>, %arg17: memref<64x128xf32, #tpu.memory_space<vmem>>, %arg18: memref<64x128xf32, #tpu.memory_space<vmem>>, %arg19: memref<!tpu.dma_semaphore, #tpu.memory_space<semaphore_mem>>, %arg20: memref<!tpu.dma_semaphore, #tpu.memory_space<semaphore_mem>>, %arg21: memref<!tpu.dma_semaphore, #tpu.memory_space<semaphore_mem>>, %arg22: memref<!tpu.dma_semaphore, #tpu.memory_space<semaphore_mem>>, %arg23: memref<!tpu.dma_semaphore, #tpu.memory_space<semaphore_mem>>, %arg24: memref<!tpu.dma_semaphore, #tpu.memory_space<semaphore_mem>>, %arg25: memref<!tpu.dma_semaphore, #tpu.memory_space<semaphore_mem>>, %arg26: memref<!tpu.dma_semaphore, #tpu.memory_space<semaphore_mem>>, %arg27: memref<!tpu.dma_semaphore, #tpu.memory_space<semaphore_mem>>, %arg28: memref<!tpu.dma_semaphore, #tpu.memory_space<semaphore_mem>>, %arg29: memref<!tpu.dma_semaphore, #tpu.memory_space<semaphore_mem>>, %arg30: memref<!tpu.dma_semaphore, #tpu.memory_space<semaphore_mem>>, %arg31: memref<!tpu.dma_semaphore, #tpu.memory_space<semaphore_mem>>, %arg32: memref<!tpu.dma_semaphore, #tpu.memory_space<semaphore_mem>>, %arg33: memref<!tpu.dma_semaphore, #tpu.memory_space<semaphore_mem>>, %arg34: memref<!tpu.dma_semaphore, #tpu.memory_space<semaphore_mem>>, %arg35: memref<!tpu.dma_semaphore, #tpu.memory_space<semaphore_mem>>, %arg36: memref<!tpu.dma_semaphore, #tpu.memory_space<semaphore_mem>>, %arg37: memref<!tpu.dma_semaphore, #tpu.memory_space<semaphore_mem>>, %arg38: memref<!tpu.dma_semaphore, #tpu.memory_space<semaphore_mem>>, %arg39: memref<!tpu.dma_semaphore, #tpu.memory_space<semaphore_mem>>, %arg40: memref<!tpu.dma_semaphore, #tpu.memory_space<semaphore_mem>>, %arg41: memref<!tpu.dma_semaphore, #tpu.memory_space<semaphore_mem>>, %arg42: memref<!tpu.dma_semaphore, #tpu.memory_space<semaphore_mem>>, %arg43: memref<!tpu.dma_semaphore, #tpu.memory_space<semaphore_mem>>, %arg44: memref<!tpu.dma_semaphore, #tpu.memory_space<semaphore_mem>>, %arg45: memref<!tpu.dma_semaphore, #tpu.memory_space<semaphore_mem>>, %arg46: memref<!tpu.dma_semaphore, #tpu.memory_space<semaphore_mem>>, %arg47: memref<!tpu.dma_semaphore, #tpu.memory_space<semaphore_mem>>, %arg48: memref<!tpu.dma_semaphore, #tpu.memory_space<semaphore_mem>>) attributes {dimension_semantics = [#tpu.dimension_semantics<core_parallel>, #tpu.dimension_semantics<subcore_parallel>], iteration_bounds = array<i64: 2, 16>, scalar_prefetch = 0 : i64, scratch_operands = 43 : i64, tpu.core_type = #tpu.core_type<sc_vector_subcore>, window_params = [{transform_indices = #map}, {transform_indices = #map1}, {transform_indices = #map2}, {transform_indices = #map1}]} {
    %mul3A = arith.constant 2 : i32
    %mul3A_0 = arith.muli %arg1, %mul3A : i32
    %add3A = arith.addi %mul3A_0, %arg0 : i32
    %scan3A = arith.constant 0 : i32
    %scan3A_1 = arith.constant 64 : i32
    %scan3A_2 = arith.addi %scan3A, %scan3A_1 : i32
    %scan3A_3 = arith.constant 1 : i32
    scf.for %scan3A_414 = %scan3A to %scan3A_2 step %scan3A_3  : i32 {
      %mul3A_415 = arith.constant 1 : i32
      %mul3A_416 = arith.muli %scan3A_414, %mul3A_415 : i32
      %add3A_417 = arith.constant 0 : i32
      %add3A_418 = arith.addi %add3A_417, %mul3A_416 : i32
      %broadcast_in_dim3A = arith.constant 0.000000e+00 : f32
      %broadcast_in_dim3A_419 = vector.broadcast %broadcast_in_dim3A : f32 to vector<16xf32>
      %swap3A = arith.index_cast %add3A_418 : i32 to index
      %swap3A_420 = arith.constant 0 : index
      %swap3A_421 = tpu.vector_load %arg14[%swap3A, %swap3A_420] {strides = array<i32>} : memref<64x128xf32, #tpu.memory_space<vmem>>, vector<1x16xf32>,
      %swap3A_422 = vector.shape_cast %swap3A_421 : vector<1x16xf32> to vector<16xf32>
      %swap3A_423 = vector.shape_cast %broadcast_in_dim3A_419 : vector<16xf32> to vector<1x16xf32>
      tpu.vector_store %arg14[%swap3A, %swap3A_420], %swap3A_423 {strides = array<i32>} : memref<64x128xf32, #tpu.memory_space<vmem>>, vector<1x16xf32>,
      %broadcast_in_dim3A_424 = arith.constant 0.000000e+00 : f32
      %broadcast_in_dim3A_425 = vector.broadcast %broadcast_in_dim3A_424 : f32 to vector<16xf32>
      %swap3A_426 = arith.index_cast %add3A_418 : i32 to index
      %swap3A_427 = arith.constant 16 : index
      %swap3A_428 = tpu.vector_load %arg14[%swap3A_426, %swap3A_427] {strides = array<i32>} : memref<64x128xf32, #tpu.memory_space<vmem>>, vector<1x16xf32>,
      %swap3A_429 = vector.shape_cast %swap3A_428 : vector<1x16xf32> to vector<16xf32>
      %swap3A_430 = vector.shape_cast %broadcast_in_dim3A_425 : vector<16xf32> to vector<1x16xf32>
      tpu.vector_store %arg14[%swap3A_426, %swap3A_427], %swap3A_430 {strides = array<i32>} : memref<64x128xf32, #tpu.memory_space<vmem>>, vector<1x16xf32>,
      %broadcast_in_dim3A_431 = arith.constant 0.000000e+00 : f32
      %broadcast_in_dim3A_432 = vector.broadcast %broadcast_in_dim3A_431 : f32 to vector<16xf32>
      %swap3A_433 = arith.index_cast %add3A_418 : i32 to index
      %swap3A_434 = arith.constant 32 : index
      %swap3A_435 = tpu.vector_load %arg14[%swap3A_433, %swap3A_434] {strides = array<i32>} : memref<64x128xf32, #tpu.memory_space<vmem>>, vector<1x16xf32>,
      %swap3A_436 = vector.shape_cast %swap3A_435 : vector<1x16xf32> to vector<16xf32>
      %swap3A_437 = vector.shape_cast %broadcast_in_dim3A_432 : vector<16xf32> to vector<1x16xf32>
      tpu.vector_store %arg14[%swap3A_433, %swap3A_434], %swap3A_437 {strides = array<i32>} : memref<64x128xf32, #tpu.memory_space<vmem>>, vector<1x16xf32>,
      %broadcast_in_dim3A_438 = arith.constant 0.000000e+00 : f32
      %broadcast_in_dim3A_439 = vector.broadcast %broadcast_in_dim3A_438 : f32 to vector<16xf32>
      %swap3A_440 = arith.index_cast %add3A_418 : i32 to index
      %swap3A_441 = arith.constant 48 : index
      %swap3A_442 = tpu.vector_load %arg14[%swap3A_440, %swap3A_441] {strides = array<i32>} : memref<64x128xf32, #tpu.memory_space<vmem>>, vector<1x16xf32>,
      %swap3A_443 = vector.shape_cast %swap3A_442 : vector<1x16xf32> to vector<16xf32>
      %swap3A_444 = vector.shape_cast %broadcast_in_dim3A_439 : vector<16xf32> to vector<1x16xf32>
      tpu.vector_store %arg14[%swap3A_440, %swap3A_441], %swap3A_444 {strides = array<i32>} : memref<64x128xf32, #tpu.memory_space<vmem>>, vector<1x16xf32>,
      %broadcast_in_dim3A_445 = arith.constant 0.000000e+00 : f32
      %broadcast_in_dim3A_446 = vector.broadcast %broadcast_in_dim3A_445 : f32 to vector<16xf32>
      %swap3A_447 = arith.index_cast %add3A_418 : i32 to index
      %swap3A_448 = arith.constant 64 : index
      %swap3A_449 = tpu.vector_load %arg14[%swap3A_447, %swap3A_448] {strides = array<i32>} : memref<64x128xf32, #tpu.memory_space<vmem>>, vector<1x16xf32>,
      %swap3A_450 = vector.shape_cast %swap3A_449 : vector<1x16xf32> to vector<16xf32>
      %swap3A_451 = vector.shape_cast %broadcast_in_dim3A_446 : vector<16xf32> to vector<1x16xf32>
      tpu.vector_store %arg14[%swap3A_447, %swap3A_448], %swap3A_451 {strides = array<i32>} : memref<64x128xf32, #tpu.memory_space<vmem>>, vector<1x16xf32>,
      %broadcast_in_dim3A_452 = arith.constant 0.000000e+00 : f32
      %broadcast_in_dim3A_453 = vector.broadcast %broadcast_in_dim3A_452 : f32 to vector<16xf32>
      %swap3A_454 = arith.index_cast %add3A_418 : i32 to index
      %swap3A_455 = arith.constant 80 : index
      %swap3A_456 = tpu.vector_load %arg14[%swap3A_454, %swap3A_455] {strides = array<i32>} : memref<64x128xf32, #tpu.memory_space<vmem>>, vector<1x16xf32>,
      %swap3A_457 = vector.shape_cast %swap3A_456 : vector<1x16xf32> to vector<16xf32>
      %swap3A_458 = vector.shape_cast %broadcast_in_dim3A_453 : vector<16xf32> to vector<1x16xf32>
      tpu.vector_store %arg14[%swap3A_454, %swap3A_455], %swap3A_458 {strides = array<i32>} : memref<64x128xf32, #tpu.memory_space<vmem>>, vector<1x16xf32>,
      %broadcast_in_dim3A_459 = arith.constant 0.000000e+00 : f32
      %broadcast_in_dim3A_460 = vector.broadcast %broadcast_in_dim3A_459 : f32 to vector<16xf32>
      %swap3A_461 = arith.index_cast %add3A_418 : i32 to index
      %swap3A_462 = arith.constant 96 : index
      %swap3A_463 = tpu.vector_load %arg14[%swap3A_461, %swap3A_462] {strides = array<i32>} : memref<64x128xf32, #tpu.memory_space<vmem>>, vector<1x16xf32>,
      %swap3A_464 = vector.shape_cast %swap3A_463 : vector<1x16xf32> to vector<16xf32>
      %swap3A_465 = vector.shape_cast %broadcast_in_dim3A_460 : vector<16xf32> to vector<1x16xf32>
      tpu.vector_store %arg14[%swap3A_461, %swap3A_462], %swap3A_465 {strides = array<i32>} : memref<64x128xf32, #tpu.memory_space<vmem>>, vector<1x16xf32>,
      %broadcast_in_dim3A_466 = arith.constant 0.000000e+00 : f32
      %broadcast_in_dim3A_467 = vector.broadcast %broadcast_in_dim3A_466 : f32 to vector<16xf32>
      %swap3A_468 = arith.index_cast %add3A_418 : i32 to index
      %swap3A_469 = arith.constant 112 : index
      %swap3A_470 = tpu.vector_load %arg14[%swap3A_468, %swap3A_469] {strides = array<i32>} : memref<64x128xf32, #tpu.memory_space<vmem>>, vector<1x16xf32>,
      %swap3A_471 = vector.shape_cast %swap3A_470 : vector<1x16xf32> to vector<16xf32>
      %swap3A_472 = vector.shape_cast %broadcast_in_dim3A_467 : vector<16xf32> to vector<1x16xf32>
      tpu.vector_store %arg14[%swap3A_468, %swap3A_469], %swap3A_472 {strides = array<i32>} : memref<64x128xf32, #tpu.memory_space<vmem>>, vector<1x16xf32>,
    }
    %scan3A_4 = arith.constant 64 : i32
    %mul3A_5 = arith.constant 625 : i32
    %mul3A_6 = arith.muli %arg1, %mul3A_5 : i32
    %add3A_7 = arith.constant 0 : i32
    %add3A_8 = arith.addi %mul3A_6, %add3A_7 : i32
    "tpu.region"() ({
      %run_scoped3A = tpu.sem_alloc : memref<!tpu.dma_semaphore, #tpu.memory_space<semaphore_mem>>
      %dma_start3A_414 = arith.constant 0 : i32
      %dma_start3A_415 = tpu.memref_slice %arg6[%add3A_8, %dma_start3A_414] : memref<10000x128xf32, #tpu.memory_space<vmem_shared>> -> memref<64x128xf32, #tpu.memory_space<vmem_shared>>
      %dma_start3A_416 = arith.constant 0 : i32
      %dma_start3A_417 = tpu.memref_slice %arg6[%add3A_8, %dma_start3A_416] : memref<10000x128xf32, #tpu.memory_space<vmem_shared>> -> memref<64x128xf32, #tpu.memory_space<vmem_shared>>
      tpu.enqueue_dma source(%arg14 : memref<64x128xf32, #tpu.memory_space<vmem>>) target(%dma_start3A_417 : memref<64x128xf32, #tpu.memory_space<vmem_shared>>) target_semaphore(%run_scoped3A : memref<!tpu.dma_semaphore, #tpu.memory_space<semaphore_mem>>)
      %dma_wait3A_418 = arith.constant 0 : i32
      %dma_wait3A_419 = tpu.memref_slice %arg6[%add3A_8, %dma_wait3A_418] : memref<10000x128xf32, #tpu.memory_space<vmem_shared>> -> memref<64x128xf32, #tpu.memory_space<vmem_shared>>
      %dma_wait3A_420 = arith.constant 0 : i32
      %dma_wait3A_421 = tpu.memref_slice %arg6[%add3A_8, %dma_wait3A_420] : memref<10000x128xf32, #tpu.memory_space<vmem_shared>> -> memref<64x128xf32, #tpu.memory_space<vmem_shared>>
      tpu.wait_dma2 semaphore(%run_scoped3A : memref<!tpu.dma_semaphore, #tpu.memory_space<semaphore_mem>>) src(%arg14 : memref<64x128xf32, #tpu.memory_space<vmem>>) dst(%dma_wait3A_421 : memref<64x128xf32, #tpu.memory_space<vmem_shared>>)
      tpu.yield
    }) : () -> ()
    %add3A_9 = arith.constant 64 : i32
    %add3A_10 = arith.addi %mul3A_6, %add3A_9 : i32
    "tpu.region"() ({
      %run_scoped3A = tpu.sem_alloc : memref<!tpu.dma_semaphore, #tpu.memory_space<semaphore_mem>>
      %dma_start3A_414 = arith.constant 0 : i32
      %dma_start3A_415 = tpu.memref_slice %arg6[%add3A_10, %dma_start3A_414] : memref<10000x128xf32, #tpu.memory_space<vmem_shared>> -> memref<64x128xf32, #tpu.memory_space<vmem_shared>>
      %dma_start3A_416 = arith.constant 0 : i32
      %dma_start3A_417 = tpu.memref_slice %arg6[%add3A_10, %dma_start3A_416] : memref<10000x128xf32, #tpu.memory_space<vmem_shared>> -> memref<64x128xf32, #tpu.memory_space<vmem_shared>>
      tpu.enqueue_dma source(%arg14 : memref<64x128xf32, #tpu.memory_space<vmem>>) target(%dma_start3A_417 : memref<64x128xf32, #tpu.memory_space<vmem_shared>>) target_semaphore(%run_scoped3A : memref<!tpu.dma_semaphore, #tpu.memory_space<semaphore_mem>>)
      %dma_wait3A_418 = arith.constant 0 : i32
      %dma_wait3A_419 = tpu.memref_slice %arg6[%add3A_10, %dma_wait3A_418] : memref<10000x128xf32, #tpu.memory_space<vmem_shared>> -> memref<64x128xf32, #tpu.memory_space<vmem_shared>>
      %dma_wait3A_420 = arith.constant 0 : i32
      %dma_wait3A_421 = tpu.memref_slice %arg6[%add3A_10, %dma_wait3A_420] : memref<10000x128xf32, #tpu.memory_space<vmem_shared>> -> memref<64x128xf32, #tpu.memory_space<vmem_shared>>
      tpu.wait_dma2 semaphore(%run_scoped3A : memref<!tpu.dma_semaphore, #tpu.memory_space<semaphore_mem>>) src(%arg14 : memref<64x128xf32, #tpu.memory_space<vmem>>) dst(%dma_wait3A_421 : memref<64x128xf32, #tpu.memory_space<vmem_shared>>)
      tpu.yield
    }) : () -> ()
    %add3A_11 = arith.constant 128 : i32
    %add3A_12 = arith.addi %mul3A_6, %add3A_11 : i32
    "tpu.region"() ({
      %run_scoped3A = tpu.sem_alloc : memref<!tpu.dma_semaphore, #tpu.memory_space<semaphore_mem>>
      %dma_start3A_414 = arith.constant 0 : i32
      %dma_start3A_415 = tpu.memref_slice %arg6[%add3A_12, %dma_start3A_414] : memref<10000x128xf32, #tpu.memory_space<vmem_shared>> -> memref<64x128xf32, #tpu.memory_space<vmem_shared>>
      %dma_start3A_416 = arith.constant 0 : i32
      %dma_start3A_417 = tpu.memref_slice %arg6[%add3A_12, %dma_start3A_416] : memref<10000x128xf32, #tpu.memory_space<vmem_shared>> -> memref<64x128xf32, #tpu.memory_space<vmem_shared>>
      tpu.enqueue_dma source(%arg14 : memref<64x128xf32, #tpu.memory_space<vmem>>) target(%dma_start3A_417 : memref<64x128xf32, #tpu.memory_space<vmem_shared>>) target_semaphore(%run_scoped3A : memref<!tpu.dma_semaphore, #tpu.memory_space<semaphore_mem>>)
      %dma_wait3A_418 = arith.constant 0 : i32
      %dma_wait3A_419 = tpu.memref_slice %arg6[%add3A_12, %dma_wait3A_418] : memref<10000x128xf32, #tpu.memory_space<vmem_shared>> -> memref<64x128xf32, #tpu.memory_space<vmem_shared>>
      %dma_wait3A_420 = arith.constant 0 : i32
      %dma_wait3A_421 = tpu.memref_slice %arg6[%add3A_12, %dma_wait3A_420] : memref<10000x128xf32, #tpu.memory_space<vmem_shared>> -> memref<64x128xf32, #tpu.memory_space<vmem_shared>>
      tpu.wait_dma2 semaphore(%run_scoped3A : memref<!tpu.dma_semaphore, #tpu.memory_space<semaphore_mem>>) src(%arg14 : memref<64x128xf32, #tpu.memory_space<vmem>>) dst(%dma_wait3A_421 : memref<64x128xf32, #tpu.memory_space<vmem_shared>>)
      tpu.yield
    }) : () -> ()
    %add3A_13 = arith.constant 192 : i32
    %add3A_14 = arith.addi %mul3A_6, %add3A_13 : i32
    "tpu.region"() ({
      %run_scoped3A = tpu.sem_alloc : memref<!tpu.dma_semaphore, #tpu.memory_space<semaphore_mem>>
      %dma_start3A_414 = arith.constant 0 : i32
      %dma_start3A_415 = tpu.memref_slice %arg6[%add3A_14, %dma_start3A_414] : memref<10000x128xf32, #tpu.memory_space<vmem_shared>> -> memref<64x128xf32, #tpu.memory_space<vmem_shared>>
      %dma_start3A_416 = arith.constant 0 : i32
      %dma_start3A_417 = tpu.memref_slice %arg6[%add3A_14, %dma_start3A_416] : memref<10000x128xf32, #tpu.memory_space<vmem_shared>> -> memref<64x128xf32, #tpu.memory_space<vmem_shared>>
      tpu.enqueue_dma source(%arg14 : memref<64x128xf32, #tpu.memory_space<vmem>>) target(%dma_start3A_417 : memref<64x128xf32, #tpu.memory_space<vmem_shared>>) target_semaphore(%run_scoped3A : memref<!tpu.dma_semaphore, #tpu.memory_space<semaphore_mem>>)
      %dma_wait3A_418 = arith.constant 0 : i32
      %dma_wait3A_419 = tpu.memref_slice %arg6[%add3A_14, %dma_wait3A_418] : memref<10000x128xf32, #tpu.memory_space<vmem_shared>> -> memref<64x128xf32, #tpu.memory_space<vmem_shared>>
      %dma_wait3A_420 = arith.constant 0 : i32
      %dma_wait3A_421 = tpu.memref_slice %arg6[%add3A_14, %dma_wait3A_420] : memref<10000x128xf32, #tpu.memory_space<vmem_shared>> -> memref<64x128xf32, #tpu.memory_space<vmem_shared>>
      tpu.wait_dma2 semaphore(%run_scoped3A : memref<!tpu.dma_semaphore, #tpu.memory_space<semaphore_mem>>) src(%arg14 : memref<64x128xf32, #tpu.memory_space<vmem>>) dst(%dma_wait3A_421 : memref<64x128xf32, #tpu.memory_space<vmem_shared>>)
      tpu.yield
    }) : () -> ()
    %add3A_15 = arith.constant 256 : i32
    %add3A_16 = arith.addi %mul3A_6, %add3A_15 : i32
    "tpu.region"() ({
      %run_scoped3A = tpu.sem_alloc : memref<!tpu.dma_semaphore, #tpu.memory_space<semaphore_mem>>
      %dma_start3A_414 = arith.constant 0 : i32
      %dma_start3A_415 = tpu.memref_slice %arg6[%add3A_16, %dma_start3A_414] : memref<10000x128xf32, #tpu.memory_space<vmem_shared>> -> memref<64x128xf32, #tpu.memory_space<vmem_shared>>
      %dma_start3A_416 = arith.constant 0 : i32
      %dma_start3A_417 = tpu.memref_slice %arg6[%add3A_16, %dma_start3A_416] : memref<10000x128xf32, #tpu.memory_space<vmem_shared>> -> memref<64x128xf32, #tpu.memory_space<vmem_shared>>
      tpu.enqueue_dma source(%arg14 : memref<64x128xf32, #tpu.memory_space<vmem>>) target(%dma_start3A_417 : memref<64x128xf32, #tpu.memory_space<vmem_shared>>) target_semaphore(%run_scoped3A : memref<!tpu.dma_semaphore, #tpu.memory_space<semaphore_mem>>)
      %dma_wait3A_418 = arith.constant 0 : i32
      %dma_wait3A_419 = tpu.memref_slice %arg6[%add3A_16, %dma_wait3A_418] : memref<10000x128xf32, #tpu.memory_space<vmem_shared>> -> memref<64x128xf32, #tpu.memory_space<vmem_shared>>
      %dma_wait3A_420 = arith.constant 0 : i32
      %dma_wait3A_421 = tpu.memref_slice %arg6[%add3A_16, %dma_wait3A_420] : memref<10000x128xf32, #tpu.memory_space<vmem_shared>> -> memref<64x128xf32, #tpu.memory_space<vmem_shared>>
      tpu.wait_dma2 semaphore(%run_scoped3A : memref<!tpu.dma_semaphore, #tpu.memory_space<semaphore_mem>>) src(%arg14 : memref<64x128xf32, #tpu.memory_space<vmem>>) dst(%dma_wait3A_421 : memref<64x128xf32, #tpu.memory_space<vmem_shared>>)
      tpu.yield
    }) : () -> ()
    %add3A_17 = arith.constant 320 : i32
    %add3A_18 = arith.addi %mul3A_6, %add3A_17 : i32
    "tpu.region"() ({
      %run_scoped3A = tpu.sem_alloc : memref<!tpu.dma_semaphore, #tpu.memory_space<semaphore_mem>>
      %dma_start3A_414 = arith.constant 0 : i32
      %dma_start3A_415 = tpu.memref_slice %arg6[%add3A_18, %dma_start3A_414] : memref<10000x128xf32, #tpu.memory_space<vmem_shared>> -> memref<64x128xf32, #tpu.memory_space<vmem_shared>>
      %dma_start3A_416 = arith.constant 0 : i32
      %dma_start3A_417 = tpu.memref_slice %arg6[%add3A_18, %dma_start3A_416] : memref<10000x128xf32, #tpu.memory_space<vmem_shared>> -> memref<64x128xf32, #tpu.memory_space<vmem_shared>>
      tpu.enqueue_dma source(%arg14 : memref<64x128xf32, #tpu.memory_space<vmem>>) target(%dma_start3A_417 : memref<64x128xf32, #tpu.memory_space<vmem_shared>>) target_semaphore(%run_scoped3A : memref<!tpu.dma_semaphore, #tpu.memory_space<semaphore_mem>>)
      %dma_wait3A_418 = arith.constant 0 : i32
      %dma_wait3A_419 = tpu.memref_slice %arg6[%add3A_18, %dma_wait3A_418] : memref<10000x128xf32, #tpu.memory_space<vmem_shared>> -> memref<64x128xf32, #tpu.memory_space<vmem_shared>>
      %dma_wait3A_420 = arith.constant 0 : i32
      %dma_wait3A_421 = tpu.memref_slice %arg6[%add3A_18, %dma_wait3A_420] : memref<10000x128xf32, #tpu.memory_space<vmem_shared>> -> memref<64x128xf32, #tpu.memory_space<vmem_shared>>
      tpu.wait_dma2 semaphore(%run_scoped3A : memref<!tpu.dma_semaphore, #tpu.memory_space<semaphore_mem>>) src(%arg14 : memref<64x128xf32, #tpu.memory_space<vmem>>) dst(%dma_wait3A_421 : memref<64x128xf32, #tpu.memory_space<vmem_shared>>)
      tpu.yield
    }) : () -> ()
    %add3A_19 = arith.constant 384 : i32
    %add3A_20 = arith.addi %mul3A_6, %add3A_19 : i32
    "tpu.region"() ({
      %run_scoped3A = tpu.sem_alloc : memref<!tpu.dma_semaphore, #tpu.memory_space<semaphore_mem>>
      %dma_start3A_414 = arith.constant 0 : i32
      %dma_start3A_415 = tpu.memref_slice %arg6[%add3A_20, %dma_start3A_414] : memref<10000x128xf32, #tpu.memory_space<vmem_shared>> -> memref<64x128xf32, #tpu.memory_space<vmem_shared>>
      %dma_start3A_416 = arith.constant 0 : i32
      %dma_start3A_417 = tpu.memref_slice %arg6[%add3A_20, %dma_start3A_416] : memref<10000x128xf32, #tpu.memory_space<vmem_shared>> -> memref<64x128xf32, #tpu.memory_space<vmem_shared>>
      tpu.enqueue_dma source(%arg14 : memref<64x128xf32, #tpu.memory_space<vmem>>) target(%dma_start3A_417 : memref<64x128xf32, #tpu.memory_space<vmem_shared>>) target_semaphore(%run_scoped3A : memref<!tpu.dma_semaphore, #tpu.memory_space<semaphore_mem>>)
      %dma_wait3A_418 = arith.constant 0 : i32
      %dma_wait3A_419 = tpu.memref_slice %arg6[%add3A_20, %dma_wait3A_418] : memref<10000x128xf32, #tpu.memory_space<vmem_shared>> -> memref<64x128xf32, #tpu.memory_space<vmem_shared>>
      %dma_wait3A_420 = arith.constant 0 : i32
      %dma_wait3A_421 = tpu.memref_slice %arg6[%add3A_20, %dma_wait3A_420] : memref<10000x128xf32, #tpu.memory_space<vmem_shared>> -> memref<64x128xf32, #tpu.memory_space<vmem_shared>>
      tpu.wait_dma2 semaphore(%run_scoped3A : memref<!tpu.dma_semaphore, #tpu.memory_space<semaphore_mem>>) src(%arg14 : memref<64x128xf32, #tpu.memory_space<vmem>>) dst(%dma_wait3A_421 : memref<64x128xf32, #tpu.memory_space<vmem_shared>>)
      tpu.yield
    }) : () -> ()
    %add3A_21 = arith.constant 448 : i32
    %add3A_22 = arith.addi %mul3A_6, %add3A_21 : i32
    "tpu.region"() ({
      %run_scoped3A = tpu.sem_alloc : memref<!tpu.dma_semaphore, #tpu.memory_space<semaphore_mem>>
      %dma_start3A_414 = arith.constant 0 : i32
      %dma_start3A_415 = tpu.memref_slice %arg6[%add3A_22, %dma_start3A_414] : memref<10000x128xf32, #tpu.memory_space<vmem_shared>> -> memref<64x128xf32, #tpu.memory_space<vmem_shared>>
      %dma_start3A_416 = arith.constant 0 : i32
      %dma_start3A_417 = tpu.memref_slice %arg6[%add3A_22, %dma_start3A_416] : memref<10000x128xf32, #tpu.memory_space<vmem_shared>> -> memref<64x128xf32, #tpu.memory_space<vmem_shared>>
      tpu.enqueue_dma source(%arg14 : memref<64x128xf32, #tpu.memory_space<vmem>>) target(%dma_start3A_417 : memref<64x128xf32, #tpu.memory_space<vmem_shared>>) target_semaphore(%run_scoped3A : memref<!tpu.dma_semaphore, #tpu.memory_space<semaphore_mem>>)
      %dma_wait3A_418 = arith.constant 0 : i32
      %dma_wait3A_419 = tpu.memref_slice %arg6[%add3A_22, %dma_wait3A_418] : memref<10000x128xf32, #tpu.memory_space<vmem_shared>> -> memref<64x128xf32, #tpu.memory_space<vmem_shared>>
      %dma_wait3A_420 = arith.constant 0 : i32
      %dma_wait3A_421 = tpu.memref_slice %arg6[%add3A_22, %dma_wait3A_420] : memref<10000x128xf32, #tpu.memory_space<vmem_shared>> -> memref<64x128xf32, #tpu.memory_space<vmem_shared>>
      tpu.wait_dma2 semaphore(%run_scoped3A : memref<!tpu.dma_semaphore, #tpu.memory_space<semaphore_mem>>) src(%arg14 : memref<64x128xf32, #tpu.memory_space<vmem>>) dst(%dma_wait3A_421 : memref<64x128xf32, #tpu.memory_space<vmem_shared>>)
      tpu.yield
    }) : () -> ()
    %add3A_23 = arith.constant 512 : i32
    %add3A_24 = arith.addi %mul3A_6, %add3A_23 : i32
    "tpu.region"() ({
      %run_scoped3A = tpu.sem_alloc : memref<!tpu.dma_semaphore, #tpu.memory_space<semaphore_mem>>
      %dma_start3A_414 = arith.constant 0 : i32
      %dma_start3A_415 = tpu.memref_slice %arg6[%add3A_24, %dma_start3A_414] : memref<10000x128xf32, #tpu.memory_space<vmem_shared>> -> memref<64x128xf32, #tpu.memory_space<vmem_shared>>
      %dma_start3A_416 = arith.constant 0 : i32
      %dma_start3A_417 = tpu.memref_slice %arg6[%add3A_24, %dma_start3A_416] : memref<10000x128xf32, #tpu.memory_space<vmem_shared>> -> memref<64x128xf32, #tpu.memory_space<vmem_shared>>
      tpu.enqueue_dma source(%arg14 : memref<64x128xf32, #tpu.memory_space<vmem>>) target(%dma_start3A_417 : memref<64x128xf32, #tpu.memory_space<vmem_shared>>) target_semaphore(%run_scoped3A : memref<!tpu.dma_semaphore, #tpu.memory_space<semaphore_mem>>)
      %dma_wait3A_418 = arith.constant 0 : i32
      %dma_wait3A_419 = tpu.memref_slice %arg6[%add3A_24, %dma_wait3A_418] : memref<10000x128xf32, #tpu.memory_space<vmem_shared>> -> memref<64x128xf32, #tpu.memory_space<vmem_shared>>
      %dma_wait3A_420 = arith.constant 0 : i32
      %dma_wait3A_421 = tpu.memref_slice %arg6[%add3A_24, %dma_wait3A_420] : memref<10000x128xf32, #tpu.memory_space<vmem_shared>> -> memref<64x128xf32, #tpu.memory_space<vmem_shared>>
      tpu.wait_dma2 semaphore(%run_scoped3A : memref<!tpu.dma_semaphore, #tpu.memory_space<semaphore_mem>>) src(%arg14 : memref<64x128xf32, #tpu.memory_space<vmem>>) dst(%dma_wait3A_421 : memref<64x128xf32, #tpu.memory_space<vmem_shared>>)
      tpu.yield
    }) : () -> ()
    %add3A_25 = arith.constant 625 : i32
    %add3A_26 = arith.addi %mul3A_6, %add3A_25 : i32
    %sub3A = arith.constant 49 : i32
    %sub3A_27 = arith.subi %add3A_26, %sub3A : i32
    "tpu.region"() ({
      %run_scoped3A = tpu.sem_alloc : memref<!tpu.dma_semaphore, #tpu.memory_space<semaphore_mem>>
      %dma_start3A_414 = arith.constant 0 : i32
      %dma_start3A_415 = arith.constant 0 : i32
      %dma_start3A_416 = tpu.memref_slice %arg14[%dma_start3A_414, %dma_start3A_415] : memref<64x128xf32, #tpu.memory_space<vmem>> -> memref<49x128xf32, #tpu.memory_space<vmem>>
      %dma_start3A_417 = arith.constant 0 : i32
      %dma_start3A_418 = tpu.memref_slice %arg6[%sub3A_27, %dma_start3A_417] : memref<10000x128xf32, #tpu.memory_space<vmem_shared>> -> memref<49x128xf32, #tpu.memory_space<vmem_shared>>
      %dma_start3A_419 = arith.constant 0 : i32
      %dma_start3A_420 = tpu.memref_slice %arg6[%sub3A_27, %dma_start3A_419] : memref<10000x128xf32, #tpu.memory_space<vmem_shared>> -> memref<49x128xf32, #tpu.memory_space<vmem_shared>>
      %dma_start3A_421 = arith.constant 0 : i32
      %dma_start3A_422 = arith.constant 0 : i32
      %dma_start3A_423 = tpu.memref_slice %arg14[%dma_start3A_421, %dma_start3A_422] : memref<64x128xf32, #tpu.memory_space<vmem>> -> memref<49x128xf32, #tpu.memory_space<vmem>>
      tpu.enqueue_dma source(%dma_start3A_423 : memref<49x128xf32, #tpu.memory_space<vmem>>) target(%dma_start3A_420 : memref<49x128xf32, #tpu.memory_space<vmem_shared>>) target_semaphore(%run_scoped3A : memref<!tpu.dma_semaphore, #tpu.memory_space<semaphore_mem>>)
      %dma_wait3A_424 = arith.constant 0 : i32
      %dma_wait3A_425 = arith.constant 0 : i32
      %dma_wait3A_426 = tpu.memref_slice %arg14[%dma_wait3A_424, %dma_wait3A_425] : memref<64x128xf32, #tpu.memory_space<vmem>> -> memref<49x128xf32, #tpu.memory_space<vmem>>
      %dma_wait3A_427 = arith.constant 0 : i32
      %dma_wait3A_428 = tpu.memref_slice %arg6[%sub3A_27, %dma_wait3A_427] : memref<10000x128xf32, #tpu.memory_space<vmem_shared>> -> memref<49x128xf32, #tpu.memory_space<vmem_shared>>
      %dma_wait3A_429 = arith.constant 0 : i32
      %dma_wait3A_430 = tpu.memref_slice %arg6[%sub3A_27, %dma_wait3A_429] : memref<10000x128xf32, #tpu.memory_space<vmem_shared>> -> memref<49x128xf32, #tpu.memory_space<vmem_shared>>
      %dma_wait3A_431 = arith.constant 0 : i32
      %dma_wait3A_432 = arith.constant 0 : i32
      %dma_wait3A_433 = tpu.memref_slice %arg14[%dma_wait3A_431, %dma_wait3A_432] : memref<64x128xf32, #tpu.memory_space<vmem>> -> memref<49x128xf32, #tpu.memory_space<vmem>>
      tpu.wait_dma2 semaphore(%run_scoped3A : memref<!tpu.dma_semaphore, #tpu.memory_space<semaphore_mem>>) src(%dma_wait3A_433 : memref<49x128xf32, #tpu.memory_space<vmem>>) dst(%dma_wait3A_430 : memref<49x128xf32, #tpu.memory_space<vmem_shared>>)
      tpu.yield
    }) : () -> ()
    %barrier3A = arith.constant 0 : index
    tpu.barrier barrier_id(%barrier3A)
    %dma_start3A = arith.constant 0 : i32
    %dma_start3A_28 = arith.constant 0 : i32
    %dma_start3A_29 = arith.constant 0 : i32
    %dma_start3A_30 = arith.constant 0 : i32
    %dma_start3A_31 = tpu.memref_slice %arg7[%dma_start3A_28, %dma_start3A_29, %dma_start3A_30] : memref<10x2x64xi32, #tpu.memory_space<vmem>> -> memref<1x2x64xi32, #tpu.memory_space<vmem>>
    %dma_start3A_32 = tpu.memref_squeeze %dma_start3A_31 : memref<1x2x64xi32, #tpu.memory_space<vmem>> -> memref<2x64xi32, #tpu.memory_space<vmem>>
    %dma_start3A_33 = arith.constant 0 : i32
    %dma_start3A_34 = arith.constant 0 : i32
    %dma_start3A_35 = tpu.memref_slice %arg3[%add3A, %dma_start3A, %dma_start3A_33, %dma_start3A_34] : memref<32x160x2x64xi32, #tpu.memory_space<hbm>> -> memref<1x1x2x64xi32, #tpu.memory_space<hbm>>
    %dma_start3A_36 = tpu.memref_squeeze %dma_start3A_35 : memref<1x1x2x64xi32, #tpu.memory_space<hbm>> -> memref<2x64xi32, #tpu.memory_space<hbm>>
    %dma_start3A_37 = arith.constant 0 : i32
    %dma_start3A_38 = arith.constant 0 : i32
    %dma_start3A_39 = tpu.memref_slice %arg7[%dma_start3A_28, %dma_start3A_37, %dma_start3A_38] : memref<10x2x64xi32, #tpu.memory_space<vmem>> -> memref<1x2x64xi32, #tpu.memory_space<vmem>>
    %dma_start3A_40 = tpu.memref_squeeze %dma_start3A_39 : memref<1x2x64xi32, #tpu.memory_space<vmem>> -> memref<2x64xi32, #tpu.memory_space<vmem>>
    %dma_start3A_41 = arith.constant 0 : i32
    %dma_start3A_42 = arith.constant 0 : i32
    %dma_start3A_43 = tpu.memref_slice %arg3[%add3A, %dma_start3A, %dma_start3A_41, %dma_start3A_42] : memref<32x160x2x64xi32, #tpu.memory_space<hbm>> -> memref<1x1x2x64xi32, #tpu.memory_space<hbm>>
    %dma_start3A_44 = tpu.memref_squeeze %dma_start3A_43 : memref<1x1x2x64xi32, #tpu.memory_space<hbm>> -> memref<2x64xi32, #tpu.memory_space<hbm>>
    tpu.enqueue_dma source(%dma_start3A_44 : memref<2x64xi32, #tpu.memory_space<hbm>>) target(%dma_start3A_40 : memref<2x64xi32, #tpu.memory_space<vmem>>) target_semaphore(%arg29 : memref<!tpu.dma_semaphore, #tpu.memory_space<semaphore_mem>>)
    %dma_start3A_45 = arith.constant 0 : i32
    %dma_start3A_46 = arith.constant 0 : i32
    %dma_start3A_47 = arith.constant 0 : i32
    %dma_start3A_48 = tpu.memref_slice %arg8[%dma_start3A_46, %dma_start3A_47] : memref<10x64xf32, #tpu.memory_space<vmem>> -> memref<1x64xf32, #tpu.memory_space<vmem>>
    %dma_start3A_49 = tpu.memref_squeeze %dma_start3A_48 : memref<1x64xf32, #tpu.memory_space<vmem>> -> memref<64xf32, #tpu.memory_space<vmem>>
    %dma_start3A_50 = arith.constant 0 : i32
    %dma_start3A_51 = tpu.memref_slice %arg4[%add3A, %dma_start3A_45, %dma_start3A_50] : memref<32x160x64xf32, #tpu.memory_space<hbm>> -> memref<1x1x64xf32, #tpu.memory_space<hbm>>
    %dma_start3A_52 = tpu.memref_squeeze %dma_start3A_51 : memref<1x1x64xf32, #tpu.memory_space<hbm>> -> memref<64xf32, #tpu.memory_space<hbm>>
    %dma_start3A_53 = arith.constant 0 : i32
    %dma_start3A_54 = tpu.memref_slice %arg8[%dma_start3A_46, %dma_start3A_53] : memref<10x64xf32, #tpu.memory_space<vmem>> -> memref<1x64xf32, #tpu.memory_space<vmem>>
    %dma_start3A_55 = tpu.memref_squeeze %dma_start3A_54 : memref<1x64xf32, #tpu.memory_space<vmem>> -> memref<64xf32, #tpu.memory_space<vmem>>
    %dma_start3A_56 = arith.constant 0 : i32
    %dma_start3A_57 = tpu.memref_slice %arg4[%add3A, %dma_start3A_45, %dma_start3A_56] : memref<32x160x64xf32, #tpu.memory_space<hbm>> -> memref<1x1x64xf32, #tpu.memory_space<hbm>>
    %dma_start3A_58 = tpu.memref_squeeze %dma_start3A_57 : memref<1x1x64xf32, #tpu.memory_space<hbm>> -> memref<64xf32, #tpu.memory_space<hbm>>
    tpu.enqueue_dma source(%dma_start3A_58 : memref<64xf32, #tpu.memory_space<hbm>>) target(%dma_start3A_55 : memref<64xf32, #tpu.memory_space<vmem>>) target_semaphore(%arg39 : memref<!tpu.dma_semaphore, #tpu.memory_space<semaphore_mem>>)
    %dma_start3A_59 = arith.constant 1 : i32
    %dma_start3A_60 = arith.constant 1 : i32
    %dma_start3A_61 = arith.constant 0 : i32
    %dma_start3A_62 = arith.constant 0 : i32
    %dma_start3A_63 = tpu.memref_slice %arg7[%dma_start3A_60, %dma_start3A_61, %dma_start3A_62] : memref<10x2x64xi32, #tpu.memory_space<vmem>> -> memref<1x2x64xi32, #tpu.memory_space<vmem>>
    %dma_start3A_64 = tpu.memref_squeeze %dma_start3A_63 : memref<1x2x64xi32, #tpu.memory_space<vmem>> -> memref<2x64xi32, #tpu.memory_space<vmem>>
    %dma_start3A_65 = arith.constant 0 : i32
    %dma_start3A_66 = arith.constant 0 : i32
    %dma_start3A_67 = tpu.memref_slice %arg3[%add3A, %dma_start3A_59, %dma_start3A_65, %dma_start3A_66] : memref<32x160x2x64xi32, #tpu.memory_space<hbm>> -> memref<1x1x2x64xi32, #tpu.memory_space<hbm>>
    %dma_start3A_68 = tpu.memref_squeeze %dma_start3A_67 : memref<1x1x2x64xi32, #tpu.memory_space<hbm>> -> memref<2x64xi32, #tpu.memory_space<hbm>>
    %dma_start3A_69 = arith.constant 0 : i32
    %dma_start3A_70 = arith.constant 0 : i32
    %dma_start3A_71 = tpu.memref_slice %arg7[%dma_start3A_60, %dma_start3A_69, %dma_start3A_70] : memref<10x2x64xi32, #tpu.memory_space<vmem>> -> memref<1x2x64xi32, #tpu.memory_space<vmem>>
    %dma_start3A_72 = tpu.memref_squeeze %dma_start3A_71 : memref<1x2x64xi32, #tpu.memory_space<vmem>> -> memref<2x64xi32, #tpu.memory_space<vmem>>
    %dma_start3A_73 = arith.constant 0 : i32
    %dma_start3A_74 = arith.constant 0 : i32
    %dma_start3A_75 = tpu.memref_slice %arg3[%add3A, %dma_start3A_59, %dma_start3A_73, %dma_start3A_74] : memref<32x160x2x64xi32, #tpu.memory_space<hbm>> -> memref<1x1x2x64xi32, #tpu.memory_space<hbm>>
    %dma_start3A_76 = tpu.memref_squeeze %dma_start3A_75 : memref<1x1x2x64xi32, #tpu.memory_space<hbm>> -> memref<2x64xi32, #tpu.memory_space<hbm>>
    tpu.enqueue_dma source(%dma_start3A_76 : memref<2x64xi32, #tpu.memory_space<hbm>>) target(%dma_start3A_72 : memref<2x64xi32, #tpu.memory_space<vmem>>) target_semaphore(%arg30 : memref<!tpu.dma_semaphore, #tpu.memory_space<semaphore_mem>>)
    %dma_start3A_77 = arith.constant 1 : i32
    %dma_start3A_78 = arith.constant 1 : i32
    %dma_start3A_79 = arith.constant 0 : i32
    %dma_start3A_80 = tpu.memref_slice %arg8[%dma_start3A_78, %dma_start3A_79] : memref<10x64xf32, #tpu.memory_space<vmem>> -> memref<1x64xf32, #tpu.memory_space<vmem>>
    %dma_start3A_81 = tpu.memref_squeeze %dma_start3A_80 : memref<1x64xf32, #tpu.memory_space<vmem>> -> memref<64xf32, #tpu.memory_space<vmem>>
    %dma_start3A_82 = arith.constant 0 : i32
    %dma_start3A_83 = tpu.memref_slice %arg4[%add3A, %dma_start3A_77, %dma_start3A_82] : memref<32x160x64xf32, #tpu.memory_space<hbm>> -> memref<1x1x64xf32, #tpu.memory_space<hbm>>
    %dma_start3A_84 = tpu.memref_squeeze %dma_start3A_83 : memref<1x1x64xf32, #tpu.memory_space<hbm>> -> memref<64xf32, #tpu.memory_space<hbm>>
    %dma_start3A_85 = arith.constant 0 : i32
    %dma_start3A_86 = tpu.memref_slice %arg8[%dma_start3A_78, %dma_start3A_85] : memref<10x64xf32, #tpu.memory_space<vmem>> -> memref<1x64xf32, #tpu.memory_space<vmem>>
    %dma_start3A_87 = tpu.memref_squeeze %dma_start3A_86 : memref<1x64xf32, #tpu.memory_space<vmem>> -> memref<64xf32, #tpu.memory_space<vmem>>
    %dma_start3A_88 = arith.constant 0 : i32
    %dma_start3A_89 = tpu.memref_slice %arg4[%add3A, %dma_start3A_77, %dma_start3A_88] : memref<32x160x64xf32, #tpu.memory_space<hbm>> -> memref<1x1x64xf32, #tpu.memory_space<hbm>>
    %dma_start3A_90 = tpu.memref_squeeze %dma_start3A_89 : memref<1x1x64xf32, #tpu.memory_space<hbm>> -> memref<64xf32, #tpu.memory_space<hbm>>
    tpu.enqueue_dma source(%dma_start3A_90 : memref<64xf32, #tpu.memory_space<hbm>>) target(%dma_start3A_87 : memref<64xf32, #tpu.memory_space<vmem>>) target_semaphore(%arg40 : memref<!tpu.dma_semaphore, #tpu.memory_space<semaphore_mem>>)
    %dma_start3A_91 = arith.constant 2 : i32
    %dma_start3A_92 = arith.constant 2 : i32
    %dma_start3A_93 = arith.constant 0 : i32
    %dma_start3A_94 = arith.constant 0 : i32
    %dma_start3A_95 = tpu.memref_slice %arg7[%dma_start3A_92, %dma_start3A_93, %dma_start3A_94] : memref<10x2x64xi32, #tpu.memory_space<vmem>> -> memref<1x2x64xi32, #tpu.memory_space<vmem>>
    %dma_start3A_96 = tpu.memref_squeeze %dma_start3A_95 : memref<1x2x64xi32, #tpu.memory_space<vmem>> -> memref<2x64xi32, #tpu.memory_space<vmem>>
    %dma_start3A_97 = arith.constant 0 : i32
    %dma_start3A_98 = arith.constant 0 : i32
    %dma_start3A_99 = tpu.memref_slice %arg3[%add3A, %dma_start3A_91, %dma_start3A_97, %dma_start3A_98] : memref<32x160x2x64xi32, #tpu.memory_space<hbm>> -> memref<1x1x2x64xi32, #tpu.memory_space<hbm>>
    %dma_start3A_100 = tpu.memref_squeeze %dma_start3A_99 : memref<1x1x2x64xi32, #tpu.memory_space<hbm>> -> memref<2x64xi32, #tpu.memory_space<hbm>>
    %dma_start3A_101 = arith.constant 0 : i32
    %dma_start3A_102 = arith.constant 0 : i32
    %dma_start3A_103 = tpu.memref_slice %arg7[%dma_start3A_92, %dma_start3A_101, %dma_start3A_102] : memref<10x2x64xi32, #tpu.memory_space<vmem>> -> memref<1x2x64xi32, #tpu.memory_space<vmem>>
    %dma_start3A_104 = tpu.memref_squeeze %dma_start3A_103 : memref<1x2x64xi32, #tpu.memory_space<vmem>> -> memref<2x64xi32, #tpu.memory_space<vmem>>
    %dma_start3A_105 = arith.constant 0 : i32
    %dma_start3A_106 = arith.constant 0 : i32
    %dma_start3A_107 = tpu.memref_slice %arg3[%add3A, %dma_start3A_91, %dma_start3A_105, %dma_start3A_106] : memref<32x160x2x64xi32, #tpu.memory_space<hbm>> -> memref<1x1x2x64xi32, #tpu.memory_space<hbm>>
    %dma_start3A_108 = tpu.memref_squeeze %dma_start3A_107 : memref<1x1x2x64xi32, #tpu.memory_space<hbm>> -> memref<2x64xi32, #tpu.memory_space<hbm>>
    tpu.enqueue_dma source(%dma_start3A_108 : memref<2x64xi32, #tpu.memory_space<hbm>>) target(%dma_start3A_104 : memref<2x64xi32, #tpu.memory_space<vmem>>) target_semaphore(%arg31 : memref<!tpu.dma_semaphore, #tpu.memory_space<semaphore_mem>>)
    %dma_start3A_109 = arith.constant 2 : i32
    %dma_start3A_110 = arith.constant 2 : i32
    %dma_start3A_111 = arith.constant 0 : i32
    %dma_start3A_112 = tpu.memref_slice %arg8[%dma_start3A_110, %dma_start3A_111] : memref<10x64xf32, #tpu.memory_space<vmem>> -> memref<1x64xf32, #tpu.memory_space<vmem>>
    %dma_start3A_113 = tpu.memref_squeeze %dma_start3A_112 : memref<1x64xf32, #tpu.memory_space<vmem>> -> memref<64xf32, #tpu.memory_space<vmem>>
    %dma_start3A_114 = arith.constant 0 : i32
    %dma_start3A_115 = tpu.memref_slice %arg4[%add3A, %dma_start3A_109, %dma_start3A_114] : memref<32x160x64xf32, #tpu.memory_space<hbm>> -> memref<1x1x64xf32, #tpu.memory_space<hbm>>
    %dma_start3A_116 = tpu.memref_squeeze %dma_start3A_115 : memref<1x1x64xf32, #tpu.memory_space<hbm>> -> memref<64xf32, #tpu.memory_space<hbm>>
    %dma_start3A_117 = arith.constant 0 : i32
    %dma_start3A_118 = tpu.memref_slice %arg8[%dma_start3A_110, %dma_start3A_117] : memref<10x64xf32, #tpu.memory_space<vmem>> -> memref<1x64xf32, #tpu.memory_space<vmem>>
    %dma_start3A_119 = tpu.memref_squeeze %dma_start3A_118 : memref<1x64xf32, #tpu.memory_space<vmem>> -> memref<64xf32, #tpu.memory_space<vmem>>
    %dma_start3A_120 = arith.constant 0 : i32
    %dma_start3A_121 = tpu.memref_slice %arg4[%add3A, %dma_start3A_109, %dma_start3A_120] : memref<32x160x64xf32, #tpu.memory_space<hbm>> -> memref<1x1x64xf32, #tpu.memory_space<hbm>>
    %dma_start3A_122 = tpu.memref_squeeze %dma_start3A_121 : memref<1x1x64xf32, #tpu.memory_space<hbm>> -> memref<64xf32, #tpu.memory_space<hbm>>
    tpu.enqueue_dma source(%dma_start3A_122 : memref<64xf32, #tpu.memory_space<hbm>>) target(%dma_start3A_119 : memref<64xf32, #tpu.memory_space<vmem>>) target_semaphore(%arg41 : memref<!tpu.dma_semaphore, #tpu.memory_space<semaphore_mem>>)
    %dma_start3A_123 = arith.constant 3 : i32
    %dma_start3A_124 = arith.constant 3 : i32
    %dma_start3A_125 = arith.constant 0 : i32
    %dma_start3A_126 = arith.constant 0 : i32
    %dma_start3A_127 = tpu.memref_slice %arg7[%dma_start3A_124, %dma_start3A_125, %dma_start3A_126] : memref<10x2x64xi32, #tpu.memory_space<vmem>> -> memref<1x2x64xi32, #tpu.memory_space<vmem>>
    %dma_start3A_128 = tpu.memref_squeeze %dma_start3A_127 : memref<1x2x64xi32, #tpu.memory_space<vmem>> -> memref<2x64xi32, #tpu.memory_space<vmem>>
    %dma_start3A_129 = arith.constant 0 : i32
    %dma_start3A_130 = arith.constant 0 : i32
    %dma_start3A_131 = tpu.memref_slice %arg3[%add3A, %dma_start3A_123, %dma_start3A_129, %dma_start3A_130] : memref<32x160x2x64xi32, #tpu.memory_space<hbm>> -> memref<1x1x2x64xi32, #tpu.memory_space<hbm>>
    %dma_start3A_132 = tpu.memref_squeeze %dma_start3A_131 : memref<1x1x2x64xi32, #tpu.memory_space<hbm>> -> memref<2x64xi32, #tpu.memory_space<hbm>>
    %dma_start3A_133 = arith.constant 0 : i32
    %dma_start3A_134 = arith.constant 0 : i32
    %dma_start3A_135 = tpu.memref_slice %arg7[%dma_start3A_124, %dma_start3A_133, %dma_start3A_134] : memref<10x2x64xi32, #tpu.memory_space<vmem>> -> memref<1x2x64xi32, #tpu.memory_space<vmem>>
    %dma_start3A_136 = tpu.memref_squeeze %dma_start3A_135 : memref<1x2x64xi32, #tpu.memory_space<vmem>> -> memref<2x64xi32, #tpu.memory_space<vmem>>
    %dma_start3A_137 = arith.constant 0 : i32
    %dma_start3A_138 = arith.constant 0 : i32
    %dma_start3A_139 = tpu.memref_slice %arg3[%add3A, %dma_start3A_123, %dma_start3A_137, %dma_start3A_138] : memref<32x160x2x64xi32, #tpu.memory_space<hbm>> -> memref<1x1x2x64xi32, #tpu.memory_space<hbm>>
    %dma_start3A_140 = tpu.memref_squeeze %dma_start3A_139 : memref<1x1x2x64xi32, #tpu.memory_space<hbm>> -> memref<2x64xi32, #tpu.memory_space<hbm>>
    tpu.enqueue_dma source(%dma_start3A_140 : memref<2x64xi32, #tpu.memory_space<hbm>>) target(%dma_start3A_136 : memref<2x64xi32, #tpu.memory_space<vmem>>) target_semaphore(%arg32 : memref<!tpu.dma_semaphore, #tpu.memory_space<semaphore_mem>>)
    %dma_start3A_141 = arith.constant 3 : i32
    %dma_start3A_142 = arith.constant 3 : i32
    %dma_start3A_143 = arith.constant 0 : i32
    %dma_start3A_144 = tpu.memref_slice %arg8[%dma_start3A_142, %dma_start3A_143] : memref<10x64xf32, #tpu.memory_space<vmem>> -> memref<1x64xf32, #tpu.memory_space<vmem>>
    %dma_start3A_145 = tpu.memref_squeeze %dma_start3A_144 : memref<1x64xf32, #tpu.memory_space<vmem>> -> memref<64xf32, #tpu.memory_space<vmem>>
    %dma_start3A_146 = arith.constant 0 : i32
    %dma_start3A_147 = tpu.memref_slice %arg4[%add3A, %dma_start3A_141, %dma_start3A_146] : memref<32x160x64xf32, #tpu.memory_space<hbm>> -> memref<1x1x64xf32, #tpu.memory_space<hbm>>
    %dma_start3A_148 = tpu.memref_squeeze %dma_start3A_147 : memref<1x1x64xf32, #tpu.memory_space<hbm>> -> memref<64xf32, #tpu.memory_space<hbm>>
    %dma_start3A_149 = arith.constant 0 : i32
    %dma_start3A_150 = tpu.memref_slice %arg8[%dma_start3A_142, %dma_start3A_149] : memref<10x64xf32, #tpu.memory_space<vmem>> -> memref<1x64xf32, #tpu.memory_space<vmem>>
    %dma_start3A_151 = tpu.memref_squeeze %dma_start3A_150 : memref<1x64xf32, #tpu.memory_space<vmem>> -> memref<64xf32, #tpu.memory_space<vmem>>
    %dma_start3A_152 = arith.constant 0 : i32
    %dma_start3A_153 = tpu.memref_slice %arg4[%add3A, %dma_start3A_141, %dma_start3A_152] : memref<32x160x64xf32, #tpu.memory_space<hbm>> -> memref<1x1x64xf32, #tpu.memory_space<hbm>>
    %dma_start3A_154 = tpu.memref_squeeze %dma_start3A_153 : memref<1x1x64xf32, #tpu.memory_space<hbm>> -> memref<64xf32, #tpu.memory_space<hbm>>
    tpu.enqueue_dma source(%dma_start3A_154 : memref<64xf32, #tpu.memory_space<hbm>>) target(%dma_start3A_151 : memref<64xf32, #tpu.memory_space<vmem>>) target_semaphore(%arg42 : memref<!tpu.dma_semaphore, #tpu.memory_space<semaphore_mem>>)
    %dma_start3A_155 = arith.constant 4 : i32
    %dma_start3A_156 = arith.constant 4 : i32
    %dma_start3A_157 = arith.constant 0 : i32
    %dma_start3A_158 = arith.constant 0 : i32
    %dma_start3A_159 = tpu.memref_slice %arg7[%dma_start3A_156, %dma_start3A_157, %dma_start3A_158] : memref<10x2x64xi32, #tpu.memory_space<vmem>> -> memref<1x2x64xi32, #tpu.memory_space<vmem>>
    %dma_start3A_160 = tpu.memref_squeeze %dma_start3A_159 : memref<1x2x64xi32, #tpu.memory_space<vmem>> -> memref<2x64xi32, #tpu.memory_space<vmem>>
    %dma_start3A_161 = arith.constant 0 : i32
    %dma_start3A_162 = arith.constant 0 : i32
    %dma_start3A_163 = tpu.memref_slice %arg3[%add3A, %dma_start3A_155, %dma_start3A_161, %dma_start3A_162] : memref<32x160x2x64xi32, #tpu.memory_space<hbm>> -> memref<1x1x2x64xi32, #tpu.memory_space<hbm>>
    %dma_start3A_164 = tpu.memref_squeeze %dma_start3A_163 : memref<1x1x2x64xi32, #tpu.memory_space<hbm>> -> memref<2x64xi32, #tpu.memory_space<hbm>>
    %dma_start3A_165 = arith.constant 0 : i32
    %dma_start3A_166 = arith.constant 0 : i32
    %dma_start3A_167 = tpu.memref_slice %arg7[%dma_start3A_156, %dma_start3A_165, %dma_start3A_166] : memref<10x2x64xi32, #tpu.memory_space<vmem>> -> memref<1x2x64xi32, #tpu.memory_space<vmem>>
    %dma_start3A_168 = tpu.memref_squeeze %dma_start3A_167 : memref<1x2x64xi32, #tpu.memory_space<vmem>> -> memref<2x64xi32, #tpu.memory_space<vmem>>
    %dma_start3A_169 = arith.constant 0 : i32
    %dma_start3A_170 = arith.constant 0 : i32
    %dma_start3A_171 = tpu.memref_slice %arg3[%add3A, %dma_start3A_155, %dma_start3A_169, %dma_start3A_170] : memref<32x160x2x64xi32, #tpu.memory_space<hbm>> -> memref<1x1x2x64xi32, #tpu.memory_space<hbm>>
    %dma_start3A_172 = tpu.memref_squeeze %dma_start3A_171 : memref<1x1x2x64xi32, #tpu.memory_space<hbm>> -> memref<2x64xi32, #tpu.memory_space<hbm>>
    tpu.enqueue_dma source(%dma_start3A_172 : memref<2x64xi32, #tpu.memory_space<hbm>>) target(%dma_start3A_168 : memref<2x64xi32, #tpu.memory_space<vmem>>) target_semaphore(%arg33 : memref<!tpu.dma_semaphore, #tpu.memory_space<semaphore_mem>>)
    %dma_start3A_173 = arith.constant 4 : i32
    %dma_start3A_174 = arith.constant 4 : i32
    %dma_start3A_175 = arith.constant 0 : i32
    %dma_start3A_176 = tpu.memref_slice %arg8[%dma_start3A_174, %dma_start3A_175] : memref<10x64xf32, #tpu.memory_space<vmem>> -> memref<1x64xf32, #tpu.memory_space<vmem>>
    %dma_start3A_177 = tpu.memref_squeeze %dma_start3A_176 : memref<1x64xf32, #tpu.memory_space<vmem>> -> memref<64xf32, #tpu.memory_space<vmem>>
    %dma_start3A_178 = arith.constant 0 : i32
    %dma_start3A_179 = tpu.memref_slice %arg4[%add3A, %dma_start3A_173, %dma_start3A_178] : memref<32x160x64xf32, #tpu.memory_space<hbm>> -> memref<1x1x64xf32, #tpu.memory_space<hbm>>
    %dma_start3A_180 = tpu.memref_squeeze %dma_start3A_179 : memref<1x1x64xf32, #tpu.memory_space<hbm>> -> memref<64xf32, #tpu.memory_space<hbm>>
    %dma_start3A_181 = arith.constant 0 : i32
    %dma_start3A_182 = tpu.memref_slice %arg8[%dma_start3A_174, %dma_start3A_181] : memref<10x64xf32, #tpu.memory_space<vmem>> -> memref<1x64xf32, #tpu.memory_space<vmem>>
    %dma_start3A_183 = tpu.memref_squeeze %dma_start3A_182 : memref<1x64xf32, #tpu.memory_space<vmem>> -> memref<64xf32, #tpu.memory_space<vmem>>
    %dma_start3A_184 = arith.constant 0 : i32
    %dma_start3A_185 = tpu.memref_slice %arg4[%add3A, %dma_start3A_173, %dma_start3A_184] : memref<32x160x64xf32, #tpu.memory_space<hbm>> -> memref<1x1x64xf32, #tpu.memory_space<hbm>>
    %dma_start3A_186 = tpu.memref_squeeze %dma_start3A_185 : memref<1x1x64xf32, #tpu.memory_space<hbm>> -> memref<64xf32, #tpu.memory_space<hbm>>
    tpu.enqueue_dma source(%dma_start3A_186 : memref<64xf32, #tpu.memory_space<hbm>>) target(%dma_start3A_183 : memref<64xf32, #tpu.memory_space<vmem>>) target_semaphore(%arg43 : memref<!tpu.dma_semaphore, #tpu.memory_space<semaphore_mem>>)
    %dma_start3A_187 = arith.constant 5 : i32
    %dma_start3A_188 = arith.constant 5 : i32
    %dma_start3A_189 = arith.constant 0 : i32
    %dma_start3A_190 = arith.constant 0 : i32
    %dma_start3A_191 = tpu.memref_slice %arg7[%dma_start3A_188, %dma_start3A_189, %dma_start3A_190] : memref<10x2x64xi32, #tpu.memory_space<vmem>> -> memref<1x2x64xi32, #tpu.memory_space<vmem>>
    %dma_start3A_192 = tpu.memref_squeeze %dma_start3A_191 : memref<1x2x64xi32, #tpu.memory_space<vmem>> -> memref<2x64xi32, #tpu.memory_space<vmem>>
    %dma_start3A_193 = arith.constant 0 : i32
    %dma_start3A_194 = arith.constant 0 : i32
    %dma_start3A_195 = tpu.memref_slice %arg3[%add3A, %dma_start3A_187, %dma_start3A_193, %dma_start3A_194] : memref<32x160x2x64xi32, #tpu.memory_space<hbm>> -> memref<1x1x2x64xi32, #tpu.memory_space<hbm>>
    %dma_start3A_196 = tpu.memref_squeeze %dma_start3A_195 : memref<1x1x2x64xi32, #tpu.memory_space<hbm>> -> memref<2x64xi32, #tpu.memory_space<hbm>>
    %dma_start3A_197 = arith.constant 0 : i32
    %dma_start3A_198 = arith.constant 0 : i32
    %dma_start3A_199 = tpu.memref_slice %arg7[%dma_start3A_188, %dma_start3A_197, %dma_start3A_198] : memref<10x2x64xi32, #tpu.memory_space<vmem>> -> memref<1x2x64xi32, #tpu.memory_space<vmem>>
    %dma_start3A_200 = tpu.memref_squeeze %dma_start3A_199 : memref<1x2x64xi32, #tpu.memory_space<vmem>> -> memref<2x64xi32, #tpu.memory_space<vmem>>
    %dma_start3A_201 = arith.constant 0 : i32
    %dma_start3A_202 = arith.constant 0 : i32
    %dma_start3A_203 = tpu.memref_slice %arg3[%add3A, %dma_start3A_187, %dma_start3A_201, %dma_start3A_202] : memref<32x160x2x64xi32, #tpu.memory_space<hbm>> -> memref<1x1x2x64xi32, #tpu.memory_space<hbm>>
    %dma_start3A_204 = tpu.memref_squeeze %dma_start3A_203 : memref<1x1x2x64xi32, #tpu.memory_space<hbm>> -> memref<2x64xi32, #tpu.memory_space<hbm>>
    tpu.enqueue_dma source(%dma_start3A_204 : memref<2x64xi32, #tpu.memory_space<hbm>>) target(%dma_start3A_200 : memref<2x64xi32, #tpu.memory_space<vmem>>) target_semaphore(%arg34 : memref<!tpu.dma_semaphore, #tpu.memory_space<semaphore_mem>>)
    %dma_start3A_205 = arith.constant 5 : i32
    %dma_start3A_206 = arith.constant 5 : i32
    %dma_start3A_207 = arith.constant 0 : i32
    %dma_start3A_208 = tpu.memref_slice %arg8[%dma_start3A_206, %dma_start3A_207] : memref<10x64xf32, #tpu.memory_space<vmem>> -> memref<1x64xf32, #tpu.memory_space<vmem>>
    %dma_start3A_209 = tpu.memref_squeeze %dma_start3A_208 : memref<1x64xf32, #tpu.memory_space<vmem>> -> memref<64xf32, #tpu.memory_space<vmem>>
    %dma_start3A_210 = arith.constant 0 : i32
    %dma_start3A_211 = tpu.memref_slice %arg4[%add3A, %dma_start3A_205, %dma_start3A_210] : memref<32x160x64xf32, #tpu.memory_space<hbm>> -> memref<1x1x64xf32, #tpu.memory_space<hbm>>
    %dma_start3A_212 = tpu.memref_squeeze %dma_start3A_211 : memref<1x1x64xf32, #tpu.memory_space<hbm>> -> memref<64xf32, #tpu.memory_space<hbm>>
    %dma_start3A_213 = arith.constant 0 : i32
    %dma_start3A_214 = tpu.memref_slice %arg8[%dma_start3A_206, %dma_start3A_213] : memref<10x64xf32, #tpu.memory_space<vmem>> -> memref<1x64xf32, #tpu.memory_space<vmem>>
    %dma_start3A_215 = tpu.memref_squeeze %dma_start3A_214 : memref<1x64xf32, #tpu.memory_space<vmem>> -> memref<64xf32, #tpu.memory_space<vmem>>
    %dma_start3A_216 = arith.constant 0 : i32
    %dma_start3A_217 = tpu.memref_slice %arg4[%add3A, %dma_start3A_205, %dma_start3A_216] : memref<32x160x64xf32, #tpu.memory_space<hbm>> -> memref<1x1x64xf32, #tpu.memory_space<hbm>>
    %dma_start3A_218 = tpu.memref_squeeze %dma_start3A_217 : memref<1x1x64xf32, #tpu.memory_space<hbm>> -> memref<64xf32, #tpu.memory_space<hbm>>
    tpu.enqueue_dma source(%dma_start3A_218 : memref<64xf32, #tpu.memory_space<hbm>>) target(%dma_start3A_215 : memref<64xf32, #tpu.memory_space<vmem>>) target_semaphore(%arg44 : memref<!tpu.dma_semaphore, #tpu.memory_space<semaphore_mem>>)
    %dma_start3A_219 = arith.constant 6 : i32
    %dma_start3A_220 = arith.constant 6 : i32
    %dma_start3A_221 = arith.constant 0 : i32
    %dma_start3A_222 = arith.constant 0 : i32
    %dma_start3A_223 = tpu.memref_slice %arg7[%dma_start3A_220, %dma_start3A_221, %dma_start3A_222] : memref<10x2x64xi32, #tpu.memory_space<vmem>> -> memref<1x2x64xi32, #tpu.memory_space<vmem>>
    %dma_start3A_224 = tpu.memref_squeeze %dma_start3A_223 : memref<1x2x64xi32, #tpu.memory_space<vmem>> -> memref<2x64xi32, #tpu.memory_space<vmem>>
    %dma_start3A_225 = arith.constant 0 : i32
    %dma_start3A_226 = arith.constant 0 : i32
    %dma_start3A_227 = tpu.memref_slice %arg3[%add3A, %dma_start3A_219, %dma_start3A_225, %dma_start3A_226] : memref<32x160x2x64xi32, #tpu.memory_space<hbm>> -> memref<1x1x2x64xi32, #tpu.memory_space<hbm>>
    %dma_start3A_228 = tpu.memref_squeeze %dma_start3A_227 : memref<1x1x2x64xi32, #tpu.memory_space<hbm>> -> memref<2x64xi32, #tpu.memory_space<hbm>>
    %dma_start3A_229 = arith.constant 0 : i32
    %dma_start3A_230 = arith.constant 0 : i32
    %dma_start3A_231 = tpu.memref_slice %arg7[%dma_start3A_220, %dma_start3A_229, %dma_start3A_230] : memref<10x2x64xi32, #tpu.memory_space<vmem>> -> memref<1x2x64xi32, #tpu.memory_space<vmem>>
    %dma_start3A_232 = tpu.memref_squeeze %dma_start3A_231 : memref<1x2x64xi32, #tpu.memory_space<vmem>> -> memref<2x64xi32, #tpu.memory_space<vmem>>
    %dma_start3A_233 = arith.constant 0 : i32
    %dma_start3A_234 = arith.constant 0 : i32
    %dma_start3A_235 = tpu.memref_slice %arg3[%add3A, %dma_start3A_219, %dma_start3A_233, %dma_start3A_234] : memref<32x160x2x64xi32, #tpu.memory_space<hbm>> -> memref<1x1x2x64xi32, #tpu.memory_space<hbm>>
    %dma_start3A_236 = tpu.memref_squeeze %dma_start3A_235 : memref<1x1x2x64xi32, #tpu.memory_space<hbm>> -> memref<2x64xi32, #tpu.memory_space<hbm>>
    tpu.enqueue_dma source(%dma_start3A_236 : memref<2x64xi32, #tpu.memory_space<hbm>>) target(%dma_start3A_232 : memref<2x64xi32, #tpu.memory_space<vmem>>) target_semaphore(%arg35 : memref<!tpu.dma_semaphore, #tpu.memory_space<semaphore_mem>>)
    %dma_start3A_237 = arith.constant 6 : i32
    %dma_start3A_238 = arith.constant 6 : i32
    %dma_start3A_239 = arith.constant 0 : i32
    %dma_start3A_240 = tpu.memref_slice %arg8[%dma_start3A_238, %dma_start3A_239] : memref<10x64xf32, #tpu.memory_space<vmem>> -> memref<1x64xf32, #tpu.memory_space<vmem>>
    %dma_start3A_241 = tpu.memref_squeeze %dma_start3A_240 : memref<1x64xf32, #tpu.memory_space<vmem>> -> memref<64xf32, #tpu.memory_space<vmem>>
    %dma_start3A_242 = arith.constant 0 : i32
    %dma_start3A_243 = tpu.memref_slice %arg4[%add3A, %dma_start3A_237, %dma_start3A_242] : memref<32x160x64xf32, #tpu.memory_space<hbm>> -> memref<1x1x64xf32, #tpu.memory_space<hbm>>
    %dma_start3A_244 = tpu.memref_squeeze %dma_start3A_243 : memref<1x1x64xf32, #tpu.memory_space<hbm>> -> memref<64xf32, #tpu.memory_space<hbm>>
    %dma_start3A_245 = arith.constant 0 : i32
    %dma_start3A_246 = tpu.memref_slice %arg8[%dma_start3A_238, %dma_start3A_245] : memref<10x64xf32, #tpu.memory_space<vmem>> -> memref<1x64xf32, #tpu.memory_space<vmem>>
    %dma_start3A_247 = tpu.memref_squeeze %dma_start3A_246 : memref<1x64xf32, #tpu.memory_space<vmem>> -> memref<64xf32, #tpu.memory_space<vmem>>
    %dma_start3A_248 = arith.constant 0 : i32
    %dma_start3A_249 = tpu.memref_slice %arg4[%add3A, %dma_start3A_237, %dma_start3A_248] : memref<32x160x64xf32, #tpu.memory_space<hbm>> -> memref<1x1x64xf32, #tpu.memory_space<hbm>>
    %dma_start3A_250 = tpu.memref_squeeze %dma_start3A_249 : memref<1x1x64xf32, #tpu.memory_space<hbm>> -> memref<64xf32, #tpu.memory_space<hbm>>
    tpu.enqueue_dma source(%dma_start3A_250 : memref<64xf32, #tpu.memory_space<hbm>>) target(%dma_start3A_247 : memref<64xf32, #tpu.memory_space<vmem>>) target_semaphore(%arg45 : memref<!tpu.dma_semaphore, #tpu.memory_space<semaphore_mem>>)
    %dma_start3A_251 = arith.constant 7 : i32
    %dma_start3A_252 = arith.constant 7 : i32
    %dma_start3A_253 = arith.constant 0 : i32
    %dma_start3A_254 = arith.constant 0 : i32
    %dma_start3A_255 = tpu.memref_slice %arg7[%dma_start3A_252, %dma_start3A_253, %dma_start3A_254] : memref<10x2x64xi32, #tpu.memory_space<vmem>> -> memref<1x2x64xi32, #tpu.memory_space<vmem>>
    %dma_start3A_256 = tpu.memref_squeeze %dma_start3A_255 : memref<1x2x64xi32, #tpu.memory_space<vmem>> -> memref<2x64xi32, #tpu.memory_space<vmem>>
    %dma_start3A_257 = arith.constant 0 : i32
    %dma_start3A_258 = arith.constant 0 : i32
    %dma_start3A_259 = tpu.memref_slice %arg3[%add3A, %dma_start3A_251, %dma_start3A_257, %dma_start3A_258] : memref<32x160x2x64xi32, #tpu.memory_space<hbm>> -> memref<1x1x2x64xi32, #tpu.memory_space<hbm>>
    %dma_start3A_260 = tpu.memref_squeeze %dma_start3A_259 : memref<1x1x2x64xi32, #tpu.memory_space<hbm>> -> memref<2x64xi32, #tpu.memory_space<hbm>>
    %dma_start3A_261 = arith.constant 0 : i32
    %dma_start3A_262 = arith.constant 0 : i32
    %dma_start3A_263 = tpu.memref_slice %arg7[%dma_start3A_252, %dma_start3A_261, %dma_start3A_262] : memref<10x2x64xi32, #tpu.memory_space<vmem>> -> memref<1x2x64xi32, #tpu.memory_space<vmem>>
    %dma_start3A_264 = tpu.memref_squeeze %dma_start3A_263 : memref<1x2x64xi32, #tpu.memory_space<vmem>> -> memref<2x64xi32, #tpu.memory_space<vmem>>
    %dma_start3A_265 = arith.constant 0 : i32
    %dma_start3A_266 = arith.constant 0 : i32
    %dma_start3A_267 = tpu.memref_slice %arg3[%add3A, %dma_start3A_251, %dma_start3A_265, %dma_start3A_266] : memref<32x160x2x64xi32, #tpu.memory_space<hbm>> -> memref<1x1x2x64xi32, #tpu.memory_space<hbm>>
    %dma_start3A_268 = tpu.memref_squeeze %dma_start3A_267 : memref<1x1x2x64xi32, #tpu.memory_space<hbm>> -> memref<2x64xi32, #tpu.memory_space<hbm>>
    tpu.enqueue_dma source(%dma_start3A_268 : memref<2x64xi32, #tpu.memory_space<hbm>>) target(%dma_start3A_264 : memref<2x64xi32, #tpu.memory_space<vmem>>) target_semaphore(%arg36 : memref<!tpu.dma_semaphore, #tpu.memory_space<semaphore_mem>>)
    %dma_start3A_269 = arith.constant 7 : i32
    %dma_start3A_270 = arith.constant 7 : i32
    %dma_start3A_271 = arith.constant 0 : i32
    %dma_start3A_272 = tpu.memref_slice %arg8[%dma_start3A_270, %dma_start3A_271] : memref<10x64xf32, #tpu.memory_space<vmem>> -> memref<1x64xf32, #tpu.memory_space<vmem>>
    %dma_start3A_273 = tpu.memref_squeeze %dma_start3A_272 : memref<1x64xf32, #tpu.memory_space<vmem>> -> memref<64xf32, #tpu.memory_space<vmem>>
    %dma_start3A_274 = arith.constant 0 : i32
    %dma_start3A_275 = tpu.memref_slice %arg4[%add3A, %dma_start3A_269, %dma_start3A_274] : memref<32x160x64xf32, #tpu.memory_space<hbm>> -> memref<1x1x64xf32, #tpu.memory_space<hbm>>
    %dma_start3A_276 = tpu.memref_squeeze %dma_start3A_275 : memref<1x1x64xf32, #tpu.memory_space<hbm>> -> memref<64xf32, #tpu.memory_space<hbm>>
    %dma_start3A_277 = arith.constant 0 : i32
    %dma_start3A_278 = tpu.memref_slice %arg8[%dma_start3A_270, %dma_start3A_277] : memref<10x64xf32, #tpu.memory_space<vmem>> -> memref<1x64xf32, #tpu.memory_space<vmem>>
    %dma_start3A_279 = tpu.memref_squeeze %dma_start3A_278 : memref<1x64xf32, #tpu.memory_space<vmem>> -> memref<64xf32, #tpu.memory_space<vmem>>
    %dma_start3A_280 = arith.constant 0 : i32
    %dma_start3A_281 = tpu.memref_slice %arg4[%add3A, %dma_start3A_269, %dma_start3A_280] : memref<32x160x64xf32, #tpu.memory_space<hbm>> -> memref<1x1x64xf32, #tpu.memory_space<hbm>>
    %dma_start3A_282 = tpu.memref_squeeze %dma_start3A_281 : memref<1x1x64xf32, #tpu.memory_space<hbm>> -> memref<64xf32, #tpu.memory_space<hbm>>
    tpu.enqueue_dma source(%dma_start3A_282 : memref<64xf32, #tpu.memory_space<hbm>>) target(%dma_start3A_279 : memref<64xf32, #tpu.memory_space<vmem>>) target_semaphore(%arg46 : memref<!tpu.dma_semaphore, #tpu.memory_space<semaphore_mem>>)
    %dma_wait3A = arith.constant 0 : i32
    %dma_wait3A_283 = arith.constant 0 : i32
    %dma_wait3A_284 = arith.constant 0 : i32
    %dma_wait3A_285 = arith.constant 0 : i32
    %dma_wait3A_286 = tpu.memref_slice %arg7[%dma_wait3A_283, %dma_wait3A_284, %dma_wait3A_285] : memref<10x2x64xi32, #tpu.memory_space<vmem>> -> memref<1x2x64xi32, #tpu.memory_space<vmem>>
    %dma_wait3A_287 = tpu.memref_squeeze %dma_wait3A_286 : memref<1x2x64xi32, #tpu.memory_space<vmem>> -> memref<2x64xi32, #tpu.memory_space<vmem>>
    %dma_wait3A_288 = arith.constant 0 : i32
    %dma_wait3A_289 = arith.constant 0 : i32
    %dma_wait3A_290 = tpu.memref_slice %arg3[%add3A, %dma_wait3A, %dma_wait3A_288, %dma_wait3A_289] : memref<32x160x2x64xi32, #tpu.memory_space<hbm>> -> memref<1x1x2x64xi32, #tpu.memory_space<hbm>>
    %dma_wait3A_291 = tpu.memref_squeeze %dma_wait3A_290 : memref<1x1x2x64xi32, #tpu.memory_space<hbm>> -> memref<2x64xi32, #tpu.memory_space<hbm>>
    %dma_wait3A_292 = arith.constant 0 : i32
    %dma_wait3A_293 = arith.constant 0 : i32
    %dma_wait3A_294 = tpu.memref_slice %arg7[%dma_wait3A_283, %dma_wait3A_292, %dma_wait3A_293] : memref<10x2x64xi32, #tpu.memory_space<vmem>> -> memref<1x2x64xi32, #tpu.memory_space<vmem>>
    %dma_wait3A_295 = tpu.memref_squeeze %dma_wait3A_294 : memref<1x2x64xi32, #tpu.memory_space<vmem>> -> memref<2x64xi32, #tpu.memory_space<vmem>>
    %dma_wait3A_296 = arith.constant 0 : i32
    %dma_wait3A_297 = arith.constant 0 : i32
    %dma_wait3A_298 = tpu.memref_slice %arg3[%add3A, %dma_wait3A, %dma_wait3A_296, %dma_wait3A_297] : memref<32x160x2x64xi32, #tpu.memory_space<hbm>> -> memref<1x1x2x64xi32, #tpu.memory_space<hbm>>
    %dma_wait3A_299 = tpu.memref_squeeze %dma_wait3A_298 : memref<1x1x2x64xi32, #tpu.memory_space<hbm>> -> memref<2x64xi32, #tpu.memory_space<hbm>>
    tpu.wait_dma2 semaphore(%arg29 : memref<!tpu.dma_semaphore, #tpu.memory_space<semaphore_mem>>) src(%dma_wait3A_299 : memref<2x64xi32, #tpu.memory_space<hbm>>) dst(%dma_wait3A_295 : memref<2x64xi32, #tpu.memory_space<vmem>>)
    %dma_wait3A_300 = arith.constant 0 : i32
    %dma_wait3A_301 = arith.constant 0 : i32
    %dma_wait3A_302 = arith.constant 0 : i32
    %dma_wait3A_303 = tpu.memref_slice %arg8[%dma_wait3A_301, %dma_wait3A_302] : memref<10x64xf32, #tpu.memory_space<vmem>> -> memref<1x64xf32, #tpu.memory_space<vmem>>
    %dma_wait3A_304 = tpu.memref_squeeze %dma_wait3A_303 : memref<1x64xf32, #tpu.memory_space<vmem>> -> memref<64xf32, #tpu.memory_space<vmem>>
    %dma_wait3A_305 = arith.constant 0 : i32
    %dma_wait3A_306 = tpu.memref_slice %arg4[%add3A, %dma_wait3A_300, %dma_wait3A_305] : memref<32x160x64xf32, #tpu.memory_space<hbm>> -> memref<1x1x64xf32, #tpu.memory_space<hbm>>
    %dma_wait3A_307 = tpu.memref_squeeze %dma_wait3A_306 : memref<1x1x64xf32, #tpu.memory_space<hbm>> -> memref<64xf32, #tpu.memory_space<hbm>>
    %dma_wait3A_308 = arith.constant 0 : i32
    %dma_wait3A_309 = tpu.memref_slice %arg8[%dma_wait3A_301, %dma_wait3A_308] : memref<10x64xf32, #tpu.memory_space<vmem>> -> memref<1x64xf32, #tpu.memory_space<vmem>>
    %dma_wait3A_310 = tpu.memref_squeeze %dma_wait3A_309 : memref<1x64xf32, #tpu.memory_space<vmem>> -> memref<64xf32, #tpu.memory_space<vmem>>
    %dma_wait3A_311 = arith.constant 0 : i32
    %dma_wait3A_312 = tpu.memref_slice %arg4[%add3A, %dma_wait3A_300, %dma_wait3A_311] : memref<32x160x64xf32, #tpu.memory_space<hbm>> -> memref<1x1x64xf32, #tpu.memory_space<hbm>>
    %dma_wait3A_313 = tpu.memref_squeeze %dma_wait3A_312 : memref<1x1x64xf32, #tpu.memory_space<hbm>> -> memref<64xf32, #tpu.memory_space<hbm>>
    tpu.wait_dma2 semaphore(%arg39 : memref<!tpu.dma_semaphore, #tpu.memory_space<semaphore_mem>>) src(%dma_wait3A_313 : memref<64xf32, #tpu.memory_space<hbm>>) dst(%dma_wait3A_310 : memref<64xf32, #tpu.memory_space<vmem>>)
    %dma_start3A_314 = arith.constant 0 : i32
    %dma_start3A_315 = arith.constant 1 : i32
    %dma_start3A_316 = arith.constant 0 : i32
    %dma_start3A_317 = tpu.memref_slice %arg7[%dma_start3A_314, %dma_start3A_315, %dma_start3A_316] : memref<10x2x64xi32, #tpu.memory_space<vmem>> -> memref<1x1x64xi32, #tpu.memory_space<vmem>>
    %dma_start3A_318 = tpu.memref_squeeze %dma_start3A_317 : memref<1x1x64xi32, #tpu.memory_space<vmem>> -> memref<64xi32, #tpu.memory_space<vmem>>
    %dma_start3A_319 = arith.constant 0 : i32
    %dma_start3A_320 = arith.constant 0 : i32
    %dma_start3A_321 = tpu.memref_slice %arg2[%dma_start3A_319, %dma_start3A_320] : memref<10000x128xf32, #tpu.memory_space<hbm>> -> memref<10000x128xf32, #tpu.memory_space<hbm>>
    tpu.enqueue_indirect_dma source(%dma_start3A_321 : memref<10000x128xf32, #tpu.memory_space<hbm>>) target(%arg14 : memref<64x128xf32, #tpu.memory_space<vmem>>) offsets(%dma_start3A_318 : memref<64xi32, #tpu.memory_space<vmem>>) semaphore(%arg19 : memref<!tpu.dma_semaphore, #tpu.memory_space<semaphore_mem>>)
    %dma_wait3A_322 = arith.constant 1 : i32
    %dma_wait3A_323 = arith.constant 1 : i32
    %dma_wait3A_324 = arith.constant 0 : i32
    %dma_wait3A_325 = arith.constant 0 : i32
    %dma_wait3A_326 = tpu.memref_slice %arg7[%dma_wait3A_323, %dma_wait3A_324, %dma_wait3A_325] : memref<10x2x64xi32, #tpu.memory_space<vmem>> -> memref<1x2x64xi32, #tpu.memory_space<vmem>>
    %dma_wait3A_327 = tpu.memref_squeeze %dma_wait3A_326 : memref<1x2x64xi32, #tpu.memory_space<vmem>> -> memref<2x64xi32, #tpu.memory_space<vmem>>
    %dma_wait3A_328 = arith.constant 0 : i32
    %dma_wait3A_329 = arith.constant 0 : i32
    %dma_wait3A_330 = tpu.memref_slice %arg3[%add3A, %dma_wait3A_322, %dma_wait3A_328, %dma_wait3A_329] : memref<32x160x2x64xi32, #tpu.memory_space<hbm>> -> memref<1x1x2x64xi32, #tpu.memory_space<hbm>>
    %dma_wait3A_331 = tpu.memref_squeeze %dma_wait3A_330 : memref<1x1x2x64xi32, #tpu.memory_space<hbm>> -> memref<2x64xi32, #tpu.memory_space<hbm>>
    %dma_wait3A_332 = arith.constant 0 : i32
    %dma_wait3A_333 = arith.constant 0 : i32
    %dma_wait3A_334 = tpu.memref_slice %arg7[%dma_wait3A_323, %dma_wait3A_332, %dma_wait3A_333] : memref<10x2x64xi32, #tpu.memory_space<vmem>> -> memref<1x2x64xi32, #tpu.memory_space<vmem>>
    %dma_wait3A_335 = tpu.memref_squeeze %dma_wait3A_334 : memref<1x2x64xi32, #tpu.memory_space<vmem>> -> memref<2x64xi32, #tpu.memory_space<vmem>>
    %dma_wait3A_336 = arith.constant 0 : i32
    %dma_wait3A_337 = arith.constant 0 : i32
    %dma_wait3A_338 = tpu.memref_slice %arg3[%add3A, %dma_wait3A_322, %dma_wait3A_336, %dma_wait3A_337] : memref<32x160x2x64xi32, #tpu.memory_space<hbm>> -> memref<1x1x2x64xi32, #tpu.memory_space<hbm>>
    %dma_wait3A_339 = tpu.memref_squeeze %dma_wait3A_338 : memref<1x1x2x64xi32, #tpu.memory_space<hbm>> -> memref<2x64xi32, #tpu.memory_space<hbm>>
    tpu.wait_dma2 semaphore(%arg30 : memref<!tpu.dma_semaphore, #tpu.memory_space<semaphore_mem>>) src(%dma_wait3A_339 : memref<2x64xi32, #tpu.memory_space<hbm>>) dst(%dma_wait3A_335 : memref<2x64xi32, #tpu.memory_space<vmem>>)
    %dma_wait3A_340 = arith.constant 1 : i32
    %dma_wait3A_341 = arith.constant 1 : i32
    %dma_wait3A_342 = arith.constant 0 : i32
    %dma_wait3A_343 = tpu.memref_slice %arg8[%dma_wait3A_341, %dma_wait3A_342] : memref<10x64xf32, #tpu.memory_space<vmem>> -> memref<1x64xf32, #tpu.memory_space<vmem>>
    %dma_wait3A_344 = tpu.memref_squeeze %dma_wait3A_343 : memref<1x64xf32, #tpu.memory_space<vmem>> -> memref<64xf32, #tpu.memory_space<vmem>>
    %dma_wait3A_345 = arith.constant 0 : i32
    %dma_wait3A_346 = tpu.memref_slice %arg4[%add3A, %dma_wait3A_340, %dma_wait3A_345] : memref<32x160x64xf32, #tpu.memory_space<hbm>> -> memref<1x1x64xf32, #tpu.memory_space<hbm>>
    %dma_wait3A_347 = tpu.memref_squeeze %dma_wait3A_346 : memref<1x1x64xf32, #tpu.memory_space<hbm>> -> memref<64xf32, #tpu.memory_space<hbm>>
    %dma_wait3A_348 = arith.constant 0 : i32
    %dma_wait3A_349 = tpu.memref_slice %arg8[%dma_wait3A_341, %dma_wait3A_348] : memref<10x64xf32, #tpu.memory_space<vmem>> -> memref<1x64xf32, #tpu.memory_space<vmem>>
    %dma_wait3A_350 = tpu.memref_squeeze %dma_wait3A_349 : memref<1x64xf32, #tpu.memory_space<vmem>> -> memref<64xf32, #tpu.memory_space<vmem>>
    %dma_wait3A_351 = arith.constant 0 : i32
    %dma_wait3A_352 = tpu.memref_slice %arg4[%add3A, %dma_wait3A_340, %dma_wait3A_351] : memref<32x160x64xf32, #tpu.memory_space<hbm>> -> memref<1x1x64xf32, #tpu.memory_space<hbm>>
    %dma_wait3A_353 = tpu.memref_squeeze %dma_wait3A_352 : memref<1x1x64xf32, #tpu.memory_space<hbm>> -> memref<64xf32, #tpu.memory_space<hbm>>
    tpu.wait_dma2 semaphore(%arg40 : memref<!tpu.dma_semaphore, #tpu.memory_space<semaphore_mem>>) src(%dma_wait3A_353 : memref<64xf32, #tpu.memory_space<hbm>>) dst(%dma_wait3A_350 : memref<64xf32, #tpu.memory_space<vmem>>)
    %dma_start3A_354 = arith.constant 1 : i32
    %dma_start3A_355 = arith.constant 1 : i32
    %dma_start3A_356 = arith.constant 0 : i32
    %dma_start3A_357 = tpu.memref_slice %arg7[%dma_start3A_354, %dma_start3A_355, %dma_start3A_356] : memref<10x2x64xi32, #tpu.memory_space<vmem>> -> memref<1x1x64xi32, #tpu.memory_space<vmem>>
    %dma_start3A_358 = tpu.memref_squeeze %dma_start3A_357 : memref<1x1x64xi32, #tpu.memory_space<vmem>> -> memref<64xi32, #tpu.memory_space<vmem>>
    %dma_start3A_359 = arith.constant 0 : i32
    %dma_start3A_360 = arith.constant 0 : i32
    %dma_start3A_361 = tpu.memref_slice %arg2[%dma_start3A_359, %dma_start3A_360] : memref<10000x128xf32, #tpu.memory_space<hbm>> -> memref<10000x128xf32, #tpu.memory_space<hbm>>
    tpu.enqueue_indirect_dma source(%dma_start3A_361 : memref<10000x128xf32, #tpu.memory_space<hbm>>) target(%arg15 : memref<64x128xf32, #tpu.memory_space<vmem>>) offsets(%dma_start3A_358 : memref<64xi32, #tpu.memory_space<vmem>>) semaphore(%arg20 : memref<!tpu.dma_semaphore, #tpu.memory_space<semaphore_mem>>)
    %dma_wait3A_362 = arith.constant 2 : i32
    %dma_wait3A_363 = arith.constant 2 : i32
    %dma_wait3A_364 = arith.constant 0 : i32
    %dma_wait3A_365 = arith.constant 0 : i32
    %dma_wait3A_366 = tpu.memref_slice %arg7[%dma_wait3A_363, %dma_wait3A_364, %dma_wait3A_365] : memref<10x2x64xi32, #tpu.memory_space<vmem>> -> memref<1x2x64xi32, #tpu.memory_space<vmem>>
    %dma_wait3A_367 = tpu.memref_squeeze %dma_wait3A_366 : memref<1x2x64xi32, #tpu.memory_space<vmem>> -> memref<2x64xi32, #tpu.memory_space<vmem>>
    %dma_wait3A_368 = arith.constant 0 : i32
    %dma_wait3A_369 = arith.constant 0 : i32
    %dma_wait3A_370 = tpu.memref_slice %arg3[%add3A, %dma_wait3A_362, %dma_wait3A_368, %dma_wait3A_369] : memref<32x160x2x64xi32, #tpu.memory_space<hbm>> -> memref<1x1x2x64xi32, #tpu.memory_space<hbm>>
    %dma_wait3A_371 = tpu.memref_squeeze %dma_wait3A_370 : memref<1x1x2x64xi32, #tpu.memory_space<hbm>> -> memref<2x64xi32, #tpu.memory_space<hbm>>
    %dma_wait3A_372 = arith.constant 0 : i32
    %dma_wait3A_373 = arith.constant 0 : i32
    %dma_wait3A_374 = tpu.memref_slice %arg7[%dma_wait3A_363, %dma_wait3A_372, %dma_wait3A_373] : memref<10x2x64xi32, #tpu.memory_space<vmem>> -> memref<1x2x64xi32, #tpu.memory_space<vmem>>
    %dma_wait3A_375 = tpu.memref_squeeze %dma_wait3A_374 : memref<1x2x64xi32, #tpu.memory_space<vmem>> -> memref<2x64xi32, #tpu.memory_space<vmem>>
    %dma_wait3A_376 = arith.constant 0 : i32
    %dma_wait3A_377 = arith.constant 0 : i32
    %dma_wait3A_378 = tpu.memref_slice %arg3[%add3A, %dma_wait3A_362, %dma_wait3A_376, %dma_wait3A_377] : memref<32x160x2x64xi32, #tpu.memory_space<hbm>> -> memref<1x1x2x64xi32, #tpu.memory_space<hbm>>
    %dma_wait3A_379 = tpu.memref_squeeze %dma_wait3A_378 : memref<1x1x2x64xi32, #tpu.memory_space<hbm>> -> memref<2x64xi32, #tpu.memory_space<hbm>>
    tpu.wait_dma2 semaphore(%arg31 : memref<!tpu.dma_semaphore, #tpu.memory_space<semaphore_mem>>) src(%dma_wait3A_379 : memref<2x64xi32, #tpu.memory_space<hbm>>) dst(%dma_wait3A_375 : memref<2x64xi32, #tpu.memory_space<vmem>>)
    %dma_wait3A_380 = arith.constant 2 : i32
    %dma_wait3A_381 = arith.constant 2 : i32
    %dma_wait3A_382 = arith.constant 0 : i32
    %dma_wait3A_383 = tpu.memref_slice %arg8[%dma_wait3A_381, %dma_wait3A_382] : memref<10x64xf32, #tpu.memory_space<vmem>> -> memref<1x64xf32, #tpu.memory_space<vmem>>
    %dma_wait3A_384 = tpu.memref_squeeze %dma_wait3A_383 : memref<1x64xf32, #tpu.memory_space<vmem>> -> memref<64xf32, #tpu.memory_space<vmem>>
    %dma_wait3A_385 = arith.constant 0 : i32
    %dma_wait3A_386 = tpu.memref_slice %arg4[%add3A, %dma_wait3A_380, %dma_wait3A_385] : memref<32x160x64xf32, #tpu.memory_space<hbm>> -> memref<1x1x64xf32, #tpu.memory_space<hbm>>
    %dma_wait3A_387 = tpu.memref_squeeze %dma_wait3A_386 : memref<1x1x64xf32, #tpu.memory_space<hbm>> -> memref<64xf32, #tpu.memory_space<hbm>>
    %dma_wait3A_388 = arith.constant 0 : i32
    %dma_wait3A_389 = tpu.memref_slice %arg8[%dma_wait3A_381, %dma_wait3A_388] : memref<10x64xf32, #tpu.memory_space<vmem>> -> memref<1x64xf32, #tpu.memory_space<vmem>>
    %dma_wait3A_390 = tpu.memref_squeeze %dma_wait3A_389 : memref<1x64xf32, #tpu.memory_space<vmem>> -> memref<64xf32, #tpu.memory_space<vmem>>
    %dma_wait3A_391 = arith.constant 0 : i32
    %dma_wait3A_392 = tpu.memref_slice %arg4[%add3A, %dma_wait3A_380, %dma_wait3A_391] : memref<32x160x64xf32, #tpu.memory_space<hbm>> -> memref<1x1x64xf32, #tpu.memory_space<hbm>>
    %dma_wait3A_393 = tpu.memref_squeeze %dma_wait3A_392 : memref<1x1x64xf32, #tpu.memory_space<hbm>> -> memref<64xf32, #tpu.memory_space<hbm>>
    tpu.wait_dma2 semaphore(%arg41 : memref<!tpu.dma_semaphore, #tpu.memory_space<semaphore_mem>>) src(%dma_wait3A_393 : memref<64xf32, #tpu.memory_space<hbm>>) dst(%dma_wait3A_390 : memref<64xf32, #tpu.memory_space<vmem>>)
    %dma_start3A_394 = arith.constant 2 : i32
    %dma_start3A_395 = arith.constant 1 : i32
    %dma_start3A_396 = arith.constant 0 : i32
    %dma_start3A_397 = tpu.memref_slice %arg7[%dma_start3A_394, %dma_start3A_395, %dma_start3A_396] : memref<10x2x64xi32, #tpu.memory_space<vmem>> -> memref<1x1x64xi32, #tpu.memory_space<vmem>>
    %dma_start3A_398 = tpu.memref_squeeze %dma_start3A_397 : memref<1x1x64xi32, #tpu.memory_space<vmem>> -> memref<64xi32, #tpu.memory_space<vmem>>
    %dma_start3A_399 = arith.constant 0 : i32
    %dma_start3A_400 = arith.constant 0 : i32
    %dma_start3A_401 = tpu.memref_slice %arg2[%dma_start3A_399, %dma_start3A_400] : memref<10000x128xf32, #tpu.memory_space<hbm>> -> memref<10000x128xf32, #tpu.memory_space<hbm>>
    tpu.enqueue_indirect_dma source(%dma_start3A_401 : memref<10000x128xf32, #tpu.memory_space<hbm>>) target(%arg16 : memref<64x128xf32, #tpu.memory_space<vmem>>) offsets(%dma_start3A_398 : memref<64xi32, #tpu.memory_space<vmem>>) semaphore(%arg21 : memref<!tpu.dma_semaphore, #tpu.memory_space<semaphore_mem>>)
    %scan3A_402 = arith.constant 0 : i32
    %scan3A_403 = arith.constant 16 : i32
    %scan3A_404 = arith.addi %scan3A_402, %scan3A_403 : i32
    %scan3A_405 = arith.constant 1 : i32
    scf.for %scan3A_414 = %scan3A_402 to %scan3A_404 step %scan3A_405  : i32 {
      %mul3A_415 = arith.constant 10 : i32
      %mul3A_416 = arith.muli %scan3A_414, %mul3A_415 : i32
      %add3A_417 = arith.constant 0 : i32
      %add3A_418 = arith.addi %add3A_417, %mul3A_416 : i32
      %add3A_419 = arith.constant 0 : i32
      %add3A_420 = arith.addi %add3A_418, %add3A_419 : i32
      %dma_wait3A_421 = arith.constant 0 : i32
      %dma_wait3A_422 = arith.constant 1 : i32
      %dma_wait3A_423 = arith.constant 0 : i32
      %dma_wait3A_424 = tpu.memref_slice %arg7[%dma_wait3A_421, %dma_wait3A_422, %dma_wait3A_423] : memref<10x2x64xi32, #tpu.memory_space<vmem>> -> memref<1x1x64xi32, #tpu.memory_space<vmem>>
      %dma_wait3A_425 = tpu.memref_squeeze %dma_wait3A_424 : memref<1x1x64xi32, #tpu.memory_space<vmem>> -> memref<64xi32, #tpu.memory_space<vmem>>
      %dma_wait3A_426 = arith.constant 0 : i32
      %dma_wait3A_427 = arith.constant 0 : i32
      %dma_wait3A_428 = tpu.memref_slice %arg2[%dma_wait3A_426, %dma_wait3A_427] : memref<10000x128xf32, #tpu.memory_space<hbm>> -> memref<10000x128xf32, #tpu.memory_space<hbm>>
      tpu.wait_indirect_dma semaphore(%arg19 : memref<!tpu.dma_semaphore, #tpu.memory_space<semaphore_mem>>) src(%dma_wait3A_428 : memref<10000x128xf32, #tpu.memory_space<hbm>>) dst(%arg14 : memref<64x128xf32, #tpu.memory_space<vmem>>)
      %get3A = arith.constant 0 : i32
      %get3A_429 = arith.constant 0 : i32
      %get3A_430 = arith.index_cast %get3A : i32 to index
      %get3A_431 = arith.index_cast %get3A_429 : i32 to index
      %get3A_432 = arith.constant 0 : index
      %get3A_433 = tpu.vector_load %arg7[%get3A_430, %get3A_431, %get3A_432] {strides = array<i32>} : memref<10x2x64xi32, #tpu.memory_space<vmem>>, vector<1x1x16xi32>,
      %get3A_434 = vector.shape_cast %get3A_433 : vector<1x1x16xi32> to vector<16xi32>
      %swap3A = arith.constant 0 : index
      %swap3A_435 = tpu.vector_load %arg9[%swap3A] {strides = array<i32>} : memref<64xi32, #tpu.memory_space<vmem>>, vector<16xi32>,
      %swap3A_436 = vector.shape_cast %swap3A_435 : vector<16xi32> to vector<16xi32>
      %swap3A_437 = vector.shape_cast %get3A_434 : vector<16xi32> to vector<16xi32>
      tpu.vector_store %arg9[%swap3A], %swap3A_437 {strides = array<i32>} : memref<64xi32, #tpu.memory_space<vmem>>, vector<16xi32>,
      %get3A_438 = arith.constant 0 : i32
      %get3A_439 = arith.constant 0 : i32
      %get3A_440 = arith.index_cast %get3A_438 : i32 to index
      %get3A_441 = arith.index_cast %get3A_439 : i32 to index
      %get3A_442 = arith.constant 16 : index
      %get3A_443 = tpu.vector_load %arg7[%get3A_440, %get3A_441, %get3A_442] {strides = array<i32>} : memref<10x2x64xi32, #tpu.memory_space<vmem>>, vector<1x1x16xi32>,
      %get3A_444 = vector.shape_cast %get3A_443 : vector<1x1x16xi32> to vector<16xi32>
      %swap3A_445 = arith.constant 16 : index
      %swap3A_446 = tpu.vector_load %arg9[%swap3A_445] {strides = array<i32>} : memref<64xi32, #tpu.memory_space<vmem>>, vector<16xi32>,
      %swap3A_447 = vector.shape_cast %swap3A_446 : vector<16xi32> to vector<16xi32>
      %swap3A_448 = vector.shape_cast %get3A_444 : vector<16xi32> to vector<16xi32>
      tpu.vector_store %arg9[%swap3A_445], %swap3A_448 {strides = array<i32>} : memref<64xi32, #tpu.memory_space<vmem>>, vector<16xi32>,
      %get3A_449 = arith.constant 0 : i32
      %get3A_450 = arith.constant 0 : i32
      %get3A_451 = arith.index_cast %get3A_449 : i32 to index
      %get3A_452 = arith.index_cast %get3A_450 : i32 to index
      %get3A_453 = arith.constant 32 : index
      %get3A_454 = tpu.vector_load %arg7[%get3A_451, %get3A_452, %get3A_453] {strides = array<i32>} : memref<10x2x64xi32, #tpu.memory_space<vmem>>, vector<1x1x16xi32>,
      %get3A_455 = vector.shape_cast %get3A_454 : vector<1x1x16xi32> to vector<16xi32>
      %swap3A_456 = arith.constant 32 : index
      %swap3A_457 = tpu.vector_load %arg9[%swap3A_456] {strides = array<i32>} : memref<64xi32, #tpu.memory_space<vmem>>, vector<16xi32>,
      %swap3A_458 = vector.shape_cast %swap3A_457 : vector<16xi32> to vector<16xi32>
      %swap3A_459 = vector.shape_cast %get3A_455 : vector<16xi32> to vector<16xi32>
      tpu.vector_store %arg9[%swap3A_456], %swap3A_459 {strides = array<i32>} : memref<64xi32, #tpu.memory_space<vmem>>, vector<16xi32>,
      %get3A_460 = arith.constant 0 : i32
      %get3A_461 = arith.constant 0 : i32
      %get3A_462 = arith.index_cast %get3A_460 : i32 to index
      %get3A_463 = arith.index_cast %get3A_461 : i32 to index
      %get3A_464 = arith.constant 48 : index
      %get3A_465 = tpu.vector_load %arg7[%get3A_462, %get3A_463, %get3A_464] {strides = array<i32>} : memref<10x2x64xi32, #tpu.memory_space<vmem>>, vector<1x1x16xi32>,
      %get3A_466 = vector.shape_cast %get3A_465 : vector<1x1x16xi32> to vector<16xi32>
      %swap3A_467 = arith.constant 48 : index
      %swap3A_468 = tpu.vector_load %arg9[%swap3A_467] {strides = array<i32>} : memref<64xi32, #tpu.memory_space<vmem>>, vector<16xi32>,
      %swap3A_469 = vector.shape_cast %swap3A_468 : vector<16xi32> to vector<16xi32>
      %swap3A_470 = vector.shape_cast %get3A_466 : vector<16xi32> to vector<16xi32>
      tpu.vector_store %arg9[%swap3A_467], %swap3A_470 {strides = array<i32>} : memref<64xi32, #tpu.memory_space<vmem>>, vector<16xi32>,
      %dma_start3A_471 = arith.constant 0 : i32
      %dma_start3A_472 = arith.constant 0 : i32
      %dma_start3A_473 = tpu.memref_slice %arg6[%dma_start3A_471, %dma_start3A_472] : memref<10000x128xf32, #tpu.memory_space<vmem_shared>> -> memref<10000x128xf32, #tpu.memory_space<vmem_shared>>
      tpu.enqueue_indirect_dma source(%arg14 : memref<64x128xf32, #tpu.memory_space<vmem>>) target(%dma_start3A_473 : memref<10000x128xf32, #tpu.memory_space<vmem_shared>>) offsets(%arg9 : memref<64xi32, #tpu.memory_space<vmem>>) semaphore(%arg24 : memref<!tpu.dma_semaphore, #tpu.memory_space<semaphore_mem>>) {add = true}
      %ge3A = arith.constant 2 : i32
      %ge3A_474 = arith.cmpi sge, %add3A_420, %ge3A : i32
      %convert_element_type3A = arith.extui %ge3A_474 : i1 to i32
      %cond3A = arith.constant 0 : i32
      %cond3A_475 = arith.cmpi ne, %convert_element_type3A, %cond3A : i32
      scf.if %cond3A_475 {
        %dma_wait3A_1193 = arith.constant 0 : i32
        %dma_wait3A_1194 = arith.constant 0 : i32
        %dma_wait3A_1195 = tpu.memref_slice %arg6[%dma_wait3A_1193, %dma_wait3A_1194] : memref<10000x128xf32, #tpu.memory_space<vmem_shared>> -> memref<10000x128xf32, #tpu.memory_space<vmem_shared>>
        tpu.wait_indirect_dma semaphore(%arg27 : memref<!tpu.dma_semaphore, #tpu.memory_space<semaphore_mem>>) src(%arg17 : memref<64x128xf32, #tpu.memory_space<vmem>>) dst(%dma_wait3A_1195 : memref<10000x128xf32, #tpu.memory_space<vmem_shared>>)
      } else {
      }
      %add3A_476 = arith.constant 10 : i32
      %add3A_477 = arith.addi %add3A_420, %add3A_476 : i32
      %sub3A_478 = arith.constant 2 : i32
      %sub3A_479 = arith.subi %add3A_477, %sub3A_478 : i32
      %lt3A = arith.constant 160 : i32
      %lt3A_480 = arith.cmpi slt, %sub3A_479, %lt3A : i32
      %convert_element_type3A_481 = arith.extui %lt3A_480 : i1 to i32
      %cond3A_482 = arith.constant 0 : i32
      %cond3A_483 = arith.cmpi ne, %convert_element_type3A_481, %cond3A_482 : i32
      scf.if %cond3A_483 {
        %add3A_1193 = arith.constant 10 : i32
        %add3A_1194 = arith.addi %add3A_420, %add3A_1193 : i32
        %sub3A_1195 = arith.constant 2 : i32
        %sub3A_1196 = arith.subi %add3A_1194, %sub3A_1195 : i32
        %dma_start3A_1197 = arith.constant 8 : i32
        %dma_start3A_1198 = arith.constant 0 : i32
        %dma_start3A_1199 = arith.constant 0 : i32
        %dma_start3A_1200 = tpu.memref_slice %arg7[%dma_start3A_1197, %dma_start3A_1198, %dma_start3A_1199] : memref<10x2x64xi32, #tpu.memory_space<vmem>> -> memref<1x2x64xi32, #tpu.memory_space<vmem>>
        %dma_start3A_1201 = tpu.memref_squeeze %dma_start3A_1200 : memref<1x2x64xi32, #tpu.memory_space<vmem>> -> memref<2x64xi32, #tpu.memory_space<vmem>>
        %dma_start3A_1202 = arith.constant 0 : i32
        %dma_start3A_1203 = arith.constant 0 : i32
        %dma_start3A_1204 = tpu.memref_slice %arg3[%add3A, %sub3A_1196, %dma_start3A_1202, %dma_start3A_1203] : memref<32x160x2x64xi32, #tpu.memory_space<hbm>> -> memref<1x1x2x64xi32, #tpu.memory_space<hbm>>
        %dma_start3A_1205 = tpu.memref_squeeze %dma_start3A_1204 : memref<1x1x2x64xi32, #tpu.memory_space<hbm>> -> memref<2x64xi32, #tpu.memory_space<hbm>>
        %dma_start3A_1206 = arith.constant 0 : i32
        %dma_start3A_1207 = arith.constant 0 : i32
        %dma_start3A_1208 = tpu.memref_slice %arg7[%dma_start3A_1197, %dma_start3A_1206, %dma_start3A_1207] : memref<10x2x64xi32, #tpu.memory_space<vmem>> -> memref<1x2x64xi32, #tpu.memory_space<vmem>>
        %dma_start3A_1209 = tpu.memref_squeeze %dma_start3A_1208 : memref<1x2x64xi32, #tpu.memory_space<vmem>> -> memref<2x64xi32, #tpu.memory_space<vmem>>
        %dma_start3A_1210 = arith.constant 0 : i32
        %dma_start3A_1211 = arith.constant 0 : i32
        %dma_start3A_1212 = tpu.memref_slice %arg3[%add3A, %sub3A_1196, %dma_start3A_1210, %dma_start3A_1211] : memref<32x160x2x64xi32, #tpu.memory_space<hbm>> -> memref<1x1x2x64xi32, #tpu.memory_space<hbm>>
        %dma_start3A_1213 = tpu.memref_squeeze %dma_start3A_1212 : memref<1x1x2x64xi32, #tpu.memory_space<hbm>> -> memref<2x64xi32, #tpu.memory_space<hbm>>
        tpu.enqueue_dma source(%dma_start3A_1213 : memref<2x64xi32, #tpu.memory_space<hbm>>) target(%dma_start3A_1209 : memref<2x64xi32, #tpu.memory_space<vmem>>) target_semaphore(%arg37 : memref<!tpu.dma_semaphore, #tpu.memory_space<semaphore_mem>>)
        %add3A_1214 = arith.constant 10 : i32
        %add3A_1215 = arith.addi %add3A_420, %add3A_1214 : i32
        %sub3A_1216 = arith.constant 2 : i32
        %sub3A_1217 = arith.subi %add3A_1215, %sub3A_1216 : i32
        %dma_start3A_1218 = arith.constant 8 : i32
        %dma_start3A_1219 = arith.constant 0 : i32
        %dma_start3A_1220 = tpu.memref_slice %arg8[%dma_start3A_1218, %dma_start3A_1219] : memref<10x64xf32, #tpu.memory_space<vmem>> -> memref<1x64xf32, #tpu.memory_space<vmem>>
        %dma_start3A_1221 = tpu.memref_squeeze %dma_start3A_1220 : memref<1x64xf32, #tpu.memory_space<vmem>> -> memref<64xf32, #tpu.memory_space<vmem>>
        %dma_start3A_1222 = arith.constant 0 : i32
        %dma_start3A_1223 = tpu.memref_slice %arg4[%add3A, %sub3A_1217, %dma_start3A_1222] : memref<32x160x64xf32, #tpu.memory_space<hbm>> -> memref<1x1x64xf32, #tpu.memory_space<hbm>>
        %dma_start3A_1224 = tpu.memref_squeeze %dma_start3A_1223 : memref<1x1x64xf32, #tpu.memory_space<hbm>> -> memref<64xf32, #tpu.memory_space<hbm>>
        %dma_start3A_1225 = arith.constant 0 : i32
        %dma_start3A_1226 = tpu.memref_slice %arg8[%dma_start3A_1218, %dma_start3A_1225] : memref<10x64xf32, #tpu.memory_space<vmem>> -> memref<1x64xf32, #tpu.memory_space<vmem>>
        %dma_start3A_1227 = tpu.memref_squeeze %dma_start3A_1226 : memref<1x64xf32, #tpu.memory_space<vmem>> -> memref<64xf32, #tpu.memory_space<vmem>>
        %dma_start3A_1228 = arith.constant 0 : i32
        %dma_start3A_1229 = tpu.memref_slice %arg4[%add3A, %sub3A_1217, %dma_start3A_1228] : memref<32x160x64xf32, #tpu.memory_space<hbm>> -> memref<1x1x64xf32, #tpu.memory_space<hbm>>
        %dma_start3A_1230 = tpu.memref_squeeze %dma_start3A_1229 : memref<1x1x64xf32, #tpu.memory_space<hbm>> -> memref<64xf32, #tpu.memory_space<hbm>>
        tpu.enqueue_dma source(%dma_start3A_1230 : memref<64xf32, #tpu.memory_space<hbm>>) target(%dma_start3A_1227 : memref<64xf32, #tpu.memory_space<vmem>>) target_semaphore(%arg47 : memref<!tpu.dma_semaphore, #tpu.memory_space<semaphore_mem>>)
      } else {
      }
      %add3A_484 = arith.constant 3 : i32
      %add3A_485 = arith.addi %add3A_420, %add3A_484 : i32
      %lt3A_486 = arith.constant 160 : i32
      %lt3A_487 = arith.cmpi slt, %add3A_485, %lt3A_486 : i32
      %convert_element_type3A_488 = arith.extui %lt3A_487 : i1 to i32
      %cond3A_489 = arith.constant 0 : i32
      %cond3A_490 = arith.cmpi ne, %convert_element_type3A_488, %cond3A_489 : i32
      scf.if %cond3A_490 {
        %add3A_1193 = arith.constant 3 : i32
        %add3A_1194 = arith.addi %add3A_420, %add3A_1193 : i32
        %dma_wait3A_1195 = arith.constant 3 : i32
        %dma_wait3A_1196 = arith.constant 0 : i32
        %dma_wait3A_1197 = arith.constant 0 : i32
        %dma_wait3A_1198 = tpu.memref_slice %arg7[%dma_wait3A_1195, %dma_wait3A_1196, %dma_wait3A_1197] : memref<10x2x64xi32, #tpu.memory_space<vmem>> -> memref<1x2x64xi32, #tpu.memory_space<vmem>>
        %dma_wait3A_1199 = tpu.memref_squeeze %dma_wait3A_1198 : memref<1x2x64xi32, #tpu.memory_space<vmem>> -> memref<2x64xi32, #tpu.memory_space<vmem>>
        %dma_wait3A_1200 = arith.constant 0 : i32
        %dma_wait3A_1201 = arith.constant 0 : i32
        %dma_wait3A_1202 = tpu.memref_slice %arg3[%add3A, %add3A_1194, %dma_wait3A_1200, %dma_wait3A_1201] : memref<32x160x2x64xi32, #tpu.memory_space<hbm>> -> memref<1x1x2x64xi32, #tpu.memory_space<hbm>>
        %dma_wait3A_1203 = tpu.memref_squeeze %dma_wait3A_1202 : memref<1x1x2x64xi32, #tpu.memory_space<hbm>> -> memref<2x64xi32, #tpu.memory_space<hbm>>
        %dma_wait3A_1204 = arith.constant 0 : i32
        %dma_wait3A_1205 = arith.constant 0 : i32
        %dma_wait3A_1206 = tpu.memref_slice %arg7[%dma_wait3A_1195, %dma_wait3A_1204, %dma_wait3A_1205] : memref<10x2x64xi32, #tpu.memory_space<vmem>> -> memref<1x2x64xi32, #tpu.memory_space<vmem>>
        %dma_wait3A_1207 = tpu.memref_squeeze %dma_wait3A_1206 : memref<1x2x64xi32, #tpu.memory_space<vmem>> -> memref<2x64xi32, #tpu.memory_space<vmem>>
        %dma_wait3A_1208 = arith.constant 0 : i32
        %dma_wait3A_1209 = arith.constant 0 : i32
        %dma_wait3A_1210 = tpu.memref_slice %arg3[%add3A, %add3A_1194, %dma_wait3A_1208, %dma_wait3A_1209] : memref<32x160x2x64xi32, #tpu.memory_space<hbm>> -> memref<1x1x2x64xi32, #tpu.memory_space<hbm>>
        %dma_wait3A_1211 = tpu.memref_squeeze %dma_wait3A_1210 : memref<1x1x2x64xi32, #tpu.memory_space<hbm>> -> memref<2x64xi32, #tpu.memory_space<hbm>>
        tpu.wait_dma2 semaphore(%arg32 : memref<!tpu.dma_semaphore, #tpu.memory_space<semaphore_mem>>) src(%dma_wait3A_1211 : memref<2x64xi32, #tpu.memory_space<hbm>>) dst(%dma_wait3A_1207 : memref<2x64xi32, #tpu.memory_space<vmem>>)
        %add3A_1212 = arith.constant 3 : i32
        %add3A_1213 = arith.addi %add3A_420, %add3A_1212 : i32
        %dma_wait3A_1214 = arith.constant 3 : i32
        %dma_wait3A_1215 = arith.constant 0 : i32
        %dma_wait3A_1216 = tpu.memref_slice %arg8[%dma_wait3A_1214, %dma_wait3A_1215] : memref<10x64xf32, #tpu.memory_space<vmem>> -> memref<1x64xf32, #tpu.memory_space<vmem>>
        %dma_wait3A_1217 = tpu.memref_squeeze %dma_wait3A_1216 : memref<1x64xf32, #tpu.memory_space<vmem>> -> memref<64xf32, #tpu.memory_space<vmem>>
        %dma_wait3A_1218 = arith.constant 0 : i32
        %dma_wait3A_1219 = tpu.memref_slice %arg4[%add3A, %add3A_1213, %dma_wait3A_1218] : memref<32x160x64xf32, #tpu.memory_space<hbm>> -> memref<1x1x64xf32, #tpu.memory_space<hbm>>
        %dma_wait3A_1220 = tpu.memref_squeeze %dma_wait3A_1219 : memref<1x1x64xf32, #tpu.memory_space<hbm>> -> memref<64xf32, #tpu.memory_space<hbm>>
        %dma_wait3A_1221 = arith.constant 0 : i32
        %dma_wait3A_1222 = tpu.memref_slice %arg8[%dma_wait3A_1214, %dma_wait3A_1221] : memref<10x64xf32, #tpu.memory_space<vmem>> -> memref<1x64xf32, #tpu.memory_space<vmem>>
        %dma_wait3A_1223 = tpu.memref_squeeze %dma_wait3A_1222 : memref<1x64xf32, #tpu.memory_space<vmem>> -> memref<64xf32, #tpu.memory_space<vmem>>
        %dma_wait3A_1224 = arith.constant 0 : i32
        %dma_wait3A_1225 = tpu.memref_slice %arg4[%add3A, %add3A_1213, %dma_wait3A_1224] : memref<32x160x64xf32, #tpu.memory_space<hbm>> -> memref<1x1x64xf32, #tpu.memory_space<hbm>>
        %dma_wait3A_1226 = tpu.memref_squeeze %dma_wait3A_1225 : memref<1x1x64xf32, #tpu.memory_space<hbm>> -> memref<64xf32, #tpu.memory_space<hbm>>
        tpu.wait_dma2 semaphore(%arg42 : memref<!tpu.dma_semaphore, #tpu.memory_space<semaphore_mem>>) src(%dma_wait3A_1226 : memref<64xf32, #tpu.memory_space<hbm>>) dst(%dma_wait3A_1223 : memref<64xf32, #tpu.memory_space<vmem>>)
        %dma_start3A_1227 = arith.constant 3 : i32
        %dma_start3A_1228 = arith.constant 1 : i32
        %dma_start3A_1229 = arith.constant 0 : i32
        %dma_start3A_1230 = tpu.memref_slice %arg7[%dma_start3A_1227, %dma_start3A_1228, %dma_start3A_1229] : memref<10x2x64xi32, #tpu.memory_space<vmem>> -> memref<1x1x64xi32, #tpu.memory_space<vmem>>
        %dma_start3A_1231 = tpu.memref_squeeze %dma_start3A_1230 : memref<1x1x64xi32, #tpu.memory_space<vmem>> -> memref<64xi32, #tpu.memory_space<vmem>>
        %dma_start3A_1232 = arith.constant 0 : i32
        %dma_start3A_1233 = arith.constant 0 : i32
        %dma_start3A_1234 = tpu.memref_slice %arg2[%dma_start3A_1232, %dma_start3A_1233] : memref<10000x128xf32, #tpu.memory_space<hbm>> -> memref<10000x128xf32, #tpu.memory_space<hbm>>
        tpu.enqueue_indirect_dma source(%dma_start3A_1234 : memref<10000x128xf32, #tpu.memory_space<hbm>>) target(%arg17 : memref<64x128xf32, #tpu.memory_space<vmem>>) offsets(%dma_start3A_1231 : memref<64xi32, #tpu.memory_space<vmem>>) semaphore(%arg22 : memref<!tpu.dma_semaphore, #tpu.memory_space<semaphore_mem>>)
      } else {
      }
      %add3A_491 = arith.constant 1 : i32
      %add3A_492 = arith.addi %add3A_418, %add3A_491 : i32
      %dma_wait3A_493 = arith.constant 1 : i32
      %dma_wait3A_494 = arith.constant 1 : i32
      %dma_wait3A_495 = arith.constant 0 : i32
      %dma_wait3A_496 = tpu.memref_slice %arg7[%dma_wait3A_493, %dma_wait3A_494, %dma_wait3A_495] : memref<10x2x64xi32, #tpu.memory_space<vmem>> -> memref<1x1x64xi32, #tpu.memory_space<vmem>>
      %dma_wait3A_497 = tpu.memref_squeeze %dma_wait3A_496 : memref<1x1x64xi32, #tpu.memory_space<vmem>> -> memref<64xi32, #tpu.memory_space<vmem>>
      %dma_wait3A_498 = arith.constant 0 : i32
      %dma_wait3A_499 = arith.constant 0 : i32
      %dma_wait3A_500 = tpu.memref_slice %arg2[%dma_wait3A_498, %dma_wait3A_499] : memref<10000x128xf32, #tpu.memory_space<hbm>> -> memref<10000x128xf32, #tpu.memory_space<hbm>>
      tpu.wait_indirect_dma semaphore(%arg20 : memref<!tpu.dma_semaphore, #tpu.memory_space<semaphore_mem>>) src(%dma_wait3A_500 : memref<10000x128xf32, #tpu.memory_space<hbm>>) dst(%arg15 : memref<64x128xf32, #tpu.memory_space<vmem>>)
      %get3A_501 = arith.constant 1 : i32
      %get3A_502 = arith.constant 0 : i32
      %get3A_503 = arith.index_cast %get3A_501 : i32 to index
      %get3A_504 = arith.index_cast %get3A_502 : i32 to index
      %get3A_505 = arith.constant 0 : index
      %get3A_506 = tpu.vector_load %arg7[%get3A_503, %get3A_504, %get3A_505] {strides = array<i32>} : memref<10x2x64xi32, #tpu.memory_space<vmem>>, vector<1x1x16xi32>,
      %get3A_507 = vector.shape_cast %get3A_506 : vector<1x1x16xi32> to vector<16xi32>
      %swap3A_508 = arith.constant 0 : index
      %swap3A_509 = tpu.vector_load %arg10[%swap3A_508] {strides = array<i32>} : memref<64xi32, #tpu.memory_space<vmem>>, vector<16xi32>,
      %swap3A_510 = vector.shape_cast %swap3A_509 : vector<16xi32> to vector<16xi32>
      %swap3A_511 = vector.shape_cast %get3A_507 : vector<16xi32> to vector<16xi32>
      tpu.vector_store %arg10[%swap3A_508], %swap3A_511 {strides = array<i32>} : memref<64xi32, #tpu.memory_space<vmem>>, vector<16xi32>,
      %get3A_512 = arith.constant 1 : i32
      %get3A_513 = arith.constant 0 : i32
      %get3A_514 = arith.index_cast %get3A_512 : i32 to index
      %get3A_515 = arith.index_cast %get3A_513 : i32 to index
      %get3A_516 = arith.constant 16 : index
      %get3A_517 = tpu.vector_load %arg7[%get3A_514, %get3A_515, %get3A_516] {strides = array<i32>} : memref<10x2x64xi32, #tpu.memory_space<vmem>>, vector<1x1x16xi32>,
      %get3A_518 = vector.shape_cast %get3A_517 : vector<1x1x16xi32> to vector<16xi32>
      %swap3A_519 = arith.constant 16 : index
      %swap3A_520 = tpu.vector_load %arg10[%swap3A_519] {strides = array<i32>} : memref<64xi32, #tpu.memory_space<vmem>>, vector<16xi32>,
      %swap3A_521 = vector.shape_cast %swap3A_520 : vector<16xi32> to vector<16xi32>
      %swap3A_522 = vector.shape_cast %get3A_518 : vector<16xi32> to vector<16xi32>
      tpu.vector_store %arg10[%swap3A_519], %swap3A_522 {strides = array<i32>} : memref<64xi32, #tpu.memory_space<vmem>>, vector<16xi32>,
      %get3A_523 = arith.constant 1 : i32
      %get3A_524 = arith.constant 0 : i32
      %get3A_525 = arith.index_cast %get3A_523 : i32 to index
      %get3A_526 = arith.index_cast %get3A_524 : i32 to index
      %get3A_527 = arith.constant 32 : index
      %get3A_528 = tpu.vector_load %arg7[%get3A_525, %get3A_526, %get3A_527] {strides = array<i32>} : memref<10x2x64xi32, #tpu.memory_space<vmem>>, vector<1x1x16xi32>,
      %get3A_529 = vector.shape_cast %get3A_528 : vector<1x1x16xi32> to vector<16xi32>
      %swap3A_530 = arith.constant 32 : index
      %swap3A_531 = tpu.vector_load %arg10[%swap3A_530] {strides = array<i32>} : memref<64xi32, #tpu.memory_space<vmem>>, vector<16xi32>,
      %swap3A_532 = vector.shape_cast %swap3A_531 : vector<16xi32> to vector<16xi32>
      %swap3A_533 = vector.shape_cast %get3A_529 : vector<16xi32> to vector<16xi32>
      tpu.vector_store %arg10[%swap3A_530], %swap3A_533 {strides = array<i32>} : memref<64xi32, #tpu.memory_space<vmem>>, vector<16xi32>,
      %get3A_534 = arith.constant 1 : i32
      %get3A_535 = arith.constant 0 : i32
      %get3A_536 = arith.index_cast %get3A_534 : i32 to index
      %get3A_537 = arith.index_cast %get3A_535 : i32 to index
      %get3A_538 = arith.constant 48 : index
      %get3A_539 = tpu.vector_load %arg7[%get3A_536, %get3A_537, %get3A_538] {strides = array<i32>} : memref<10x2x64xi32, #tpu.memory_space<vmem>>, vector<1x1x16xi32>,
      %get3A_540 = vector.shape_cast %get3A_539 : vector<1x1x16xi32> to vector<16xi32>
      %swap3A_541 = arith.constant 48 : index
      %swap3A_542 = tpu.vector_load %arg10[%swap3A_541] {strides = array<i32>} : memref<64xi32, #tpu.memory_space<vmem>>, vector<16xi32>,
      %swap3A_543 = vector.shape_cast %swap3A_542 : vector<16xi32> to vector<16xi32>
      %swap3A_544 = vector.shape_cast %get3A_540 : vector<16xi32> to vector<16xi32>
      tpu.vector_store %arg10[%swap3A_541], %swap3A_544 {strides = array<i32>} : memref<64xi32, #tpu.memory_space<vmem>>, vector<16xi32>,
      %dma_start3A_545 = arith.constant 0 : i32
      %dma_start3A_546 = arith.constant 0 : i32
      %dma_start3A_547 = tpu.memref_slice %arg6[%dma_start3A_545, %dma_start3A_546] : memref<10000x128xf32, #tpu.memory_space<vmem_shared>> -> memref<10000x128xf32, #tpu.memory_space<vmem_shared>>
      tpu.enqueue_indirect_dma source(%arg15 : memref<64x128xf32, #tpu.memory_space<vmem>>) target(%dma_start3A_547 : memref<10000x128xf32, #tpu.memory_space<vmem_shared>>) offsets(%arg10 : memref<64xi32, #tpu.memory_space<vmem>>) semaphore(%arg25 : memref<!tpu.dma_semaphore, #tpu.memory_space<semaphore_mem>>) {add = true}
      %ge3A_548 = arith.constant 2 : i32
      %ge3A_549 = arith.cmpi sge, %add3A_492, %ge3A_548 : i32
      %convert_element_type3A_550 = arith.extui %ge3A_549 : i1 to i32
      %cond3A_551 = arith.constant 0 : i32
      %cond3A_552 = arith.cmpi ne, %convert_element_type3A_550, %cond3A_551 : i32
      scf.if %cond3A_552 {
        %dma_wait3A_1193 = arith.constant 0 : i32
        %dma_wait3A_1194 = arith.constant 0 : i32
        %dma_wait3A_1195 = tpu.memref_slice %arg6[%dma_wait3A_1193, %dma_wait3A_1194] : memref<10000x128xf32, #tpu.memory_space<vmem_shared>> -> memref<10000x128xf32, #tpu.memory_space<vmem_shared>>
        tpu.wait_indirect_dma semaphore(%arg28 : memref<!tpu.dma_semaphore, #tpu.memory_space<semaphore_mem>>) src(%arg18 : memref<64x128xf32, #tpu.memory_space<vmem>>) dst(%dma_wait3A_1195 : memref<10000x128xf32, #tpu.memory_space<vmem_shared>>)
      } else {
      }
      %add3A_553 = arith.constant 10 : i32
      %add3A_554 = arith.addi %add3A_492, %add3A_553 : i32
      %sub3A_555 = arith.constant 2 : i32
      %sub3A_556 = arith.subi %add3A_554, %sub3A_555 : i32
      %lt3A_557 = arith.constant 160 : i32
      %lt3A_558 = arith.cmpi slt, %sub3A_556, %lt3A_557 : i32
      %convert_element_type3A_559 = arith.extui %lt3A_558 : i1 to i32
      %cond3A_560 = arith.constant 0 : i32
      %cond3A_561 = arith.cmpi ne, %convert_element_type3A_559, %cond3A_560 : i32
      scf.if %cond3A_561 {
        %add3A_1193 = arith.constant 10 : i32
        %add3A_1194 = arith.addi %add3A_492, %add3A_1193 : i32
        %sub3A_1195 = arith.constant 2 : i32
        %sub3A_1196 = arith.subi %add3A_1194, %sub3A_1195 : i32
        %dma_start3A_1197 = arith.constant 9 : i32
        %dma_start3A_1198 = arith.constant 0 : i32
        %dma_start3A_1199 = arith.constant 0 : i32
        %dma_start3A_1200 = tpu.memref_slice %arg7[%dma_start3A_1197, %dma_start3A_1198, %dma_start3A_1199] : memref<10x2x64xi32, #tpu.memory_space<vmem>> -> memref<1x2x64xi32, #tpu.memory_space<vmem>>
        %dma_start3A_1201 = tpu.memref_squeeze %dma_start3A_1200 : memref<1x2x64xi32, #tpu.memory_space<vmem>> -> memref<2x64xi32, #tpu.memory_space<vmem>>
        %dma_start3A_1202 = arith.constant 0 : i32
        %dma_start3A_1203 = arith.constant 0 : i32
        %dma_start3A_1204 = tpu.memref_slice %arg3[%add3A, %sub3A_1196, %dma_start3A_1202, %dma_start3A_1203] : memref<32x160x2x64xi32, #tpu.memory_space<hbm>> -> memref<1x1x2x64xi32, #tpu.memory_space<hbm>>
        %dma_start3A_1205 = tpu.memref_squeeze %dma_start3A_1204 : memref<1x1x2x64xi32, #tpu.memory_space<hbm>> -> memref<2x64xi32, #tpu.memory_space<hbm>>
        %dma_start3A_1206 = arith.constant 0 : i32
        %dma_start3A_1207 = arith.constant 0 : i32
        %dma_start3A_1208 = tpu.memref_slice %arg7[%dma_start3A_1197, %dma_start3A_1206, %dma_start3A_1207] : memref<10x2x64xi32, #tpu.memory_space<vmem>> -> memref<1x2x64xi32, #tpu.memory_space<vmem>>
        %dma_start3A_1209 = tpu.memref_squeeze %dma_start3A_1208 : memref<1x2x64xi32, #tpu.memory_space<vmem>> -> memref<2x64xi32, #tpu.memory_space<vmem>>
        %dma_start3A_1210 = arith.constant 0 : i32
        %dma_start3A_1211 = arith.constant 0 : i32
        %dma_start3A_1212 = tpu.memref_slice %arg3[%add3A, %sub3A_1196, %dma_start3A_1210, %dma_start3A_1211] : memref<32x160x2x64xi32, #tpu.memory_space<hbm>> -> memref<1x1x2x64xi32, #tpu.memory_space<hbm>>
        %dma_start3A_1213 = tpu.memref_squeeze %dma_start3A_1212 : memref<1x1x2x64xi32, #tpu.memory_space<hbm>> -> memref<2x64xi32, #tpu.memory_space<hbm>>
        tpu.enqueue_dma source(%dma_start3A_1213 : memref<2x64xi32, #tpu.memory_space<hbm>>) target(%dma_start3A_1209 : memref<2x64xi32, #tpu.memory_space<vmem>>) target_semaphore(%arg38 : memref<!tpu.dma_semaphore, #tpu.memory_space<semaphore_mem>>)
        %add3A_1214 = arith.constant 10 : i32
        %add3A_1215 = arith.addi %add3A_492, %add3A_1214 : i32
        %sub3A_1216 = arith.constant 2 : i32
        %sub3A_1217 = arith.subi %add3A_1215, %sub3A_1216 : i32
        %dma_start3A_1218 = arith.constant 9 : i32
        %dma_start3A_1219 = arith.constant 0 : i32
        %dma_start3A_1220 = tpu.memref_slice %arg8[%dma_start3A_1218, %dma_start3A_1219] : memref<10x64xf32, #tpu.memory_space<vmem>> -> memref<1x64xf32, #tpu.memory_space<vmem>>
        %dma_start3A_1221 = tpu.memref_squeeze %dma_start3A_1220 : memref<1x64xf32, #tpu.memory_space<vmem>> -> memref<64xf32, #tpu.memory_space<vmem>>
        %dma_start3A_1222 = arith.constant 0 : i32
        %dma_start3A_1223 = tpu.memref_slice %arg4[%add3A, %sub3A_1217, %dma_start3A_1222] : memref<32x160x64xf32, #tpu.memory_space<hbm>> -> memref<1x1x64xf32, #tpu.memory_space<hbm>>
        %dma_start3A_1224 = tpu.memref_squeeze %dma_start3A_1223 : memref<1x1x64xf32, #tpu.memory_space<hbm>> -> memref<64xf32, #tpu.memory_space<hbm>>
        %dma_start3A_1225 = arith.constant 0 : i32
        %dma_start3A_1226 = tpu.memref_slice %arg8[%dma_start3A_1218, %dma_start3A_1225] : memref<10x64xf32, #tpu.memory_space<vmem>> -> memref<1x64xf32, #tpu.memory_space<vmem>>
        %dma_start3A_1227 = tpu.memref_squeeze %dma_start3A_1226 : memref<1x64xf32, #tpu.memory_space<vmem>> -> memref<64xf32, #tpu.memory_space<vmem>>
        %dma_start3A_1228 = arith.constant 0 : i32
        %dma_start3A_1229 = tpu.memref_slice %arg4[%add3A, %sub3A_1217, %dma_start3A_1228] : memref<32x160x64xf32, #tpu.memory_space<hbm>> -> memref<1x1x64xf32, #tpu.memory_space<hbm>>
        %dma_start3A_1230 = tpu.memref_squeeze %dma_start3A_1229 : memref<1x1x64xf32, #tpu.memory_space<hbm>> -> memref<64xf32, #tpu.memory_space<hbm>>
        tpu.enqueue_dma source(%dma_start3A_1230 : memref<64xf32, #tpu.memory_space<hbm>>) target(%dma_start3A_1227 : memref<64xf32, #tpu.memory_space<vmem>>) target_semaphore(%arg48 : memref<!tpu.dma_semaphore, #tpu.memory_space<semaphore_mem>>)
      } else {
      }
      %add3A_562 = arith.constant 3 : i32
      %add3A_563 = arith.addi %add3A_492, %add3A_562 : i32
      %lt3A_564 = arith.constant 160 : i32
      %lt3A_565 = arith.cmpi slt, %add3A_563, %lt3A_564 : i32
      %convert_element_type3A_566 = arith.extui %lt3A_565 : i1 to i32
      %cond3A_567 = arith.constant 0 : i32
      %cond3A_568 = arith.cmpi ne, %convert_element_type3A_566, %cond3A_567 : i32
      scf.if %cond3A_568 {
        %add3A_1193 = arith.constant 3 : i32
        %add3A_1194 = arith.addi %add3A_492, %add3A_1193 : i32
        %dma_wait3A_1195 = arith.constant 4 : i32
        %dma_wait3A_1196 = arith.constant 0 : i32
        %dma_wait3A_1197 = arith.constant 0 : i32
        %dma_wait3A_1198 = tpu.memref_slice %arg7[%dma_wait3A_1195, %dma_wait3A_1196, %dma_wait3A_1197] : memref<10x2x64xi32, #tpu.memory_space<vmem>> -> memref<1x2x64xi32, #tpu.memory_space<vmem>>
        %dma_wait3A_1199 = tpu.memref_squeeze %dma_wait3A_1198 : memref<1x2x64xi32, #tpu.memory_space<vmem>> -> memref<2x64xi32, #tpu.memory_space<vmem>>
        %dma_wait3A_1200 = arith.constant 0 : i32
        %dma_wait3A_1201 = arith.constant 0 : i32
        %dma_wait3A_1202 = tpu.memref_slice %arg3[%add3A, %add3A_1194, %dma_wait3A_1200, %dma_wait3A_1201] : memref<32x160x2x64xi32, #tpu.memory_space<hbm>> -> memref<1x1x2x64xi32, #tpu.memory_space<hbm>>
        %dma_wait3A_1203 = tpu.memref_squeeze %dma_wait3A_1202 : memref<1x1x2x64xi32, #tpu.memory_space<hbm>> -> memref<2x64xi32, #tpu.memory_space<hbm>>
        %dma_wait3A_1204 = arith.constant 0 : i32
        %dma_wait3A_1205 = arith.constant 0 : i32
        %dma_wait3A_1206 = tpu.memref_slice %arg7[%dma_wait3A_1195, %dma_wait3A_1204, %dma_wait3A_1205] : memref<10x2x64xi32, #tpu.memory_space<vmem>> -> memref<1x2x64xi32, #tpu.memory_space<vmem>>
        %dma_wait3A_1207 = tpu.memref_squeeze %dma_wait3A_1206 : memref<1x2x64xi32, #tpu.memory_space<vmem>> -> memref<2x64xi32, #tpu.memory_space<vmem>>
        %dma_wait3A_1208 = arith.constant 0 : i32
        %dma_wait3A_1209 = arith.constant 0 : i32
        %dma_wait3A_1210 = tpu.memref_slice %arg3[%add3A, %add3A_1194, %dma_wait3A_1208, %dma_wait3A_1209] : memref<32x160x2x64xi32, #tpu.memory_space<hbm>> -> memref<1x1x2x64xi32, #tpu.memory_space<hbm>>
        %dma_wait3A_1211 = tpu.memref_squeeze %dma_wait3A_1210 : memref<1x1x2x64xi32, #tpu.memory_space<hbm>> -> memref<2x64xi32, #tpu.memory_space<hbm>>
        tpu.wait_dma2 semaphore(%arg33 : memref<!tpu.dma_semaphore, #tpu.memory_space<semaphore_mem>>) src(%dma_wait3A_1211 : memref<2x64xi32, #tpu.memory_space<hbm>>) dst(%dma_wait3A_1207 : memref<2x64xi32, #tpu.memory_space<vmem>>)
        %add3A_1212 = arith.constant 3 : i32
        %add3A_1213 = arith.addi %add3A_492, %add3A_1212 : i32
        %dma_wait3A_1214 = arith.constant 4 : i32
        %dma_wait3A_1215 = arith.constant 0 : i32
        %dma_wait3A_1216 = tpu.memref_slice %arg8[%dma_wait3A_1214, %dma_wait3A_1215] : memref<10x64xf32, #tpu.memory_space<vmem>> -> memref<1x64xf32, #tpu.memory_space<vmem>>
        %dma_wait3A_1217 = tpu.memref_squeeze %dma_wait3A_1216 : memref<1x64xf32, #tpu.memory_space<vmem>> -> memref<64xf32, #tpu.memory_space<vmem>>
        %dma_wait3A_1218 = arith.constant 0 : i32
        %dma_wait3A_1219 = tpu.memref_slice %arg4[%add3A, %add3A_1213, %dma_wait3A_1218] : memref<32x160x64xf32, #tpu.memory_space<hbm>> -> memref<1x1x64xf32, #tpu.memory_space<hbm>>
        %dma_wait3A_1220 = tpu.memref_squeeze %dma_wait3A_1219 : memref<1x1x64xf32, #tpu.memory_space<hbm>> -> memref<64xf32, #tpu.memory_space<hbm>>
        %dma_wait3A_1221 = arith.constant 0 : i32
        %dma_wait3A_1222 = tpu.memref_slice %arg8[%dma_wait3A_1214, %dma_wait3A_1221] : memref<10x64xf32, #tpu.memory_space<vmem>> -> memref<1x64xf32, #tpu.memory_space<vmem>>
        %dma_wait3A_1223 = tpu.memref_squeeze %dma_wait3A_1222 : memref<1x64xf32, #tpu.memory_space<vmem>> -> memref<64xf32, #tpu.memory_space<vmem>>
        %dma_wait3A_1224 = arith.constant 0 : i32
        %dma_wait3A_1225 = tpu.memref_slice %arg4[%add3A, %add3A_1213, %dma_wait3A_1224] : memref<32x160x64xf32, #tpu.memory_space<hbm>> -> memref<1x1x64xf32, #tpu.memory_space<hbm>>
        %dma_wait3A_1226 = tpu.memref_squeeze %dma_wait3A_1225 : memref<1x1x64xf32, #tpu.memory_space<hbm>> -> memref<64xf32, #tpu.memory_space<hbm>>
        tpu.wait_dma2 semaphore(%arg43 : memref<!tpu.dma_semaphore, #tpu.memory_space<semaphore_mem>>) src(%dma_wait3A_1226 : memref<64xf32, #tpu.memory_space<hbm>>) dst(%dma_wait3A_1223 : memref<64xf32, #tpu.memory_space<vmem>>)
        %dma_start3A_1227 = arith.constant 4 : i32
        %dma_start3A_1228 = arith.constant 1 : i32
        %dma_start3A_1229 = arith.constant 0 : i32
        %dma_start3A_1230 = tpu.memref_slice %arg7[%dma_start3A_1227, %dma_start3A_1228, %dma_start3A_1229] : memref<10x2x64xi32, #tpu.memory_space<vmem>> -> memref<1x1x64xi32, #tpu.memory_space<vmem>>
        %dma_start3A_1231 = tpu.memref_squeeze %dma_start3A_1230 : memref<1x1x64xi32, #tpu.memory_space<vmem>> -> memref<64xi32, #tpu.memory_space<vmem>>
        %dma_start3A_1232 = arith.constant 0 : i32
        %dma_start3A_1233 = arith.constant 0 : i32
        %dma_start3A_1234 = tpu.memref_slice %arg2[%dma_start3A_1232, %dma_start3A_1233] : memref<10000x128xf32, #tpu.memory_space<hbm>> -> memref<10000x128xf32, #tpu.memory_space<hbm>>
        tpu.enqueue_indirect_dma source(%dma_start3A_1234 : memref<10000x128xf32, #tpu.memory_space<hbm>>) target(%arg18 : memref<64x128xf32, #tpu.memory_space<vmem>>) offsets(%dma_start3A_1231 : memref<64xi32, #tpu.memory_space<vmem>>) semaphore(%arg23 : memref<!tpu.dma_semaphore, #tpu.memory_space<semaphore_mem>>)
      } else {
      }
      %add3A_569 = arith.constant 2 : i32
      %add3A_570 = arith.addi %add3A_418, %add3A_569 : i32
      %dma_wait3A_571 = arith.constant 2 : i32
      %dma_wait3A_572 = arith.constant 1 : i32
      %dma_wait3A_573 = arith.constant 0 : i32
      %dma_wait3A_574 = tpu.memref_slice %arg7[%dma_wait3A_571, %dma_wait3A_572, %dma_wait3A_573] : memref<10x2x64xi32, #tpu.memory_space<vmem>> -> memref<1x1x64xi32, #tpu.memory_space<vmem>>
      %dma_wait3A_575 = tpu.memref_squeeze %dma_wait3A_574 : memref<1x1x64xi32, #tpu.memory_space<vmem>> -> memref<64xi32, #tpu.memory_space<vmem>>
      %dma_wait3A_576 = arith.constant 0 : i32
      %dma_wait3A_577 = arith.constant 0 : i32
      %dma_wait3A_578 = tpu.memref_slice %arg2[%dma_wait3A_576, %dma_wait3A_577] : memref<10000x128xf32, #tpu.memory_space<hbm>> -> memref<10000x128xf32, #tpu.memory_space<hbm>>
      tpu.wait_indirect_dma semaphore(%arg21 : memref<!tpu.dma_semaphore, #tpu.memory_space<semaphore_mem>>) src(%dma_wait3A_578 : memref<10000x128xf32, #tpu.memory_space<hbm>>) dst(%arg16 : memref<64x128xf32, #tpu.memory_space<vmem>>)
      %get3A_579 = arith.constant 2 : i32
      %get3A_580 = arith.constant 0 : i32
      %get3A_581 = arith.index_cast %get3A_579 : i32 to index
      %get3A_582 = arith.index_cast %get3A_580 : i32 to index
      %get3A_583 = arith.constant 0 : index
      %get3A_584 = tpu.vector_load %arg7[%get3A_581, %get3A_582, %get3A_583] {strides = array<i32>} : memref<10x2x64xi32, #tpu.memory_space<vmem>>, vector<1x1x16xi32>,
      %get3A_585 = vector.shape_cast %get3A_584 : vector<1x1x16xi32> to vector<16xi32>
      %swap3A_586 = arith.constant 0 : index
      %swap3A_587 = tpu.vector_load %arg11[%swap3A_586] {strides = array<i32>} : memref<64xi32, #tpu.memory_space<vmem>>, vector<16xi32>,
      %swap3A_588 = vector.shape_cast %swap3A_587 : vector<16xi32> to vector<16xi32>
      %swap3A_589 = vector.shape_cast %get3A_585 : vector<16xi32> to vector<16xi32>
      tpu.vector_store %arg11[%swap3A_586], %swap3A_589 {strides = array<i32>} : memref<64xi32, #tpu.memory_space<vmem>>, vector<16xi32>,
      %get3A_590 = arith.constant 2 : i32
      %get3A_591 = arith.constant 0 : i32
      %get3A_592 = arith.index_cast %get3A_590 : i32 to index
      %get3A_593 = arith.index_cast %get3A_591 : i32 to index
      %get3A_594 = arith.constant 16 : index
      %get3A_595 = tpu.vector_load %arg7[%get3A_592, %get3A_593, %get3A_594] {strides = array<i32>} : memref<10x2x64xi32, #tpu.memory_space<vmem>>, vector<1x1x16xi32>,
      %get3A_596 = vector.shape_cast %get3A_595 : vector<1x1x16xi32> to vector<16xi32>
      %swap3A_597 = arith.constant 16 : index
      %swap3A_598 = tpu.vector_load %arg11[%swap3A_597] {strides = array<i32>} : memref<64xi32, #tpu.memory_space<vmem>>, vector<16xi32>,
      %swap3A_599 = vector.shape_cast %swap3A_598 : vector<16xi32> to vector<16xi32>
      %swap3A_600 = vector.shape_cast %get3A_596 : vector<16xi32> to vector<16xi32>
      tpu.vector_store %arg11[%swap3A_597], %swap3A_600 {strides = array<i32>} : memref<64xi32, #tpu.memory_space<vmem>>, vector<16xi32>,
      %get3A_601 = arith.constant 2 : i32
      %get3A_602 = arith.constant 0 : i32
      %get3A_603 = arith.index_cast %get3A_601 : i32 to index
      %get3A_604 = arith.index_cast %get3A_602 : i32 to index
      %get3A_605 = arith.constant 32 : index
      %get3A_606 = tpu.vector_load %arg7[%get3A_603, %get3A_604, %get3A_605] {strides = array<i32>} : memref<10x2x64xi32, #tpu.memory_space<vmem>>, vector<1x1x16xi32>,
      %get3A_607 = vector.shape_cast %get3A_606 : vector<1x1x16xi32> to vector<16xi32>
      %swap3A_608 = arith.constant 32 : index
      %swap3A_609 = tpu.vector_load %arg11[%swap3A_608] {strides = array<i32>} : memref<64xi32, #tpu.memory_space<vmem>>, vector<16xi32>,
      %swap3A_610 = vector.shape_cast %swap3A_609 : vector<16xi32> to vector<16xi32>
      %swap3A_611 = vector.shape_cast %get3A_607 : vector<16xi32> to vector<16xi32>
      tpu.vector_store %arg11[%swap3A_608], %swap3A_611 {strides = array<i32>} : memref<64xi32, #tpu.memory_space<vmem>>, vector<16xi32>,
      %get3A_612 = arith.constant 2 : i32
      %get3A_613 = arith.constant 0 : i32
      %get3A_614 = arith.index_cast %get3A_612 : i32 to index
      %get3A_615 = arith.index_cast %get3A_613 : i32 to index
      %get3A_616 = arith.constant 48 : index
      %get3A_617 = tpu.vector_load %arg7[%get3A_614, %get3A_615, %get3A_616] {strides = array<i32>} : memref<10x2x64xi32, #tpu.memory_space<vmem>>, vector<1x1x16xi32>,
      %get3A_618 = vector.shape_cast %get3A_617 : vector<1x1x16xi32> to vector<16xi32>
      %swap3A_619 = arith.constant 48 : index
      %swap3A_620 = tpu.vector_load %arg11[%swap3A_619] {strides = array<i32>} : memref<64xi32, #tpu.memory_space<vmem>>, vector<16xi32>,
      %swap3A_621 = vector.shape_cast %swap3A_620 : vector<16xi32> to vector<16xi32>
      %swap3A_622 = vector.shape_cast %get3A_618 : vector<16xi32> to vector<16xi32>
      tpu.vector_store %arg11[%swap3A_619], %swap3A_622 {strides = array<i32>} : memref<64xi32, #tpu.memory_space<vmem>>, vector<16xi32>,
      %dma_start3A_623 = arith.constant 0 : i32
      %dma_start3A_624 = arith.constant 0 : i32
      %dma_start3A_625 = tpu.memref_slice %arg6[%dma_start3A_623, %dma_start3A_624] : memref<10000x128xf32, #tpu.memory_space<vmem_shared>> -> memref<10000x128xf32, #tpu.memory_space<vmem_shared>>
      tpu.enqueue_indirect_dma source(%arg16 : memref<64x128xf32, #tpu.memory_space<vmem>>) target(%dma_start3A_625 : memref<10000x128xf32, #tpu.memory_space<vmem_shared>>) offsets(%arg11 : memref<64xi32, #tpu.memory_space<vmem>>) semaphore(%arg26 : memref<!tpu.dma_semaphore, #tpu.memory_space<semaphore_mem>>) {add = true}
      %ge3A_626 = arith.constant 2 : i32
      %ge3A_627 = arith.cmpi sge, %add3A_570, %ge3A_626 : i32
      %convert_element_type3A_628 = arith.extui %ge3A_627 : i1 to i32
      %cond3A_629 = arith.constant 0 : i32
      %cond3A_630 = arith.cmpi ne, %convert_element_type3A_628, %cond3A_629 : i32
      scf.if %cond3A_630 {
        %dma_wait3A_1193 = arith.constant 0 : i32
        %dma_wait3A_1194 = arith.constant 0 : i32
        %dma_wait3A_1195 = tpu.memref_slice %arg6[%dma_wait3A_1193, %dma_wait3A_1194] : memref<10000x128xf32, #tpu.memory_space<vmem_shared>> -> memref<10000x128xf32, #tpu.memory_space<vmem_shared>>
        tpu.wait_indirect_dma semaphore(%arg24 : memref<!tpu.dma_semaphore, #tpu.memory_space<semaphore_mem>>) src(%arg14 : memref<64x128xf32, #tpu.memory_space<vmem>>) dst(%dma_wait3A_1195 : memref<10000x128xf32, #tpu.memory_space<vmem_shared>>)
      } else {
      }
      %add3A_631 = arith.constant 10 : i32
      %add3A_632 = arith.addi %add3A_570, %add3A_631 : i32
      %sub3A_633 = arith.constant 2 : i32
      %sub3A_634 = arith.subi %add3A_632, %sub3A_633 : i32
      %lt3A_635 = arith.constant 160 : i32
      %lt3A_636 = arith.cmpi slt, %sub3A_634, %lt3A_635 : i32
      %convert_element_type3A_637 = arith.extui %lt3A_636 : i1 to i32
      %cond3A_638 = arith.constant 0 : i32
      %cond3A_639 = arith.cmpi ne, %convert_element_type3A_637, %cond3A_638 : i32
      scf.if %cond3A_639 {
        %add3A_1193 = arith.constant 10 : i32
        %add3A_1194 = arith.addi %add3A_570, %add3A_1193 : i32
        %sub3A_1195 = arith.constant 2 : i32
        %sub3A_1196 = arith.subi %add3A_1194, %sub3A_1195 : i32
        %dma_start3A_1197 = arith.constant 0 : i32
        %dma_start3A_1198 = arith.constant 0 : i32
        %dma_start3A_1199 = arith.constant 0 : i32
        %dma_start3A_1200 = tpu.memref_slice %arg7[%dma_start3A_1197, %dma_start3A_1198, %dma_start3A_1199] : memref<10x2x64xi32, #tpu.memory_space<vmem>> -> memref<1x2x64xi32, #tpu.memory_space<vmem>>
        %dma_start3A_1201 = tpu.memref_squeeze %dma_start3A_1200 : memref<1x2x64xi32, #tpu.memory_space<vmem>> -> memref<2x64xi32, #tpu.memory_space<vmem>>
        %dma_start3A_1202 = arith.constant 0 : i32
        %dma_start3A_1203 = arith.constant 0 : i32
        %dma_start3A_1204 = tpu.memref_slice %arg3[%add3A, %sub3A_1196, %dma_start3A_1202, %dma_start3A_1203] : memref<32x160x2x64xi32, #tpu.memory_space<hbm>> -> memref<1x1x2x64xi32, #tpu.memory_space<hbm>>
        %dma_start3A_1205 = tpu.memref_squeeze %dma_start3A_1204 : memref<1x1x2x64xi32, #tpu.memory_space<hbm>> -> memref<2x64xi32, #tpu.memory_space<hbm>>
        %dma_start3A_1206 = arith.constant 0 : i32
        %dma_start3A_1207 = arith.constant 0 : i32
        %dma_start3A_1208 = tpu.memref_slice %arg7[%dma_start3A_1197, %dma_start3A_1206, %dma_start3A_1207] : memref<10x2x64xi32, #tpu.memory_space<vmem>> -> memref<1x2x64xi32, #tpu.memory_space<vmem>>
        %dma_start3A_1209 = tpu.memref_squeeze %dma_start3A_1208 : memref<1x2x64xi32, #tpu.memory_space<vmem>> -> memref<2x64xi32, #tpu.memory_space<vmem>>
        %dma_start3A_1210 = arith.constant 0 : i32
        %dma_start3A_1211 = arith.constant 0 : i32
        %dma_start3A_1212 = tpu.memref_slice %arg3[%add3A, %sub3A_1196, %dma_start3A_1210, %dma_start3A_1211] : memref<32x160x2x64xi32, #tpu.memory_space<hbm>> -> memref<1x1x2x64xi32, #tpu.memory_space<hbm>>
        %dma_start3A_1213 = tpu.memref_squeeze %dma_start3A_1212 : memref<1x1x2x64xi32, #tpu.memory_space<hbm>> -> memref<2x64xi32, #tpu.memory_space<hbm>>
        tpu.enqueue_dma source(%dma_start3A_1213 : memref<2x64xi32, #tpu.memory_space<hbm>>) target(%dma_start3A_1209 : memref<2x64xi32, #tpu.memory_space<vmem>>) target_semaphore(%arg29 : memref<!tpu.dma_semaphore, #tpu.memory_space<semaphore_mem>>)
        %add3A_1214 = arith.constant 10 : i32
        %add3A_1215 = arith.addi %add3A_570, %add3A_1214 : i32
        %sub3A_1216 = arith.constant 2 : i32
        %sub3A_1217 = arith.subi %add3A_1215, %sub3A_1216 : i32
        %dma_start3A_1218 = arith.constant 0 : i32
        %dma_start3A_1219 = arith.constant 0 : i32
        %dma_start3A_1220 = tpu.memref_slice %arg8[%dma_start3A_1218, %dma_start3A_1219] : memref<10x64xf32, #tpu.memory_space<vmem>> -> memref<1x64xf32, #tpu.memory_space<vmem>>
        %dma_start3A_1221 = tpu.memref_squeeze %dma_start3A_1220 : memref<1x64xf32, #tpu.memory_space<vmem>> -> memref<64xf32, #tpu.memory_space<vmem>>
        %dma_start3A_1222 = arith.constant 0 : i32
        %dma_start3A_1223 = tpu.memref_slice %arg4[%add3A, %sub3A_1217, %dma_start3A_1222] : memref<32x160x64xf32, #tpu.memory_space<hbm>> -> memref<1x1x64xf32, #tpu.memory_space<hbm>>
        %dma_start3A_1224 = tpu.memref_squeeze %dma_start3A_1223 : memref<1x1x64xf32, #tpu.memory_space<hbm>> -> memref<64xf32, #tpu.memory_space<hbm>>
        %dma_start3A_1225 = arith.constant 0 : i32
        %dma_start3A_1226 = tpu.memref_slice %arg8[%dma_start3A_1218, %dma_start3A_1225] : memref<10x64xf32, #tpu.memory_space<vmem>> -> memref<1x64xf32, #tpu.memory_space<vmem>>
        %dma_start3A_1227 = tpu.memref_squeeze %dma_start3A_1226 : memref<1x64xf32, #tpu.memory_space<vmem>> -> memref<64xf32, #tpu.memory_space<vmem>>
        %dma_start3A_1228 = arith.constant 0 : i32
        %dma_start3A_1229 = tpu.memref_slice %arg4[%add3A, %sub3A_1217, %dma_start3A_1228] : memref<32x160x64xf32, #tpu.memory_space<hbm>> -> memref<1x1x64xf32, #tpu.memory_space<hbm>>
        %dma_start3A_1230 = tpu.memref_squeeze %dma_start3A_1229 : memref<1x1x64xf32, #tpu.memory_space<hbm>> -> memref<64xf32, #tpu.memory_space<hbm>>
        tpu.enqueue_dma source(%dma_start3A_1230 : memref<64xf32, #tpu.memory_space<hbm>>) target(%dma_start3A_1227 : memref<64xf32, #tpu.memory_space<vmem>>) target_semaphore(%arg39 : memref<!tpu.dma_semaphore, #tpu.memory_space<semaphore_mem>>)
      } else {
      }
      %add3A_640 = arith.constant 3 : i32
      %add3A_641 = arith.addi %add3A_570, %add3A_640 : i32
      %lt3A_642 = arith.constant 160 : i32
      %lt3A_643 = arith.cmpi slt, %add3A_641, %lt3A_642 : i32
      %convert_element_type3A_644 = arith.extui %lt3A_643 : i1 to i32
      %cond3A_645 = arith.constant 0 : i32
      %cond3A_646 = arith.cmpi ne, %convert_element_type3A_644, %cond3A_645 : i32
      scf.if %cond3A_646 {
        %add3A_1193 = arith.constant 3 : i32
        %add3A_1194 = arith.addi %add3A_570, %add3A_1193 : i32
        %dma_wait3A_1195 = arith.constant 5 : i32
        %dma_wait3A_1196 = arith.constant 0 : i32
        %dma_wait3A_1197 = arith.constant 0 : i32
        %dma_wait3A_1198 = tpu.memref_slice %arg7[%dma_wait3A_1195, %dma_wait3A_1196, %dma_wait3A_1197] : memref<10x2x64xi32, #tpu.memory_space<vmem>> -> memref<1x2x64xi32, #tpu.memory_space<vmem>>
        %dma_wait3A_1199 = tpu.memref_squeeze %dma_wait3A_1198 : memref<1x2x64xi32, #tpu.memory_space<vmem>> -> memref<2x64xi32, #tpu.memory_space<vmem>>
        %dma_wait3A_1200 = arith.constant 0 : i32
        %dma_wait3A_1201 = arith.constant 0 : i32
        %dma_wait3A_1202 = tpu.memref_slice %arg3[%add3A, %add3A_1194, %dma_wait3A_1200, %dma_wait3A_1201] : memref<32x160x2x64xi32, #tpu.memory_space<hbm>> -> memref<1x1x2x64xi32, #tpu.memory_space<hbm>>
        %dma_wait3A_1203 = tpu.memref_squeeze %dma_wait3A_1202 : memref<1x1x2x64xi32, #tpu.memory_space<hbm>> -> memref<2x64xi32, #tpu.memory_space<hbm>>
        %dma_wait3A_1204 = arith.constant 0 : i32
        %dma_wait3A_1205 = arith.constant 0 : i32
        %dma_wait3A_1206 = tpu.memref_slice %arg7[%dma_wait3A_1195, %dma_wait3A_1204, %dma_wait3A_1205] : memref<10x2x64xi32, #tpu.memory_space<vmem>> -> memref<1x2x64xi32, #tpu.memory_space<vmem>>
        %dma_wait3A_1207 = tpu.memref_squeeze %dma_wait3A_1206 : memref<1x2x64xi32, #tpu.memory_space<vmem>> -> memref<2x64xi32, #tpu.memory_space<vmem>>
        %dma_wait3A_1208 = arith.constant 0 : i32
        %dma_wait3A_1209 = arith.constant 0 : i32
        %dma_wait3A_1210 = tpu.memref_slice %arg3[%add3A, %add3A_1194, %dma_wait3A_1208, %dma_wait3A_1209] : memref<32x160x2x64xi32, #tpu.memory_space<hbm>> -> memref<1x1x2x64xi32, #tpu.memory_space<hbm>>
        %dma_wait3A_1211 = tpu.memref_squeeze %dma_wait3A_1210 : memref<1x1x2x64xi32, #tpu.memory_space<hbm>> -> memref<2x64xi32, #tpu.memory_space<hbm>>
        tpu.wait_dma2 semaphore(%arg34 : memref<!tpu.dma_semaphore, #tpu.memory_space<semaphore_mem>>) src(%dma_wait3A_1211 : memref<2x64xi32, #tpu.memory_space<hbm>>) dst(%dma_wait3A_1207 : memref<2x64xi32, #tpu.memory_space<vmem>>)
        %add3A_1212 = arith.constant 3 : i32
        %add3A_1213 = arith.addi %add3A_570, %add3A_1212 : i32
        %dma_wait3A_1214 = arith.constant 5 : i32
        %dma_wait3A_1215 = arith.constant 0 : i32
        %dma_wait3A_1216 = tpu.memref_slice %arg8[%dma_wait3A_1214, %dma_wait3A_1215] : memref<10x64xf32, #tpu.memory_space<vmem>> -> memref<1x64xf32, #tpu.memory_space<vmem>>
        %dma_wait3A_1217 = tpu.memref_squeeze %dma_wait3A_1216 : memref<1x64xf32, #tpu.memory_space<vmem>> -> memref<64xf32, #tpu.memory_space<vmem>>
        %dma_wait3A_1218 = arith.constant 0 : i32
        %dma_wait3A_1219 = tpu.memref_slice %arg4[%add3A, %add3A_1213, %dma_wait3A_1218] : memref<32x160x64xf32, #tpu.memory_space<hbm>> -> memref<1x1x64xf32, #tpu.memory_space<hbm>>
        %dma_wait3A_1220 = tpu.memref_squeeze %dma_wait3A_1219 : memref<1x1x64xf32, #tpu.memory_space<hbm>> -> memref<64xf32, #tpu.memory_space<hbm>>
        %dma_wait3A_1221 = arith.constant 0 : i32
        %dma_wait3A_1222 = tpu.memref_slice %arg8[%dma_wait3A_1214, %dma_wait3A_1221] : memref<10x64xf32, #tpu.memory_space<vmem>> -> memref<1x64xf32, #tpu.memory_space<vmem>>
        %dma_wait3A_1223 = tpu.memref_squeeze %dma_wait3A_1222 : memref<1x64xf32, #tpu.memory_space<vmem>> -> memref<64xf32, #tpu.memory_space<vmem>>
        %dma_wait3A_1224 = arith.constant 0 : i32
        %dma_wait3A_1225 = tpu.memref_slice %arg4[%add3A, %add3A_1213, %dma_wait3A_1224] : memref<32x160x64xf32, #tpu.memory_space<hbm>> -> memref<1x1x64xf32, #tpu.memory_space<hbm>>
        %dma_wait3A_1226 = tpu.memref_squeeze %dma_wait3A_1225 : memref<1x1x64xf32, #tpu.memory_space<hbm>> -> memref<64xf32, #tpu.memory_space<hbm>>
        tpu.wait_dma2 semaphore(%arg44 : memref<!tpu.dma_semaphore, #tpu.memory_space<semaphore_mem>>) src(%dma_wait3A_1226 : memref<64xf32, #tpu.memory_space<hbm>>) dst(%dma_wait3A_1223 : memref<64xf32, #tpu.memory_space<vmem>>)
        %dma_start3A_1227 = arith.constant 5 : i32
        %dma_start3A_1228 = arith.constant 1 : i32
        %dma_start3A_1229 = arith.constant 0 : i32
        %dma_start3A_1230 = tpu.memref_slice %arg7[%dma_start3A_1227, %dma_start3A_1228, %dma_start3A_1229] : memref<10x2x64xi32, #tpu.memory_space<vmem>> -> memref<1x1x64xi32, #tpu.memory_space<vmem>>
        %dma_start3A_1231 = tpu.memref_squeeze %dma_start3A_1230 : memref<1x1x64xi32, #tpu.memory_space<vmem>> -> memref<64xi32, #tpu.memory_space<vmem>>
        %dma_start3A_1232 = arith.constant 0 : i32
        %dma_start3A_1233 = arith.constant 0 : i32
        %dma_start3A_1234 = tpu.memref_slice %arg2[%dma_start3A_1232, %dma_start3A_1233] : memref<10000x128xf32, #tpu.memory_space<hbm>> -> memref<10000x128xf32, #tpu.memory_space<hbm>>
        tpu.enqueue_indirect_dma source(%dma_start3A_1234 : memref<10000x128xf32, #tpu.memory_space<hbm>>) target(%arg14 : memref<64x128xf32, #tpu.memory_space<vmem>>) offsets(%dma_start3A_1231 : memref<64xi32, #tpu.memory_space<vmem>>) semaphore(%arg19 : memref<!tpu.dma_semaphore, #tpu.memory_space<semaphore_mem>>)
      } else {
      }
      %add3A_647 = arith.constant 3 : i32
      %add3A_648 = arith.addi %add3A_418, %add3A_647 : i32
      %dma_wait3A_649 = arith.constant 3 : i32
      %dma_wait3A_650 = arith.constant 1 : i32
      %dma_wait3A_651 = arith.constant 0 : i32
      %dma_wait3A_652 = tpu.memref_slice %arg7[%dma_wait3A_649, %dma_wait3A_650, %dma_wait3A_651] : memref<10x2x64xi32, #tpu.memory_space<vmem>> -> memref<1x1x64xi32, #tpu.memory_space<vmem>>
      %dma_wait3A_653 = tpu.memref_squeeze %dma_wait3A_652 : memref<1x1x64xi32, #tpu.memory_space<vmem>> -> memref<64xi32, #tpu.memory_space<vmem>>
      %dma_wait3A_654 = arith.constant 0 : i32
      %dma_wait3A_655 = arith.constant 0 : i32
      %dma_wait3A_656 = tpu.memref_slice %arg2[%dma_wait3A_654, %dma_wait3A_655] : memref<10000x128xf32, #tpu.memory_space<hbm>> -> memref<10000x128xf32, #tpu.memory_space<hbm>>
      tpu.wait_indirect_dma semaphore(%arg22 : memref<!tpu.dma_semaphore, #tpu.memory_space<semaphore_mem>>) src(%dma_wait3A_656 : memref<10000x128xf32, #tpu.memory_space<hbm>>) dst(%arg17 : memref<64x128xf32, #tpu.memory_space<vmem>>)
      %get3A_657 = arith.constant 3 : i32
      %get3A_658 = arith.constant 0 : i32
      %get3A_659 = arith.index_cast %get3A_657 : i32 to index
      %get3A_660 = arith.index_cast %get3A_658 : i32 to index
      %get3A_661 = arith.constant 0 : index
      %get3A_662 = tpu.vector_load %arg7[%get3A_659, %get3A_660, %get3A_661] {strides = array<i32>} : memref<10x2x64xi32, #tpu.memory_space<vmem>>, vector<1x1x16xi32>,
      %get3A_663 = vector.shape_cast %get3A_662 : vector<1x1x16xi32> to vector<16xi32>
      %swap3A_664 = arith.constant 0 : index
      %swap3A_665 = tpu.vector_load %arg12[%swap3A_664] {strides = array<i32>} : memref<64xi32, #tpu.memory_space<vmem>>, vector<16xi32>,
      %swap3A_666 = vector.shape_cast %swap3A_665 : vector<16xi32> to vector<16xi32>
      %swap3A_667 = vector.shape_cast %get3A_663 : vector<16xi32> to vector<16xi32>
      tpu.vector_store %arg12[%swap3A_664], %swap3A_667 {strides = array<i32>} : memref<64xi32, #tpu.memory_space<vmem>>, vector<16xi32>,
      %get3A_668 = arith.constant 3 : i32
      %get3A_669 = arith.constant 0 : i32
      %get3A_670 = arith.index_cast %get3A_668 : i32 to index
      %get3A_671 = arith.index_cast %get3A_669 : i32 to index
      %get3A_672 = arith.constant 16 : index
      %get3A_673 = tpu.vector_load %arg7[%get3A_670, %get3A_671, %get3A_672] {strides = array<i32>} : memref<10x2x64xi32, #tpu.memory_space<vmem>>, vector<1x1x16xi32>,
      %get3A_674 = vector.shape_cast %get3A_673 : vector<1x1x16xi32> to vector<16xi32>
      %swap3A_675 = arith.constant 16 : index
      %swap3A_676 = tpu.vector_load %arg12[%swap3A_675] {strides = array<i32>} : memref<64xi32, #tpu.memory_space<vmem>>, vector<16xi32>,
      %swap3A_677 = vector.shape_cast %swap3A_676 : vector<16xi32> to vector<16xi32>
      %swap3A_678 = vector.shape_cast %get3A_674 : vector<16xi32> to vector<16xi32>
      tpu.vector_store %arg12[%swap3A_675], %swap3A_678 {strides = array<i32>} : memref<64xi32, #tpu.memory_space<vmem>>, vector<16xi32>,
      %get3A_679 = arith.constant 3 : i32
      %get3A_680 = arith.constant 0 : i32
      %get3A_681 = arith.index_cast %get3A_679 : i32 to index
      %get3A_682 = arith.index_cast %get3A_680 : i32 to index
      %get3A_683 = arith.constant 32 : index
      %get3A_684 = tpu.vector_load %arg7[%get3A_681, %get3A_682, %get3A_683] {strides = array<i32>} : memref<10x2x64xi32, #tpu.memory_space<vmem>>, vector<1x1x16xi32>,
      %get3A_685 = vector.shape_cast %get3A_684 : vector<1x1x16xi32> to vector<16xi32>
      %swap3A_686 = arith.constant 32 : index
      %swap3A_687 = tpu.vector_load %arg12[%swap3A_686] {strides = array<i32>} : memref<64xi32, #tpu.memory_space<vmem>>, vector<16xi32>,
      %swap3A_688 = vector.shape_cast %swap3A_687 : vector<16xi32> to vector<16xi32>
      %swap3A_689 = vector.shape_cast %get3A_685 : vector<16xi32> to vector<16xi32>
      tpu.vector_store %arg12[%swap3A_686], %swap3A_689 {strides = array<i32>} : memref<64xi32, #tpu.memory_space<vmem>>, vector<16xi32>,
      %get3A_690 = arith.constant 3 : i32
      %get3A_691 = arith.constant 0 : i32
      %get3A_692 = arith.index_cast %get3A_690 : i32 to index
      %get3A_693 = arith.index_cast %get3A_691 : i32 to index
      %get3A_694 = arith.constant 48 : index
      %get3A_695 = tpu.vector_load %arg7[%get3A_692, %get3A_693, %get3A_694] {strides = array<i32>} : memref<10x2x64xi32, #tpu.memory_space<vmem>>, vector<1x1x16xi32>,
      %get3A_696 = vector.shape_cast %get3A_695 : vector<1x1x16xi32> to vector<16xi32>
      %swap3A_697 = arith.constant 48 : index
      %swap3A_698 = tpu.vector_load %arg12[%swap3A_697] {strides = array<i32>} : memref<64xi32, #tpu.memory_space<vmem>>, vector<16xi32>,
      %swap3A_699 = vector.shape_cast %swap3A_698 : vector<16xi32> to vector<16xi32>
      %swap3A_700 = vector.shape_cast %get3A_696 : vector<16xi32> to vector<16xi32>
      tpu.vector_store %arg12[%swap3A_697], %swap3A_700 {strides = array<i32>} : memref<64xi32, #tpu.memory_space<vmem>>, vector<16xi32>,
      %dma_start3A_701 = arith.constant 0 : i32
      %dma_start3A_702 = arith.constant 0 : i32
      %dma_start3A_703 = tpu.memref_slice %arg6[%dma_start3A_701, %dma_start3A_702] : memref<10000x128xf32, #tpu.memory_space<vmem_shared>> -> memref<10000x128xf32, #tpu.memory_space<vmem_shared>>
      tpu.enqueue_indirect_dma source(%arg17 : memref<64x128xf32, #tpu.memory_space<vmem>>) target(%dma_start3A_703 : memref<10000x128xf32, #tpu.memory_space<vmem_shared>>) offsets(%arg12 : memref<64xi32, #tpu.memory_space<vmem>>) semaphore(%arg27 : memref<!tpu.dma_semaphore, #tpu.memory_space<semaphore_mem>>) {add = true}
      %ge3A_704 = arith.constant 2 : i32
      %ge3A_705 = arith.cmpi sge, %add3A_648, %ge3A_704 : i32
      %convert_element_type3A_706 = arith.extui %ge3A_705 : i1 to i32
      %cond3A_707 = arith.constant 0 : i32
      %cond3A_708 = arith.cmpi ne, %convert_element_type3A_706, %cond3A_707 : i32
      scf.if %cond3A_708 {
        %dma_wait3A_1193 = arith.constant 0 : i32
        %dma_wait3A_1194 = arith.constant 0 : i32
        %dma_wait3A_1195 = tpu.memref_slice %arg6[%dma_wait3A_1193, %dma_wait3A_1194] : memref<10000x128xf32, #tpu.memory_space<vmem_shared>> -> memref<10000x128xf32, #tpu.memory_space<vmem_shared>>
        tpu.wait_indirect_dma semaphore(%arg25 : memref<!tpu.dma_semaphore, #tpu.memory_space<semaphore_mem>>) src(%arg15 : memref<64x128xf32, #tpu.memory_space<vmem>>) dst(%dma_wait3A_1195 : memref<10000x128xf32, #tpu.memory_space<vmem_shared>>)
      } else {
      }
      %add3A_709 = arith.constant 10 : i32
      %add3A_710 = arith.addi %add3A_648, %add3A_709 : i32
      %sub3A_711 = arith.constant 2 : i32
      %sub3A_712 = arith.subi %add3A_710, %sub3A_711 : i32
      %lt3A_713 = arith.constant 160 : i32
      %lt3A_714 = arith.cmpi slt, %sub3A_712, %lt3A_713 : i32
      %convert_element_type3A_715 = arith.extui %lt3A_714 : i1 to i32
      %cond3A_716 = arith.constant 0 : i32
      %cond3A_717 = arith.cmpi ne, %convert_element_type3A_715, %cond3A_716 : i32
      scf.if %cond3A_717 {
        %add3A_1193 = arith.constant 10 : i32
        %add3A_1194 = arith.addi %add3A_648, %add3A_1193 : i32
        %sub3A_1195 = arith.constant 2 : i32
        %sub3A_1196 = arith.subi %add3A_1194, %sub3A_1195 : i32
        %dma_start3A_1197 = arith.constant 1 : i32
        %dma_start3A_1198 = arith.constant 0 : i32
        %dma_start3A_1199 = arith.constant 0 : i32
        %dma_start3A_1200 = tpu.memref_slice %arg7[%dma_start3A_1197, %dma_start3A_1198, %dma_start3A_1199] : memref<10x2x64xi32, #tpu.memory_space<vmem>> -> memref<1x2x64xi32, #tpu.memory_space<vmem>>
        %dma_start3A_1201 = tpu.memref_squeeze %dma_start3A_1200 : memref<1x2x64xi32, #tpu.memory_space<vmem>> -> memref<2x64xi32, #tpu.memory_space<vmem>>
        %dma_start3A_1202 = arith.constant 0 : i32
        %dma_start3A_1203 = arith.constant 0 : i32
        %dma_start3A_1204 = tpu.memref_slice %arg3[%add3A, %sub3A_1196, %dma_start3A_1202, %dma_start3A_1203] : memref<32x160x2x64xi32, #tpu.memory_space<hbm>> -> memref<1x1x2x64xi32, #tpu.memory_space<hbm>>
        %dma_start3A_1205 = tpu.memref_squeeze %dma_start3A_1204 : memref<1x1x2x64xi32, #tpu.memory_space<hbm>> -> memref<2x64xi32, #tpu.memory_space<hbm>>
        %dma_start3A_1206 = arith.constant 0 : i32
        %dma_start3A_1207 = arith.constant 0 : i32
        %dma_start3A_1208 = tpu.memref_slice %arg7[%dma_start3A_1197, %dma_start3A_1206, %dma_start3A_1207] : memref<10x2x64xi32, #tpu.memory_space<vmem>> -> memref<1x2x64xi32, #tpu.memory_space<vmem>>
        %dma_start3A_1209 = tpu.memref_squeeze %dma_start3A_1208 : memref<1x2x64xi32, #tpu.memory_space<vmem>> -> memref<2x64xi32, #tpu.memory_space<vmem>>
        %dma_start3A_1210 = arith.constant 0 : i32
        %dma_start3A_1211 = arith.constant 0 : i32
        %dma_start3A_1212 = tpu.memref_slice %arg3[%add3A, %sub3A_1196, %dma_start3A_1210, %dma_start3A_1211] : memref<32x160x2x64xi32, #tpu.memory_space<hbm>> -> memref<1x1x2x64xi32, #tpu.memory_space<hbm>>
        %dma_start3A_1213 = tpu.memref_squeeze %dma_start3A_1212 : memref<1x1x2x64xi32, #tpu.memory_space<hbm>> -> memref<2x64xi32, #tpu.memory_space<hbm>>
        tpu.enqueue_dma source(%dma_start3A_1213 : memref<2x64xi32, #tpu.memory_space<hbm>>) target(%dma_start3A_1209 : memref<2x64xi32, #tpu.memory_space<vmem>>) target_semaphore(%arg30 : memref<!tpu.dma_semaphore, #tpu.memory_space<semaphore_mem>>)
        %add3A_1214 = arith.constant 10 : i32
        %add3A_1215 = arith.addi %add3A_648, %add3A_1214 : i32
        %sub3A_1216 = arith.constant 2 : i32
        %sub3A_1217 = arith.subi %add3A_1215, %sub3A_1216 : i32
        %dma_start3A_1218 = arith.constant 1 : i32
        %dma_start3A_1219 = arith.constant 0 : i32
        %dma_start3A_1220 = tpu.memref_slice %arg8[%dma_start3A_1218, %dma_start3A_1219] : memref<10x64xf32, #tpu.memory_space<vmem>> -> memref<1x64xf32, #tpu.memory_space<vmem>>
        %dma_start3A_1221 = tpu.memref_squeeze %dma_start3A_1220 : memref<1x64xf32, #tpu.memory_space<vmem>> -> memref<64xf32, #tpu.memory_space<vmem>>
        %dma_start3A_1222 = arith.constant 0 : i32
        %dma_start3A_1223 = tpu.memref_slice %arg4[%add3A, %sub3A_1217, %dma_start3A_1222] : memref<32x160x64xf32, #tpu.memory_space<hbm>> -> memref<1x1x64xf32, #tpu.memory_space<hbm>>
        %dma_start3A_1224 = tpu.memref_squeeze %dma_start3A_1223 : memref<1x1x64xf32, #tpu.memory_space<hbm>> -> memref<64xf32, #tpu.memory_space<hbm>>
        %dma_start3A_1225 = arith.constant 0 : i32
        %dma_start3A_1226 = tpu.memref_slice %arg8[%dma_start3A_1218, %dma_start3A_1225] : memref<10x64xf32, #tpu.memory_space<vmem>> -> memref<1x64xf32, #tpu.memory_space<vmem>>
        %dma_start3A_1227 = tpu.memref_squeeze %dma_start3A_1226 : memref<1x64xf32, #tpu.memory_space<vmem>> -> memref<64xf32, #tpu.memory_space<vmem>>
        %dma_start3A_1228 = arith.constant 0 : i32
        %dma_start3A_1229 = tpu.memref_slice %arg4[%add3A, %sub3A_1217, %dma_start3A_1228] : memref<32x160x64xf32, #tpu.memory_space<hbm>> -> memref<1x1x64xf32, #tpu.memory_space<hbm>>
        %dma_start3A_1230 = tpu.memref_squeeze %dma_start3A_1229 : memref<1x1x64xf32, #tpu.memory_space<hbm>> -> memref<64xf32, #tpu.memory_space<hbm>>
        tpu.enqueue_dma source(%dma_start3A_1230 : memref<64xf32, #tpu.memory_space<hbm>>) target(%dma_start3A_1227 : memref<64xf32, #tpu.memory_space<vmem>>) target_semaphore(%arg40 : memref<!tpu.dma_semaphore, #tpu.memory_space<semaphore_mem>>)
      } else {
      }
      %add3A_718 = arith.constant 3 : i32
      %add3A_719 = arith.addi %add3A_648, %add3A_718 : i32
      %lt3A_720 = arith.constant 160 : i32
      %lt3A_721 = arith.cmpi slt, %add3A_719, %lt3A_720 : i32
      %convert_element_type3A_722 = arith.extui %lt3A_721 : i1 to i32
      %cond3A_723 = arith.constant 0 : i32
      %cond3A_724 = arith.cmpi ne, %convert_element_type3A_722, %cond3A_723 : i32
      scf.if %cond3A_724 {
        %add3A_1193 = arith.constant 3 : i32
        %add3A_1194 = arith.addi %add3A_648, %add3A_1193 : i32
        %dma_wait3A_1195 = arith.constant 6 : i32
        %dma_wait3A_1196 = arith.constant 0 : i32
        %dma_wait3A_1197 = arith.constant 0 : i32
        %dma_wait3A_1198 = tpu.memref_slice %arg7[%dma_wait3A_1195, %dma_wait3A_1196, %dma_wait3A_1197] : memref<10x2x64xi32, #tpu.memory_space<vmem>> -> memref<1x2x64xi32, #tpu.memory_space<vmem>>
        %dma_wait3A_1199 = tpu.memref_squeeze %dma_wait3A_1198 : memref<1x2x64xi32, #tpu.memory_space<vmem>> -> memref<2x64xi32, #tpu.memory_space<vmem>>
        %dma_wait3A_1200 = arith.constant 0 : i32
        %dma_wait3A_1201 = arith.constant 0 : i32
        %dma_wait3A_1202 = tpu.memref_slice %arg3[%add3A, %add3A_1194, %dma_wait3A_1200, %dma_wait3A_1201] : memref<32x160x2x64xi32, #tpu.memory_space<hbm>> -> memref<1x1x2x64xi32, #tpu.memory_space<hbm>>
        %dma_wait3A_1203 = tpu.memref_squeeze %dma_wait3A_1202 : memref<1x1x2x64xi32, #tpu.memory_space<hbm>> -> memref<2x64xi32, #tpu.memory_space<hbm>>
        %dma_wait3A_1204 = arith.constant 0 : i32
        %dma_wait3A_1205 = arith.constant 0 : i32
        %dma_wait3A_1206 = tpu.memref_slice %arg7[%dma_wait3A_1195, %dma_wait3A_1204, %dma_wait3A_1205] : memref<10x2x64xi32, #tpu.memory_space<vmem>> -> memref<1x2x64xi32, #tpu.memory_space<vmem>>
        %dma_wait3A_1207 = tpu.memref_squeeze %dma_wait3A_1206 : memref<1x2x64xi32, #tpu.memory_space<vmem>> -> memref<2x64xi32, #tpu.memory_space<vmem>>
        %dma_wait3A_1208 = arith.constant 0 : i32
        %dma_wait3A_1209 = arith.constant 0 : i32
        %dma_wait3A_1210 = tpu.memref_slice %arg3[%add3A, %add3A_1194, %dma_wait3A_1208, %dma_wait3A_1209] : memref<32x160x2x64xi32, #tpu.memory_space<hbm>> -> memref<1x1x2x64xi32, #tpu.memory_space<hbm>>
        %dma_wait3A_1211 = tpu.memref_squeeze %dma_wait3A_1210 : memref<1x1x2x64xi32, #tpu.memory_space<hbm>> -> memref<2x64xi32, #tpu.memory_space<hbm>>
        tpu.wait_dma2 semaphore(%arg35 : memref<!tpu.dma_semaphore, #tpu.memory_space<semaphore_mem>>) src(%dma_wait3A_1211 : memref<2x64xi32, #tpu.memory_space<hbm>>) dst(%dma_wait3A_1207 : memref<2x64xi32, #tpu.memory_space<vmem>>)
        %add3A_1212 = arith.constant 3 : i32
        %add3A_1213 = arith.addi %add3A_648, %add3A_1212 : i32
        %dma_wait3A_1214 = arith.constant 6 : i32
        %dma_wait3A_1215 = arith.constant 0 : i32
        %dma_wait3A_1216 = tpu.memref_slice %arg8[%dma_wait3A_1214, %dma_wait3A_1215] : memref<10x64xf32, #tpu.memory_space<vmem>> -> memref<1x64xf32, #tpu.memory_space<vmem>>
        %dma_wait3A_1217 = tpu.memref_squeeze %dma_wait3A_1216 : memref<1x64xf32, #tpu.memory_space<vmem>> -> memref<64xf32, #tpu.memory_space<vmem>>
        %dma_wait3A_1218 = arith.constant 0 : i32
        %dma_wait3A_1219 = tpu.memref_slice %arg4[%add3A, %add3A_1213, %dma_wait3A_1218] : memref<32x160x64xf32, #tpu.memory_space<hbm>> -> memref<1x1x64xf32, #tpu.memory_space<hbm>>
        %dma_wait3A_1220 = tpu.memref_squeeze %dma_wait3A_1219 : memref<1x1x64xf32, #tpu.memory_space<hbm>> -> memref<64xf32, #tpu.memory_space<hbm>>
        %dma_wait3A_1221 = arith.constant 0 : i32
        %dma_wait3A_1222 = tpu.memref_slice %arg8[%dma_wait3A_1214, %dma_wait3A_1221] : memref<10x64xf32, #tpu.memory_space<vmem>> -> memref<1x64xf32, #tpu.memory_space<vmem>>
        %dma_wait3A_1223 = tpu.memref_squeeze %dma_wait3A_1222 : memref<1x64xf32, #tpu.memory_space<vmem>> -> memref<64xf32, #tpu.memory_space<vmem>>
        %dma_wait3A_1224 = arith.constant 0 : i32
        %dma_wait3A_1225 = tpu.memref_slice %arg4[%add3A, %add3A_1213, %dma_wait3A_1224] : memref<32x160x64xf32, #tpu.memory_space<hbm>> -> memref<1x1x64xf32, #tpu.memory_space<hbm>>
        %dma_wait3A_1226 = tpu.memref_squeeze %dma_wait3A_1225 : memref<1x1x64xf32, #tpu.memory_space<hbm>> -> memref<64xf32, #tpu.memory_space<hbm>>
        tpu.wait_dma2 semaphore(%arg45 : memref<!tpu.dma_semaphore, #tpu.memory_space<semaphore_mem>>) src(%dma_wait3A_1226 : memref<64xf32, #tpu.memory_space<hbm>>) dst(%dma_wait3A_1223 : memref<64xf32, #tpu.memory_space<vmem>>)
        %dma_start3A_1227 = arith.constant 6 : i32
        %dma_start3A_1228 = arith.constant 1 : i32
        %dma_start3A_1229 = arith.constant 0 : i32
        %dma_start3A_1230 = tpu.memref_slice %arg7[%dma_start3A_1227, %dma_start3A_1228, %dma_start3A_1229] : memref<10x2x64xi32, #tpu.memory_space<vmem>> -> memref<1x1x64xi32, #tpu.memory_space<vmem>>
        %dma_start3A_1231 = tpu.memref_squeeze %dma_start3A_1230 : memref<1x1x64xi32, #tpu.memory_space<vmem>> -> memref<64xi32, #tpu.memory_space<vmem>>
        %dma_start3A_1232 = arith.constant 0 : i32
        %dma_start3A_1233 = arith.constant 0 : i32
        %dma_start3A_1234 = tpu.memref_slice %arg2[%dma_start3A_1232, %dma_start3A_1233] : memref<10000x128xf32, #tpu.memory_space<hbm>> -> memref<10000x128xf32, #tpu.memory_space<hbm>>
        tpu.enqueue_indirect_dma source(%dma_start3A_1234 : memref<10000x128xf32, #tpu.memory_space<hbm>>) target(%arg15 : memref<64x128xf32, #tpu.memory_space<vmem>>) offsets(%dma_start3A_1231 : memref<64xi32, #tpu.memory_space<vmem>>) semaphore(%arg20 : memref<!tpu.dma_semaphore, #tpu.memory_space<semaphore_mem>>)
      } else {
      }
      %add3A_725 = arith.constant 4 : i32
      %add3A_726 = arith.addi %add3A_418, %add3A_725 : i32
      %dma_wait3A_727 = arith.constant 4 : i32
      %dma_wait3A_728 = arith.constant 1 : i32
      %dma_wait3A_729 = arith.constant 0 : i32
      %dma_wait3A_730 = tpu.memref_slice %arg7[%dma_wait3A_727, %dma_wait3A_728, %dma_wait3A_729] : memref<10x2x64xi32, #tpu.memory_space<vmem>> -> memref<1x1x64xi32, #tpu.memory_space<vmem>>
      %dma_wait3A_731 = tpu.memref_squeeze %dma_wait3A_730 : memref<1x1x64xi32, #tpu.memory_space<vmem>> -> memref<64xi32, #tpu.memory_space<vmem>>
      %dma_wait3A_732 = arith.constant 0 : i32
      %dma_wait3A_733 = arith.constant 0 : i32
      %dma_wait3A_734 = tpu.memref_slice %arg2[%dma_wait3A_732, %dma_wait3A_733] : memref<10000x128xf32, #tpu.memory_space<hbm>> -> memref<10000x128xf32, #tpu.memory_space<hbm>>
      tpu.wait_indirect_dma semaphore(%arg23 : memref<!tpu.dma_semaphore, #tpu.memory_space<semaphore_mem>>) src(%dma_wait3A_734 : memref<10000x128xf32, #tpu.memory_space<hbm>>) dst(%arg18 : memref<64x128xf32, #tpu.memory_space<vmem>>)
      %get3A_735 = arith.constant 4 : i32
      %get3A_736 = arith.constant 0 : i32
      %get3A_737 = arith.index_cast %get3A_735 : i32 to index
      %get3A_738 = arith.index_cast %get3A_736 : i32 to index
      %get3A_739 = arith.constant 0 : index
      %get3A_740 = tpu.vector_load %arg7[%get3A_737, %get3A_738, %get3A_739] {strides = array<i32>} : memref<10x2x64xi32, #tpu.memory_space<vmem>>, vector<1x1x16xi32>,
      %get3A_741 = vector.shape_cast %get3A_740 : vector<1x1x16xi32> to vector<16xi32>
      %swap3A_742 = arith.constant 0 : index
      %swap3A_743 = tpu.vector_load %arg13[%swap3A_742] {strides = array<i32>} : memref<64xi32, #tpu.memory_space<vmem>>, vector<16xi32>,
      %swap3A_744 = vector.shape_cast %swap3A_743 : vector<16xi32> to vector<16xi32>
      %swap3A_745 = vector.shape_cast %get3A_741 : vector<16xi32> to vector<16xi32>
      tpu.vector_store %arg13[%swap3A_742], %swap3A_745 {strides = array<i32>} : memref<64xi32, #tpu.memory_space<vmem>>, vector<16xi32>,
      %get3A_746 = arith.constant 4 : i32
      %get3A_747 = arith.constant 0 : i32
      %get3A_748 = arith.index_cast %get3A_746 : i32 to index
      %get3A_749 = arith.index_cast %get3A_747 : i32 to index
      %get3A_750 = arith.constant 16 : index
      %get3A_751 = tpu.vector_load %arg7[%get3A_748, %get3A_749, %get3A_750] {strides = array<i32>} : memref<10x2x64xi32, #tpu.memory_space<vmem>>, vector<1x1x16xi32>,
      %get3A_752 = vector.shape_cast %get3A_751 : vector<1x1x16xi32> to vector<16xi32>
      %swap3A_753 = arith.constant 16 : index
      %swap3A_754 = tpu.vector_load %arg13[%swap3A_753] {strides = array<i32>} : memref<64xi32, #tpu.memory_space<vmem>>, vector<16xi32>,
      %swap3A_755 = vector.shape_cast %swap3A_754 : vector<16xi32> to vector<16xi32>
      %swap3A_756 = vector.shape_cast %get3A_752 : vector<16xi32> to vector<16xi32>
      tpu.vector_store %arg13[%swap3A_753], %swap3A_756 {strides = array<i32>} : memref<64xi32, #tpu.memory_space<vmem>>, vector<16xi32>,
      %get3A_757 = arith.constant 4 : i32
      %get3A_758 = arith.constant 0 : i32
      %get3A_759 = arith.index_cast %get3A_757 : i32 to index
      %get3A_760 = arith.index_cast %get3A_758 : i32 to index
      %get3A_761 = arith.constant 32 : index
      %get3A_762 = tpu.vector_load %arg7[%get3A_759, %get3A_760, %get3A_761] {strides = array<i32>} : memref<10x2x64xi32, #tpu.memory_space<vmem>>, vector<1x1x16xi32>,
      %get3A_763 = vector.shape_cast %get3A_762 : vector<1x1x16xi32> to vector<16xi32>
      %swap3A_764 = arith.constant 32 : index
      %swap3A_765 = tpu.vector_load %arg13[%swap3A_764] {strides = array<i32>} : memref<64xi32, #tpu.memory_space<vmem>>, vector<16xi32>,
      %swap3A_766 = vector.shape_cast %swap3A_765 : vector<16xi32> to vector<16xi32>
      %swap3A_767 = vector.shape_cast %get3A_763 : vector<16xi32> to vector<16xi32>
      tpu.vector_store %arg13[%swap3A_764], %swap3A_767 {strides = array<i32>} : memref<64xi32, #tpu.memory_space<vmem>>, vector<16xi32>,
      %get3A_768 = arith.constant 4 : i32
      %get3A_769 = arith.constant 0 : i32
      %get3A_770 = arith.index_cast %get3A_768 : i32 to index
      %get3A_771 = arith.index_cast %get3A_769 : i32 to index
      %get3A_772 = arith.constant 48 : index
      %get3A_773 = tpu.vector_load %arg7[%get3A_770, %get3A_771, %get3A_772] {strides = array<i32>} : memref<10x2x64xi32, #tpu.memory_space<vmem>>, vector<1x1x16xi32>,
      %get3A_774 = vector.shape_cast %get3A_773 : vector<1x1x16xi32> to vector<16xi32>
      %swap3A_775 = arith.constant 48 : index
      %swap3A_776 = tpu.vector_load %arg13[%swap3A_775] {strides = array<i32>} : memref<64xi32, #tpu.memory_space<vmem>>, vector<16xi32>,
      %swap3A_777 = vector.shape_cast %swap3A_776 : vector<16xi32> to vector<16xi32>
      %swap3A_778 = vector.shape_cast %get3A_774 : vector<16xi32> to vector<16xi32>
      tpu.vector_store %arg13[%swap3A_775], %swap3A_778 {strides = array<i32>} : memref<64xi32, #tpu.memory_space<vmem>>, vector<16xi32>,
      %dma_start3A_779 = arith.constant 0 : i32
      %dma_start3A_780 = arith.constant 0 : i32
      %dma_start3A_781 = tpu.memref_slice %arg6[%dma_start3A_779, %dma_start3A_780] : memref<10000x128xf32, #tpu.memory_space<vmem_shared>> -> memref<10000x128xf32, #tpu.memory_space<vmem_shared>>
      tpu.enqueue_indirect_dma source(%arg18 : memref<64x128xf32, #tpu.memory_space<vmem>>) target(%dma_start3A_781 : memref<10000x128xf32, #tpu.memory_space<vmem_shared>>) offsets(%arg13 : memref<64xi32, #tpu.memory_space<vmem>>) semaphore(%arg28 : memref<!tpu.dma_semaphore, #tpu.memory_space<semaphore_mem>>) {add = true}
      %ge3A_782 = arith.constant 2 : i32
      %ge3A_783 = arith.cmpi sge, %add3A_726, %ge3A_782 : i32
      %convert_element_type3A_784 = arith.extui %ge3A_783 : i1 to i32
      %cond3A_785 = arith.constant 0 : i32
      %cond3A_786 = arith.cmpi ne, %convert_element_type3A_784, %cond3A_785 : i32
      scf.if %cond3A_786 {
        %dma_wait3A_1193 = arith.constant 0 : i32
        %dma_wait3A_1194 = arith.constant 0 : i32
        %dma_wait3A_1195 = tpu.memref_slice %arg6[%dma_wait3A_1193, %dma_wait3A_1194] : memref<10000x128xf32, #tpu.memory_space<vmem_shared>> -> memref<10000x128xf32, #tpu.memory_space<vmem_shared>>
        tpu.wait_indirect_dma semaphore(%arg26 : memref<!tpu.dma_semaphore, #tpu.memory_space<semaphore_mem>>) src(%arg16 : memref<64x128xf32, #tpu.memory_space<vmem>>) dst(%dma_wait3A_1195 : memref<10000x128xf32, #tpu.memory_space<vmem_shared>>)
      } else {
      }
      %add3A_787 = arith.constant 10 : i32
      %add3A_788 = arith.addi %add3A_726, %add3A_787 : i32
      %sub3A_789 = arith.constant 2 : i32
      %sub3A_790 = arith.subi %add3A_788, %sub3A_789 : i32
      %lt3A_791 = arith.constant 160 : i32
      %lt3A_792 = arith.cmpi slt, %sub3A_790, %lt3A_791 : i32
      %convert_element_type3A_793 = arith.extui %lt3A_792 : i1 to i32
      %cond3A_794 = arith.constant 0 : i32
      %cond3A_795 = arith.cmpi ne, %convert_element_type3A_793, %cond3A_794 : i32
      scf.if %cond3A_795 {
        %add3A_1193 = arith.constant 10 : i32
        %add3A_1194 = arith.addi %add3A_726, %add3A_1193 : i32
        %sub3A_1195 = arith.constant 2 : i32
        %sub3A_1196 = arith.subi %add3A_1194, %sub3A_1195 : i32
        %dma_start3A_1197 = arith.constant 2 : i32
        %dma_start3A_1198 = arith.constant 0 : i32
        %dma_start3A_1199 = arith.constant 0 : i32
        %dma_start3A_1200 = tpu.memref_slice %arg7[%dma_start3A_1197, %dma_start3A_1198, %dma_start3A_1199] : memref<10x2x64xi32, #tpu.memory_space<vmem>> -> memref<1x2x64xi32, #tpu.memory_space<vmem>>
        %dma_start3A_1201 = tpu.memref_squeeze %dma_start3A_1200 : memref<1x2x64xi32, #tpu.memory_space<vmem>> -> memref<2x64xi32, #tpu.memory_space<vmem>>
        %dma_start3A_1202 = arith.constant 0 : i32
        %dma_start3A_1203 = arith.constant 0 : i32
        %dma_start3A_1204 = tpu.memref_slice %arg3[%add3A, %sub3A_1196, %dma_start3A_1202, %dma_start3A_1203] : memref<32x160x2x64xi32, #tpu.memory_space<hbm>> -> memref<1x1x2x64xi32, #tpu.memory_space<hbm>>
        %dma_start3A_1205 = tpu.memref_squeeze %dma_start3A_1204 : memref<1x1x2x64xi32, #tpu.memory_space<hbm>> -> memref<2x64xi32, #tpu.memory_space<hbm>>
        %dma_start3A_1206 = arith.constant 0 : i32
        %dma_start3A_1207 = arith.constant 0 : i32
        %dma_start3A_1208 = tpu.memref_slice %arg7[%dma_start3A_1197, %dma_start3A_1206, %dma_start3A_1207] : memref<10x2x64xi32, #tpu.memory_space<vmem>> -> memref<1x2x64xi32, #tpu.memory_space<vmem>>
        %dma_start3A_1209 = tpu.memref_squeeze %dma_start3A_1208 : memref<1x2x64xi32, #tpu.memory_space<vmem>> -> memref<2x64xi32, #tpu.memory_space<vmem>>
        %dma_start3A_1210 = arith.constant 0 : i32
        %dma_start3A_1211 = arith.constant 0 : i32
        %dma_start3A_1212 = tpu.memref_slice %arg3[%add3A, %sub3A_1196, %dma_start3A_1210, %dma_start3A_1211] : memref<32x160x2x64xi32, #tpu.memory_space<hbm>> -> memref<1x1x2x64xi32, #tpu.memory_space<hbm>>
        %dma_start3A_1213 = tpu.memref_squeeze %dma_start3A_1212 : memref<1x1x2x64xi32, #tpu.memory_space<hbm>> -> memref<2x64xi32, #tpu.memory_space<hbm>>
        tpu.enqueue_dma source(%dma_start3A_1213 : memref<2x64xi32, #tpu.memory_space<hbm>>) target(%dma_start3A_1209 : memref<2x64xi32, #tpu.memory_space<vmem>>) target_semaphore(%arg31 : memref<!tpu.dma_semaphore, #tpu.memory_space<semaphore_mem>>)
        %add3A_1214 = arith.constant 10 : i32
        %add3A_1215 = arith.addi %add3A_726, %add3A_1214 : i32
        %sub3A_1216 = arith.constant 2 : i32
        %sub3A_1217 = arith.subi %add3A_1215, %sub3A_1216 : i32
        %dma_start3A_1218 = arith.constant 2 : i32
        %dma_start3A_1219 = arith.constant 0 : i32
        %dma_start3A_1220 = tpu.memref_slice %arg8[%dma_start3A_1218, %dma_start3A_1219] : memref<10x64xf32, #tpu.memory_space<vmem>> -> memref<1x64xf32, #tpu.memory_space<vmem>>
        %dma_start3A_1221 = tpu.memref_squeeze %dma_start3A_1220 : memref<1x64xf32, #tpu.memory_space<vmem>> -> memref<64xf32, #tpu.memory_space<vmem>>
        %dma_start3A_1222 = arith.constant 0 : i32
        %dma_start3A_1223 = tpu.memref_slice %arg4[%add3A, %sub3A_1217, %dma_start3A_1222] : memref<32x160x64xf32, #tpu.memory_space<hbm>> -> memref<1x1x64xf32, #tpu.memory_space<hbm>>
        %dma_start3A_1224 = tpu.memref_squeeze %dma_start3A_1223 : memref<1x1x64xf32, #tpu.memory_space<hbm>> -> memref<64xf32, #tpu.memory_space<hbm>>
        %dma_start3A_1225 = arith.constant 0 : i32
        %dma_start3A_1226 = tpu.memref_slice %arg8[%dma_start3A_1218, %dma_start3A_1225] : memref<10x64xf32, #tpu.memory_space<vmem>> -> memref<1x64xf32, #tpu.memory_space<vmem>>
        %dma_start3A_1227 = tpu.memref_squeeze %dma_start3A_1226 : memref<1x64xf32, #tpu.memory_space<vmem>> -> memref<64xf32, #tpu.memory_space<vmem>>
        %dma_start3A_1228 = arith.constant 0 : i32
        %dma_start3A_1229 = tpu.memref_slice %arg4[%add3A, %sub3A_1217, %dma_start3A_1228] : memref<32x160x64xf32, #tpu.memory_space<hbm>> -> memref<1x1x64xf32, #tpu.memory_space<hbm>>
        %dma_start3A_1230 = tpu.memref_squeeze %dma_start3A_1229 : memref<1x1x64xf32, #tpu.memory_space<hbm>> -> memref<64xf32, #tpu.memory_space<hbm>>
        tpu.enqueue_dma source(%dma_start3A_1230 : memref<64xf32, #tpu.memory_space<hbm>>) target(%dma_start3A_1227 : memref<64xf32, #tpu.memory_space<vmem>>) target_semaphore(%arg41 : memref<!tpu.dma_semaphore, #tpu.memory_space<semaphore_mem>>)
      } else {
      }
      %add3A_796 = arith.constant 3 : i32
      %add3A_797 = arith.addi %add3A_726, %add3A_796 : i32
      %lt3A_798 = arith.constant 160 : i32
      %lt3A_799 = arith.cmpi slt, %add3A_797, %lt3A_798 : i32
      %convert_element_type3A_800 = arith.extui %lt3A_799 : i1 to i32
      %cond3A_801 = arith.constant 0 : i32
      %cond3A_802 = arith.cmpi ne, %convert_element_type3A_800, %cond3A_801 : i32
      scf.if %cond3A_802 {
        %add3A_1193 = arith.constant 3 : i32
        %add3A_1194 = arith.addi %add3A_726, %add3A_1193 : i32
        %dma_wait3A_1195 = arith.constant 7 : i32
        %dma_wait3A_1196 = arith.constant 0 : i32
        %dma_wait3A_1197 = arith.constant 0 : i32
        %dma_wait3A_1198 = tpu.memref_slice %arg7[%dma_wait3A_1195, %dma_wait3A_1196, %dma_wait3A_1197] : memref<10x2x64xi32, #tpu.memory_space<vmem>> -> memref<1x2x64xi32, #tpu.memory_space<vmem>>
        %dma_wait3A_1199 = tpu.memref_squeeze %dma_wait3A_1198 : memref<1x2x64xi32, #tpu.memory_space<vmem>> -> memref<2x64xi32, #tpu.memory_space<vmem>>
        %dma_wait3A_1200 = arith.constant 0 : i32
        %dma_wait3A_1201 = arith.constant 0 : i32
        %dma_wait3A_1202 = tpu.memref_slice %arg3[%add3A, %add3A_1194, %dma_wait3A_1200, %dma_wait3A_1201] : memref<32x160x2x64xi32, #tpu.memory_space<hbm>> -> memref<1x1x2x64xi32, #tpu.memory_space<hbm>>
        %dma_wait3A_1203 = tpu.memref_squeeze %dma_wait3A_1202 : memref<1x1x2x64xi32, #tpu.memory_space<hbm>> -> memref<2x64xi32, #tpu.memory_space<hbm>>
        %dma_wait3A_1204 = arith.constant 0 : i32
        %dma_wait3A_1205 = arith.constant 0 : i32
        %dma_wait3A_1206 = tpu.memref_slice %arg7[%dma_wait3A_1195, %dma_wait3A_1204, %dma_wait3A_1205] : memref<10x2x64xi32, #tpu.memory_space<vmem>> -> memref<1x2x64xi32, #tpu.memory_space<vmem>>
        %dma_wait3A_1207 = tpu.memref_squeeze %dma_wait3A_1206 : memref<1x2x64xi32, #tpu.memory_space<vmem>> -> memref<2x64xi32, #tpu.memory_space<vmem>>
        %dma_wait3A_1208 = arith.constant 0 : i32
        %dma_wait3A_1209 = arith.constant 0 : i32
        %dma_wait3A_1210 = tpu.memref_slice %arg3[%add3A, %add3A_1194, %dma_wait3A_1208, %dma_wait3A_1209] : memref<32x160x2x64xi32, #tpu.memory_space<hbm>> -> memref<1x1x2x64xi32, #tpu.memory_space<hbm>>
        %dma_wait3A_1211 = tpu.memref_squeeze %dma_wait3A_1210 : memref<1x1x2x64xi32, #tpu.memory_space<hbm>> -> memref<2x64xi32, #tpu.memory_space<hbm>>
        tpu.wait_dma2 semaphore(%arg36 : memref<!tpu.dma_semaphore, #tpu.memory_space<semaphore_mem>>) src(%dma_wait3A_1211 : memref<2x64xi32, #tpu.memory_space<hbm>>) dst(%dma_wait3A_1207 : memref<2x64xi32, #tpu.memory_space<vmem>>)
        %add3A_1212 = arith.constant 3 : i32
        %add3A_1213 = arith.addi %add3A_726, %add3A_1212 : i32
        %dma_wait3A_1214 = arith.constant 7 : i32
        %dma_wait3A_1215 = arith.constant 0 : i32
        %dma_wait3A_1216 = tpu.memref_slice %arg8[%dma_wait3A_1214, %dma_wait3A_1215] : memref<10x64xf32, #tpu.memory_space<vmem>> -> memref<1x64xf32, #tpu.memory_space<vmem>>
        %dma_wait3A_1217 = tpu.memref_squeeze %dma_wait3A_1216 : memref<1x64xf32, #tpu.memory_space<vmem>> -> memref<64xf32, #tpu.memory_space<vmem>>
        %dma_wait3A_1218 = arith.constant 0 : i32
        %dma_wait3A_1219 = tpu.memref_slice %arg4[%add3A, %add3A_1213, %dma_wait3A_1218] : memref<32x160x64xf32, #tpu.memory_space<hbm>> -> memref<1x1x64xf32, #tpu.memory_space<hbm>>
        %dma_wait3A_1220 = tpu.memref_squeeze %dma_wait3A_1219 : memref<1x1x64xf32, #tpu.memory_space<hbm>> -> memref<64xf32, #tpu.memory_space<hbm>>
        %dma_wait3A_1221 = arith.constant 0 : i32
        %dma_wait3A_1222 = tpu.memref_slice %arg8[%dma_wait3A_1214, %dma_wait3A_1221] : memref<10x64xf32, #tpu.memory_space<vmem>> -> memref<1x64xf32, #tpu.memory_space<vmem>>
        %dma_wait3A_1223 = tpu.memref_squeeze %dma_wait3A_1222 : memref<1x64xf32, #tpu.memory_space<vmem>> -> memref<64xf32, #tpu.memory_space<vmem>>
        %dma_wait3A_1224 = arith.constant 0 : i32
        %dma_wait3A_1225 = tpu.memref_slice %arg4[%add3A, %add3A_1213, %dma_wait3A_1224] : memref<32x160x64xf32, #tpu.memory_space<hbm>> -> memref<1x1x64xf32, #tpu.memory_space<hbm>>
        %dma_wait3A_1226 = tpu.memref_squeeze %dma_wait3A_1225 : memref<1x1x64xf32, #tpu.memory_space<hbm>> -> memref<64xf32, #tpu.memory_space<hbm>>
        tpu.wait_dma2 semaphore(%arg46 : memref<!tpu.dma_semaphore, #tpu.memory_space<semaphore_mem>>) src(%dma_wait3A_1226 : memref<64xf32, #tpu.memory_space<hbm>>) dst(%dma_wait3A_1223 : memref<64xf32, #tpu.memory_space<vmem>>)
        %dma_start3A_1227 = arith.constant 7 : i32
        %dma_start3A_1228 = arith.constant 1 : i32
        %dma_start3A_1229 = arith.constant 0 : i32
        %dma_start3A_1230 = tpu.memref_slice %arg7[%dma_start3A_1227, %dma_start3A_1228, %dma_start3A_1229] : memref<10x2x64xi32, #tpu.memory_space<vmem>> -> memref<1x1x64xi32, #tpu.memory_space<vmem>>
        %dma_start3A_1231 = tpu.memref_squeeze %dma_start3A_1230 : memref<1x1x64xi32, #tpu.memory_space<vmem>> -> memref<64xi32, #tpu.memory_space<vmem>>
        %dma_start3A_1232 = arith.constant 0 : i32
        %dma_start3A_1233 = arith.constant 0 : i32
        %dma_start3A_1234 = tpu.memref_slice %arg2[%dma_start3A_1232, %dma_start3A_1233] : memref<10000x128xf32, #tpu.memory_space<hbm>> -> memref<10000x128xf32, #tpu.memory_space<hbm>>
        tpu.enqueue_indirect_dma source(%dma_start3A_1234 : memref<10000x128xf32, #tpu.memory_space<hbm>>) target(%arg16 : memref<64x128xf32, #tpu.memory_space<vmem>>) offsets(%dma_start3A_1231 : memref<64xi32, #tpu.memory_space<vmem>>) semaphore(%arg21 : memref<!tpu.dma_semaphore, #tpu.memory_space<semaphore_mem>>)
      } else {
      }
      %add3A_803 = arith.constant 5 : i32
      %add3A_804 = arith.addi %add3A_418, %add3A_803 : i32
      %dma_wait3A_805 = arith.constant 5 : i32
      %dma_wait3A_806 = arith.constant 1 : i32
      %dma_wait3A_807 = arith.constant 0 : i32
      %dma_wait3A_808 = tpu.memref_slice %arg7[%dma_wait3A_805, %dma_wait3A_806, %dma_wait3A_807] : memref<10x2x64xi32, #tpu.memory_space<vmem>> -> memref<1x1x64xi32, #tpu.memory_space<vmem>>
      %dma_wait3A_809 = tpu.memref_squeeze %dma_wait3A_808 : memref<1x1x64xi32, #tpu.memory_space<vmem>> -> memref<64xi32, #tpu.memory_space<vmem>>
      %dma_wait3A_810 = arith.constant 0 : i32
      %dma_wait3A_811 = arith.constant 0 : i32
      %dma_wait3A_812 = tpu.memref_slice %arg2[%dma_wait3A_810, %dma_wait3A_811] : memref<10000x128xf32, #tpu.memory_space<hbm>> -> memref<10000x128xf32, #tpu.memory_space<hbm>>
      tpu.wait_indirect_dma semaphore(%arg19 : memref<!tpu.dma_semaphore, #tpu.memory_space<semaphore_mem>>) src(%dma_wait3A_812 : memref<10000x128xf32, #tpu.memory_space<hbm>>) dst(%arg14 : memref<64x128xf32, #tpu.memory_space<vmem>>)
      %get3A_813 = arith.constant 5 : i32
      %get3A_814 = arith.constant 0 : i32
      %get3A_815 = arith.index_cast %get3A_813 : i32 to index
      %get3A_816 = arith.index_cast %get3A_814 : i32 to index
      %get3A_817 = arith.constant 0 : index
      %get3A_818 = tpu.vector_load %arg7[%get3A_815, %get3A_816, %get3A_817] {strides = array<i32>} : memref<10x2x64xi32, #tpu.memory_space<vmem>>, vector<1x1x16xi32>,
      %get3A_819 = vector.shape_cast %get3A_818 : vector<1x1x16xi32> to vector<16xi32>
      %swap3A_820 = arith.constant 0 : index
      %swap3A_821 = tpu.vector_load %arg9[%swap3A_820] {strides = array<i32>} : memref<64xi32, #tpu.memory_space<vmem>>, vector<16xi32>,
      %swap3A_822 = vector.shape_cast %swap3A_821 : vector<16xi32> to vector<16xi32>
      %swap3A_823 = vector.shape_cast %get3A_819 : vector<16xi32> to vector<16xi32>
      tpu.vector_store %arg9[%swap3A_820], %swap3A_823 {strides = array<i32>} : memref<64xi32, #tpu.memory_space<vmem>>, vector<16xi32>,
      %get3A_824 = arith.constant 5 : i32
      %get3A_825 = arith.constant 0 : i32
      %get3A_826 = arith.index_cast %get3A_824 : i32 to index
      %get3A_827 = arith.index_cast %get3A_825 : i32 to index
      %get3A_828 = arith.constant 16 : index
      %get3A_829 = tpu.vector_load %arg7[%get3A_826, %get3A_827, %get3A_828] {strides = array<i32>} : memref<10x2x64xi32, #tpu.memory_space<vmem>>, vector<1x1x16xi32>,
      %get3A_830 = vector.shape_cast %get3A_829 : vector<1x1x16xi32> to vector<16xi32>
      %swap3A_831 = arith.constant 16 : index
      %swap3A_832 = tpu.vector_load %arg9[%swap3A_831] {strides = array<i32>} : memref<64xi32, #tpu.memory_space<vmem>>, vector<16xi32>,
      %swap3A_833 = vector.shape_cast %swap3A_832 : vector<16xi32> to vector<16xi32>
      %swap3A_834 = vector.shape_cast %get3A_830 : vector<16xi32> to vector<16xi32>
      tpu.vector_store %arg9[%swap3A_831], %swap3A_834 {strides = array<i32>} : memref<64xi32, #tpu.memory_space<vmem>>, vector<16xi32>,
      %get3A_835 = arith.constant 5 : i32
      %get3A_836 = arith.constant 0 : i32
      %get3A_837 = arith.index_cast %get3A_835 : i32 to index
      %get3A_838 = arith.index_cast %get3A_836 : i32 to index
      %get3A_839 = arith.constant 32 : index
      %get3A_840 = tpu.vector_load %arg7[%get3A_837, %get3A_838, %get3A_839] {strides = array<i32>} : memref<10x2x64xi32, #tpu.memory_space<vmem>>, vector<1x1x16xi32>,
      %get3A_841 = vector.shape_cast %get3A_840 : vector<1x1x16xi32> to vector<16xi32>
      %swap3A_842 = arith.constant 32 : index
      %swap3A_843 = tpu.vector_load %arg9[%swap3A_842] {strides = array<i32>} : memref<64xi32, #tpu.memory_space<vmem>>, vector<16xi32>,
      %swap3A_844 = vector.shape_cast %swap3A_843 : vector<16xi32> to vector<16xi32>
      %swap3A_845 = vector.shape_cast %get3A_841 : vector<16xi32> to vector<16xi32>
      tpu.vector_store %arg9[%swap3A_842], %swap3A_845 {strides = array<i32>} : memref<64xi32, #tpu.memory_space<vmem>>, vector<16xi32>,
      %get3A_846 = arith.constant 5 : i32
      %get3A_847 = arith.constant 0 : i32
      %get3A_848 = arith.index_cast %get3A_846 : i32 to index
      %get3A_849 = arith.index_cast %get3A_847 : i32 to index
      %get3A_850 = arith.constant 48 : index
      %get3A_851 = tpu.vector_load %arg7[%get3A_848, %get3A_849, %get3A_850] {strides = array<i32>} : memref<10x2x64xi32, #tpu.memory_space<vmem>>, vector<1x1x16xi32>,
      %get3A_852 = vector.shape_cast %get3A_851 : vector<1x1x16xi32> to vector<16xi32>
      %swap3A_853 = arith.constant 48 : index
      %swap3A_854 = tpu.vector_load %arg9[%swap3A_853] {strides = array<i32>} : memref<64xi32, #tpu.memory_space<vmem>>, vector<16xi32>,
      %swap3A_855 = vector.shape_cast %swap3A_854 : vector<16xi32> to vector<16xi32>
      %swap3A_856 = vector.shape_cast %get3A_852 : vector<16xi32> to vector<16xi32>
      tpu.vector_store %arg9[%swap3A_853], %swap3A_856 {strides = array<i32>} : memref<64xi32, #tpu.memory_space<vmem>>, vector<16xi32>,
      %dma_start3A_857 = arith.constant 0 : i32
      %dma_start3A_858 = arith.constant 0 : i32
      %dma_start3A_859 = tpu.memref_slice %arg6[%dma_start3A_857, %dma_start3A_858] : memref<10000x128xf32, #tpu.memory_space<vmem_shared>> -> memref<10000x128xf32, #tpu.memory_space<vmem_shared>>
      tpu.enqueue_indirect_dma source(%arg14 : memref<64x128xf32, #tpu.memory_space<vmem>>) target(%dma_start3A_859 : memref<10000x128xf32, #tpu.memory_space<vmem_shared>>) offsets(%arg9 : memref<64xi32, #tpu.memory_space<vmem>>) semaphore(%arg24 : memref<!tpu.dma_semaphore, #tpu.memory_space<semaphore_mem>>) {add = true}
      %ge3A_860 = arith.constant 2 : i32
      %ge3A_861 = arith.cmpi sge, %add3A_804, %ge3A_860 : i32
      %convert_element_type3A_862 = arith.extui %ge3A_861 : i1 to i32
      %cond3A_863 = arith.constant 0 : i32
      %cond3A_864 = arith.cmpi ne, %convert_element_type3A_862, %cond3A_863 : i32
      scf.if %cond3A_864 {
        %dma_wait3A_1193 = arith.constant 0 : i32
        %dma_wait3A_1194 = arith.constant 0 : i32
        %dma_wait3A_1195 = tpu.memref_slice %arg6[%dma_wait3A_1193, %dma_wait3A_1194] : memref<10000x128xf32, #tpu.memory_space<vmem_shared>> -> memref<10000x128xf32, #tpu.memory_space<vmem_shared>>
        tpu.wait_indirect_dma semaphore(%arg27 : memref<!tpu.dma_semaphore, #tpu.memory_space<semaphore_mem>>) src(%arg17 : memref<64x128xf32, #tpu.memory_space<vmem>>) dst(%dma_wait3A_1195 : memref<10000x128xf32, #tpu.memory_space<vmem_shared>>)
      } else {
      }
      %add3A_865 = arith.constant 10 : i32
      %add3A_866 = arith.addi %add3A_804, %add3A_865 : i32
      %sub3A_867 = arith.constant 2 : i32
      %sub3A_868 = arith.subi %add3A_866, %sub3A_867 : i32
      %lt3A_869 = arith.constant 160 : i32
      %lt3A_870 = arith.cmpi slt, %sub3A_868, %lt3A_869 : i32
      %convert_element_type3A_871 = arith.extui %lt3A_870 : i1 to i32
      %cond3A_872 = arith.constant 0 : i32
      %cond3A_873 = arith.cmpi ne, %convert_element_type3A_871, %cond3A_872 : i32
      scf.if %cond3A_873 {
        %add3A_1193 = arith.constant 10 : i32
        %add3A_1194 = arith.addi %add3A_804, %add3A_1193 : i32
        %sub3A_1195 = arith.constant 2 : i32
        %sub3A_1196 = arith.subi %add3A_1194, %sub3A_1195 : i32
        %dma_start3A_1197 = arith.constant 3 : i32
        %dma_start3A_1198 = arith.constant 0 : i32
        %dma_start3A_1199 = arith.constant 0 : i32
        %dma_start3A_1200 = tpu.memref_slice %arg7[%dma_start3A_1197, %dma_start3A_1198, %dma_start3A_1199] : memref<10x2x64xi32, #tpu.memory_space<vmem>> -> memref<1x2x64xi32, #tpu.memory_space<vmem>>
        %dma_start3A_1201 = tpu.memref_squeeze %dma_start3A_1200 : memref<1x2x64xi32, #tpu.memory_space<vmem>> -> memref<2x64xi32, #tpu.memory_space<vmem>>
        %dma_start3A_1202 = arith.constant 0 : i32
        %dma_start3A_1203 = arith.constant 0 : i32
        %dma_start3A_1204 = tpu.memref_slice %arg3[%add3A, %sub3A_1196, %dma_start3A_1202, %dma_start3A_1203] : memref<32x160x2x64xi32, #tpu.memory_space<hbm>> -> memref<1x1x2x64xi32, #tpu.memory_space<hbm>>
        %dma_start3A_1205 = tpu.memref_squeeze %dma_start3A_1204 : memref<1x1x2x64xi32, #tpu.memory_space<hbm>> -> memref<2x64xi32, #tpu.memory_space<hbm>>
        %dma_start3A_1206 = arith.constant 0 : i32
        %dma_start3A_1207 = arith.constant 0 : i32
        %dma_start3A_1208 = tpu.memref_slice %arg7[%dma_start3A_1197, %dma_start3A_1206, %dma_start3A_1207] : memref<10x2x64xi32, #tpu.memory_space<vmem>> -> memref<1x2x64xi32, #tpu.memory_space<vmem>>
        %dma_start3A_1209 = tpu.memref_squeeze %dma_start3A_1208 : memref<1x2x64xi32, #tpu.memory_space<vmem>> -> memref<2x64xi32, #tpu.memory_space<vmem>>
        %dma_start3A_1210 = arith.constant 0 : i32
        %dma_start3A_1211 = arith.constant 0 : i32
        %dma_start3A_1212 = tpu.memref_slice %arg3[%add3A, %sub3A_1196, %dma_start3A_1210, %dma_start3A_1211] : memref<32x160x2x64xi32, #tpu.memory_space<hbm>> -> memref<1x1x2x64xi32, #tpu.memory_space<hbm>>
        %dma_start3A_1213 = tpu.memref_squeeze %dma_start3A_1212 : memref<1x1x2x64xi32, #tpu.memory_space<hbm>> -> memref<2x64xi32, #tpu.memory_space<hbm>>
        tpu.enqueue_dma source(%dma_start3A_1213 : memref<2x64xi32, #tpu.memory_space<hbm>>) target(%dma_start3A_1209 : memref<2x64xi32, #tpu.memory_space<vmem>>) target_semaphore(%arg32 : memref<!tpu.dma_semaphore, #tpu.memory_space<semaphore_mem>>)
        %add3A_1214 = arith.constant 10 : i32
        %add3A_1215 = arith.addi %add3A_804, %add3A_1214 : i32
        %sub3A_1216 = arith.constant 2 : i32
        %sub3A_1217 = arith.subi %add3A_1215, %sub3A_1216 : i32
        %dma_start3A_1218 = arith.constant 3 : i32
        %dma_start3A_1219 = arith.constant 0 : i32
        %dma_start3A_1220 = tpu.memref_slice %arg8[%dma_start3A_1218, %dma_start3A_1219] : memref<10x64xf32, #tpu.memory_space<vmem>> -> memref<1x64xf32, #tpu.memory_space<vmem>>
        %dma_start3A_1221 = tpu.memref_squeeze %dma_start3A_1220 : memref<1x64xf32, #tpu.memory_space<vmem>> -> memref<64xf32, #tpu.memory_space<vmem>>
        %dma_start3A_1222 = arith.constant 0 : i32
        %dma_start3A_1223 = tpu.memref_slice %arg4[%add3A, %sub3A_1217, %dma_start3A_1222] : memref<32x160x64xf32, #tpu.memory_space<hbm>> -> memref<1x1x64xf32, #tpu.memory_space<hbm>>
        %dma_start3A_1224 = tpu.memref_squeeze %dma_start3A_1223 : memref<1x1x64xf32, #tpu.memory_space<hbm>> -> memref<64xf32, #tpu.memory_space<hbm>>
        %dma_start3A_1225 = arith.constant 0 : i32
        %dma_start3A_1226 = tpu.memref_slice %arg8[%dma_start3A_1218, %dma_start3A_1225] : memref<10x64xf32, #tpu.memory_space<vmem>> -> memref<1x64xf32, #tpu.memory_space<vmem>>
        %dma_start3A_1227 = tpu.memref_squeeze %dma_start3A_1226 : memref<1x64xf32, #tpu.memory_space<vmem>> -> memref<64xf32, #tpu.memory_space<vmem>>
        %dma_start3A_1228 = arith.constant 0 : i32
        %dma_start3A_1229 = tpu.memref_slice %arg4[%add3A, %sub3A_1217, %dma_start3A_1228] : memref<32x160x64xf32, #tpu.memory_space<hbm>> -> memref<1x1x64xf32, #tpu.memory_space<hbm>>
        %dma_start3A_1230 = tpu.memref_squeeze %dma_start3A_1229 : memref<1x1x64xf32, #tpu.memory_space<hbm>> -> memref<64xf32, #tpu.memory_space<hbm>>
        tpu.enqueue_dma source(%dma_start3A_1230 : memref<64xf32, #tpu.memory_space<hbm>>) target(%dma_start3A_1227 : memref<64xf32, #tpu.memory_space<vmem>>) target_semaphore(%arg42 : memref<!tpu.dma_semaphore, #tpu.memory_space<semaphore_mem>>)
      } else {
      }
      %add3A_874 = arith.constant 3 : i32
      %add3A_875 = arith.addi %add3A_804, %add3A_874 : i32
      %lt3A_876 = arith.constant 160 : i32
      %lt3A_877 = arith.cmpi slt, %add3A_875, %lt3A_876 : i32
      %convert_element_type3A_878 = arith.extui %lt3A_877 : i1 to i32
      %cond3A_879 = arith.constant 0 : i32
      %cond3A_880 = arith.cmpi ne, %convert_element_type3A_878, %cond3A_879 : i32
      scf.if %cond3A_880 {
        %add3A_1193 = arith.constant 3 : i32
        %add3A_1194 = arith.addi %add3A_804, %add3A_1193 : i32
        %dma_wait3A_1195 = arith.constant 8 : i32
        %dma_wait3A_1196 = arith.constant 0 : i32
        %dma_wait3A_1197 = arith.constant 0 : i32
        %dma_wait3A_1198 = tpu.memref_slice %arg7[%dma_wait3A_1195, %dma_wait3A_1196, %dma_wait3A_1197] : memref<10x2x64xi32, #tpu.memory_space<vmem>> -> memref<1x2x64xi32, #tpu.memory_space<vmem>>
        %dma_wait3A_1199 = tpu.memref_squeeze %dma_wait3A_1198 : memref<1x2x64xi32, #tpu.memory_space<vmem>> -> memref<2x64xi32, #tpu.memory_space<vmem>>
        %dma_wait3A_1200 = arith.constant 0 : i32
        %dma_wait3A_1201 = arith.constant 0 : i32
        %dma_wait3A_1202 = tpu.memref_slice %arg3[%add3A, %add3A_1194, %dma_wait3A_1200, %dma_wait3A_1201] : memref<32x160x2x64xi32, #tpu.memory_space<hbm>> -> memref<1x1x2x64xi32, #tpu.memory_space<hbm>>
        %dma_wait3A_1203 = tpu.memref_squeeze %dma_wait3A_1202 : memref<1x1x2x64xi32, #tpu.memory_space<hbm>> -> memref<2x64xi32, #tpu.memory_space<hbm>>
        %dma_wait3A_1204 = arith.constant 0 : i32
        %dma_wait3A_1205 = arith.constant 0 : i32
        %dma_wait3A_1206 = tpu.memref_slice %arg7[%dma_wait3A_1195, %dma_wait3A_1204, %dma_wait3A_1205] : memref<10x2x64xi32, #tpu.memory_space<vmem>> -> memref<1x2x64xi32, #tpu.memory_space<vmem>>
        %dma_wait3A_1207 = tpu.memref_squeeze %dma_wait3A_1206 : memref<1x2x64xi32, #tpu.memory_space<vmem>> -> memref<2x64xi32, #tpu.memory_space<vmem>>
        %dma_wait3A_1208 = arith.constant 0 : i32
        %dma_wait3A_1209 = arith.constant 0 : i32
        %dma_wait3A_1210 = tpu.memref_slice %arg3[%add3A, %add3A_1194, %dma_wait3A_1208, %dma_wait3A_1209] : memref<32x160x2x64xi32, #tpu.memory_space<hbm>> -> memref<1x1x2x64xi32, #tpu.memory_space<hbm>>
        %dma_wait3A_1211 = tpu.memref_squeeze %dma_wait3A_1210 : memref<1x1x2x64xi32, #tpu.memory_space<hbm>> -> memref<2x64xi32, #tpu.memory_space<hbm>>
        tpu.wait_dma2 semaphore(%arg37 : memref<!tpu.dma_semaphore, #tpu.memory_space<semaphore_mem>>) src(%dma_wait3A_1211 : memref<2x64xi32, #tpu.memory_space<hbm>>) dst(%dma_wait3A_1207 : memref<2x64xi32, #tpu.memory_space<vmem>>)
        %add3A_1212 = arith.constant 3 : i32
        %add3A_1213 = arith.addi %add3A_804, %add3A_1212 : i32
        %dma_wait3A_1214 = arith.constant 8 : i32
        %dma_wait3A_1215 = arith.constant 0 : i32
        %dma_wait3A_1216 = tpu.memref_slice %arg8[%dma_wait3A_1214, %dma_wait3A_1215] : memref<10x64xf32, #tpu.memory_space<vmem>> -> memref<1x64xf32, #tpu.memory_space<vmem>>
        %dma_wait3A_1217 = tpu.memref_squeeze %dma_wait3A_1216 : memref<1x64xf32, #tpu.memory_space<vmem>> -> memref<64xf32, #tpu.memory_space<vmem>>
        %dma_wait3A_1218 = arith.constant 0 : i32
        %dma_wait3A_1219 = tpu.memref_slice %arg4[%add3A, %add3A_1213, %dma_wait3A_1218] : memref<32x160x64xf32, #tpu.memory_space<hbm>> -> memref<1x1x64xf32, #tpu.memory_space<hbm>>
        %dma_wait3A_1220 = tpu.memref_squeeze %dma_wait3A_1219 : memref<1x1x64xf32, #tpu.memory_space<hbm>> -> memref<64xf32, #tpu.memory_space<hbm>>
        %dma_wait3A_1221 = arith.constant 0 : i32
        %dma_wait3A_1222 = tpu.memref_slice %arg8[%dma_wait3A_1214, %dma_wait3A_1221] : memref<10x64xf32, #tpu.memory_space<vmem>> -> memref<1x64xf32, #tpu.memory_space<vmem>>
        %dma_wait3A_1223 = tpu.memref_squeeze %dma_wait3A_1222 : memref<1x64xf32, #tpu.memory_space<vmem>> -> memref<64xf32, #tpu.memory_space<vmem>>
        %dma_wait3A_1224 = arith.constant 0 : i32
        %dma_wait3A_1225 = tpu.memref_slice %arg4[%add3A, %add3A_1213, %dma_wait3A_1224] : memref<32x160x64xf32, #tpu.memory_space<hbm>> -> memref<1x1x64xf32, #tpu.memory_space<hbm>>
        %dma_wait3A_1226 = tpu.memref_squeeze %dma_wait3A_1225 : memref<1x1x64xf32, #tpu.memory_space<hbm>> -> memref<64xf32, #tpu.memory_space<hbm>>
        tpu.wait_dma2 semaphore(%arg47 : memref<!tpu.dma_semaphore, #tpu.memory_space<semaphore_mem>>) src(%dma_wait3A_1226 : memref<64xf32, #tpu.memory_space<hbm>>) dst(%dma_wait3A_1223 : memref<64xf32, #tpu.memory_space<vmem>>)
        %dma_start3A_1227 = arith.constant 8 : i32
        %dma_start3A_1228 = arith.constant 1 : i32
        %dma_start3A_1229 = arith.constant 0 : i32
        %dma_start3A_1230 = tpu.memref_slice %arg7[%dma_start3A_1227, %dma_start3A_1228, %dma_start3A_1229] : memref<10x2x64xi32, #tpu.memory_space<vmem>> -> memref<1x1x64xi32, #tpu.memory_space<vmem>>
        %dma_start3A_1231 = tpu.memref_squeeze %dma_start3A_1230 : memref<1x1x64xi32, #tpu.memory_space<vmem>> -> memref<64xi32, #tpu.memory_space<vmem>>
        %dma_start3A_1232 = arith.constant 0 : i32
        %dma_start3A_1233 = arith.constant 0 : i32
        %dma_start3A_1234 = tpu.memref_slice %arg2[%dma_start3A_1232, %dma_start3A_1233] : memref<10000x128xf32, #tpu.memory_space<hbm>> -> memref<10000x128xf32, #tpu.memory_space<hbm>>
        tpu.enqueue_indirect_dma source(%dma_start3A_1234 : memref<10000x128xf32, #tpu.memory_space<hbm>>) target(%arg17 : memref<64x128xf32, #tpu.memory_space<vmem>>) offsets(%dma_start3A_1231 : memref<64xi32, #tpu.memory_space<vmem>>) semaphore(%arg22 : memref<!tpu.dma_semaphore, #tpu.memory_space<semaphore_mem>>)
      } else {
      }
      %add3A_881 = arith.constant 6 : i32
      %add3A_882 = arith.addi %add3A_418, %add3A_881 : i32
      %dma_wait3A_883 = arith.constant 6 : i32
      %dma_wait3A_884 = arith.constant 1 : i32
      %dma_wait3A_885 = arith.constant 0 : i32
      %dma_wait3A_886 = tpu.memref_slice %arg7[%dma_wait3A_883, %dma_wait3A_884, %dma_wait3A_885] : memref<10x2x64xi32, #tpu.memory_space<vmem>> -> memref<1x1x64xi32, #tpu.memory_space<vmem>>
      %dma_wait3A_887 = tpu.memref_squeeze %dma_wait3A_886 : memref<1x1x64xi32, #tpu.memory_space<vmem>> -> memref<64xi32, #tpu.memory_space<vmem>>
      %dma_wait3A_888 = arith.constant 0 : i32
      %dma_wait3A_889 = arith.constant 0 : i32
      %dma_wait3A_890 = tpu.memref_slice %arg2[%dma_wait3A_888, %dma_wait3A_889] : memref<10000x128xf32, #tpu.memory_space<hbm>> -> memref<10000x128xf32, #tpu.memory_space<hbm>>
      tpu.wait_indirect_dma semaphore(%arg20 : memref<!tpu.dma_semaphore, #tpu.memory_space<semaphore_mem>>) src(%dma_wait3A_890 : memref<10000x128xf32, #tpu.memory_space<hbm>>) dst(%arg15 : memref<64x128xf32, #tpu.memory_space<vmem>>)
      %get3A_891 = arith.constant 6 : i32
      %get3A_892 = arith.constant 0 : i32
      %get3A_893 = arith.index_cast %get3A_891 : i32 to index
      %get3A_894 = arith.index_cast %get3A_892 : i32 to index
      %get3A_895 = arith.constant 0 : index
      %get3A_896 = tpu.vector_load %arg7[%get3A_893, %get3A_894, %get3A_895] {strides = array<i32>} : memref<10x2x64xi32, #tpu.memory_space<vmem>>, vector<1x1x16xi32>,
      %get3A_897 = vector.shape_cast %get3A_896 : vector<1x1x16xi32> to vector<16xi32>
      %swap3A_898 = arith.constant 0 : index
      %swap3A_899 = tpu.vector_load %arg10[%swap3A_898] {strides = array<i32>} : memref<64xi32, #tpu.memory_space<vmem>>, vector<16xi32>,
      %swap3A_900 = vector.shape_cast %swap3A_899 : vector<16xi32> to vector<16xi32>
      %swap3A_901 = vector.shape_cast %get3A_897 : vector<16xi32> to vector<16xi32>
      tpu.vector_store %arg10[%swap3A_898], %swap3A_901 {strides = array<i32>} : memref<64xi32, #tpu.memory_space<vmem>>, vector<16xi32>,
      %get3A_902 = arith.constant 6 : i32
      %get3A_903 = arith.constant 0 : i32
      %get3A_904 = arith.index_cast %get3A_902 : i32 to index
      %get3A_905 = arith.index_cast %get3A_903 : i32 to index
      %get3A_906 = arith.constant 16 : index
      %get3A_907 = tpu.vector_load %arg7[%get3A_904, %get3A_905, %get3A_906] {strides = array<i32>} : memref<10x2x64xi32, #tpu.memory_space<vmem>>, vector<1x1x16xi32>,
      %get3A_908 = vector.shape_cast %get3A_907 : vector<1x1x16xi32> to vector<16xi32>
      %swap3A_909 = arith.constant 16 : index
      %swap3A_910 = tpu.vector_load %arg10[%swap3A_909] {strides = array<i32>} : memref<64xi32, #tpu.memory_space<vmem>>, vector<16xi32>,
      %swap3A_911 = vector.shape_cast %swap3A_910 : vector<16xi32> to vector<16xi32>
      %swap3A_912 = vector.shape_cast %get3A_908 : vector<16xi32> to vector<16xi32>
      tpu.vector_store %arg10[%swap3A_909], %swap3A_912 {strides = array<i32>} : memref<64xi32, #tpu.memory_space<vmem>>, vector<16xi32>,
      %get3A_913 = arith.constant 6 : i32
      %get3A_914 = arith.constant 0 : i32
      %get3A_915 = arith.index_cast %get3A_913 : i32 to index
      %get3A_916 = arith.index_cast %get3A_914 : i32 to index
      %get3A_917 = arith.constant 32 : index
      %get3A_918 = tpu.vector_load %arg7[%get3A_915, %get3A_916, %get3A_917] {strides = array<i32>} : memref<10x2x64xi32, #tpu.memory_space<vmem>>, vector<1x1x16xi32>,
      %get3A_919 = vector.shape_cast %get3A_918 : vector<1x1x16xi32> to vector<16xi32>
      %swap3A_920 = arith.constant 32 : index
      %swap3A_921 = tpu.vector_load %arg10[%swap3A_920] {strides = array<i32>} : memref<64xi32, #tpu.memory_space<vmem>>, vector<16xi32>,
      %swap3A_922 = vector.shape_cast %swap3A_921 : vector<16xi32> to vector<16xi32>
      %swap3A_923 = vector.shape_cast %get3A_919 : vector<16xi32> to vector<16xi32>
      tpu.vector_store %arg10[%swap3A_920], %swap3A_923 {strides = array<i32>} : memref<64xi32, #tpu.memory_space<vmem>>, vector<16xi32>,
      %get3A_924 = arith.constant 6 : i32
      %get3A_925 = arith.constant 0 : i32
      %get3A_926 = arith.index_cast %get3A_924 : i32 to index
      %get3A_927 = arith.index_cast %get3A_925 : i32 to index
      %get3A_928 = arith.constant 48 : index
      %get3A_929 = tpu.vector_load %arg7[%get3A_926, %get3A_927, %get3A_928] {strides = array<i32>} : memref<10x2x64xi32, #tpu.memory_space<vmem>>, vector<1x1x16xi32>,
      %get3A_930 = vector.shape_cast %get3A_929 : vector<1x1x16xi32> to vector<16xi32>
      %swap3A_931 = arith.constant 48 : index
      %swap3A_932 = tpu.vector_load %arg10[%swap3A_931] {strides = array<i32>} : memref<64xi32, #tpu.memory_space<vmem>>, vector<16xi32>,
      %swap3A_933 = vector.shape_cast %swap3A_932 : vector<16xi32> to vector<16xi32>
      %swap3A_934 = vector.shape_cast %get3A_930 : vector<16xi32> to vector<16xi32>
      tpu.vector_store %arg10[%swap3A_931], %swap3A_934 {strides = array<i32>} : memref<64xi32, #tpu.memory_space<vmem>>, vector<16xi32>,
      %dma_start3A_935 = arith.constant 0 : i32
      %dma_start3A_936 = arith.constant 0 : i32
      %dma_start3A_937 = tpu.memref_slice %arg6[%dma_start3A_935, %dma_start3A_936] : memref<10000x128xf32, #tpu.memory_space<vmem_shared>> -> memref<10000x128xf32, #tpu.memory_space<vmem_shared>>
      tpu.enqueue_indirect_dma source(%arg15 : memref<64x128xf32, #tpu.memory_space<vmem>>) target(%dma_start3A_937 : memref<10000x128xf32, #tpu.memory_space<vmem_shared>>) offsets(%arg10 : memref<64xi32, #tpu.memory_space<vmem>>) semaphore(%arg25 : memref<!tpu.dma_semaphore, #tpu.memory_space<semaphore_mem>>) {add = true}
      %ge3A_938 = arith.constant 2 : i32
      %ge3A_939 = arith.cmpi sge, %add3A_882, %ge3A_938 : i32
      %convert_element_type3A_940 = arith.extui %ge3A_939 : i1 to i32
      %cond3A_941 = arith.constant 0 : i32
      %cond3A_942 = arith.cmpi ne, %convert_element_type3A_940, %cond3A_941 : i32
      scf.if %cond3A_942 {
        %dma_wait3A_1193 = arith.constant 0 : i32
        %dma_wait3A_1194 = arith.constant 0 : i32
        %dma_wait3A_1195 = tpu.memref_slice %arg6[%dma_wait3A_1193, %dma_wait3A_1194] : memref<10000x128xf32, #tpu.memory_space<vmem_shared>> -> memref<10000x128xf32, #tpu.memory_space<vmem_shared>>
        tpu.wait_indirect_dma semaphore(%arg28 : memref<!tpu.dma_semaphore, #tpu.memory_space<semaphore_mem>>) src(%arg18 : memref<64x128xf32, #tpu.memory_space<vmem>>) dst(%dma_wait3A_1195 : memref<10000x128xf32, #tpu.memory_space<vmem_shared>>)
      } else {
      }
      %add3A_943 = arith.constant 10 : i32
      %add3A_944 = arith.addi %add3A_882, %add3A_943 : i32
      %sub3A_945 = arith.constant 2 : i32
      %sub3A_946 = arith.subi %add3A_944, %sub3A_945 : i32
      %lt3A_947 = arith.constant 160 : i32
      %lt3A_948 = arith.cmpi slt, %sub3A_946, %lt3A_947 : i32
      %convert_element_type3A_949 = arith.extui %lt3A_948 : i1 to i32
      %cond3A_950 = arith.constant 0 : i32
      %cond3A_951 = arith.cmpi ne, %convert_element_type3A_949, %cond3A_950 : i32
      scf.if %cond3A_951 {
        %add3A_1193 = arith.constant 10 : i32
        %add3A_1194 = arith.addi %add3A_882, %add3A_1193 : i32
        %sub3A_1195 = arith.constant 2 : i32
        %sub3A_1196 = arith.subi %add3A_1194, %sub3A_1195 : i32
        %dma_start3A_1197 = arith.constant 4 : i32
        %dma_start3A_1198 = arith.constant 0 : i32
        %dma_start3A_1199 = arith.constant 0 : i32
        %dma_start3A_1200 = tpu.memref_slice %arg7[%dma_start3A_1197, %dma_start3A_1198, %dma_start3A_1199] : memref<10x2x64xi32, #tpu.memory_space<vmem>> -> memref<1x2x64xi32, #tpu.memory_space<vmem>>
        %dma_start3A_1201 = tpu.memref_squeeze %dma_start3A_1200 : memref<1x2x64xi32, #tpu.memory_space<vmem>> -> memref<2x64xi32, #tpu.memory_space<vmem>>
        %dma_start3A_1202 = arith.constant 0 : i32
        %dma_start3A_1203 = arith.constant 0 : i32
        %dma_start3A_1204 = tpu.memref_slice %arg3[%add3A, %sub3A_1196, %dma_start3A_1202, %dma_start3A_1203] : memref<32x160x2x64xi32, #tpu.memory_space<hbm>> -> memref<1x1x2x64xi32, #tpu.memory_space<hbm>>
        %dma_start3A_1205 = tpu.memref_squeeze %dma_start3A_1204 : memref<1x1x2x64xi32, #tpu.memory_space<hbm>> -> memref<2x64xi32, #tpu.memory_space<hbm>>
        %dma_start3A_1206 = arith.constant 0 : i32
        %dma_start3A_1207 = arith.constant 0 : i32
        %dma_start3A_1208 = tpu.memref_slice %arg7[%dma_start3A_1197, %dma_start3A_1206, %dma_start3A_1207] : memref<10x2x64xi32, #tpu.memory_space<vmem>> -> memref<1x2x64xi32, #tpu.memory_space<vmem>>
        %dma_start3A_1209 = tpu.memref_squeeze %dma_start3A_1208 : memref<1x2x64xi32, #tpu.memory_space<vmem>> -> memref<2x64xi32, #tpu.memory_space<vmem>>
        %dma_start3A_1210 = arith.constant 0 : i32
        %dma_start3A_1211 = arith.constant 0 : i32
        %dma_start3A_1212 = tpu.memref_slice %arg3[%add3A, %sub3A_1196, %dma_start3A_1210, %dma_start3A_1211] : memref<32x160x2x64xi32, #tpu.memory_space<hbm>> -> memref<1x1x2x64xi32, #tpu.memory_space<hbm>>
        %dma_start3A_1213 = tpu.memref_squeeze %dma_start3A_1212 : memref<1x1x2x64xi32, #tpu.memory_space<hbm>> -> memref<2x64xi32, #tpu.memory_space<hbm>>
        tpu.enqueue_dma source(%dma_start3A_1213 : memref<2x64xi32, #tpu.memory_space<hbm>>) target(%dma_start3A_1209 : memref<2x64xi32, #tpu.memory_space<vmem>>) target_semaphore(%arg33 : memref<!tpu.dma_semaphore, #tpu.memory_space<semaphore_mem>>)
        %add3A_1214 = arith.constant 10 : i32
        %add3A_1215 = arith.addi %add3A_882, %add3A_1214 : i32
        %sub3A_1216 = arith.constant 2 : i32
        %sub3A_1217 = arith.subi %add3A_1215, %sub3A_1216 : i32
        %dma_start3A_1218 = arith.constant 4 : i32
        %dma_start3A_1219 = arith.constant 0 : i32
        %dma_start3A_1220 = tpu.memref_slice %arg8[%dma_start3A_1218, %dma_start3A_1219] : memref<10x64xf32, #tpu.memory_space<vmem>> -> memref<1x64xf32, #tpu.memory_space<vmem>>
        %dma_start3A_1221 = tpu.memref_squeeze %dma_start3A_1220 : memref<1x64xf32, #tpu.memory_space<vmem>> -> memref<64xf32, #tpu.memory_space<vmem>>
        %dma_start3A_1222 = arith.constant 0 : i32
        %dma_start3A_1223 = tpu.memref_slice %arg4[%add3A, %sub3A_1217, %dma_start3A_1222] : memref<32x160x64xf32, #tpu.memory_space<hbm>> -> memref<1x1x64xf32, #tpu.memory_space<hbm>>
        %dma_start3A_1224 = tpu.memref_squeeze %dma_start3A_1223 : memref<1x1x64xf32, #tpu.memory_space<hbm>> -> memref<64xf32, #tpu.memory_space<hbm>>
        %dma_start3A_1225 = arith.constant 0 : i32
        %dma_start3A_1226 = tpu.memref_slice %arg8[%dma_start3A_1218, %dma_start3A_1225] : memref<10x64xf32, #tpu.memory_space<vmem>> -> memref<1x64xf32, #tpu.memory_space<vmem>>
        %dma_start3A_1227 = tpu.memref_squeeze %dma_start3A_1226 : memref<1x64xf32, #tpu.memory_space<vmem>> -> memref<64xf32, #tpu.memory_space<vmem>>
        %dma_start3A_1228 = arith.constant 0 : i32
        %dma_start3A_1229 = tpu.memref_slice %arg4[%add3A, %sub3A_1217, %dma_start3A_1228] : memref<32x160x64xf32, #tpu.memory_space<hbm>> -> memref<1x1x64xf32, #tpu.memory_space<hbm>>
        %dma_start3A_1230 = tpu.memref_squeeze %dma_start3A_1229 : memref<1x1x64xf32, #tpu.memory_space<hbm>> -> memref<64xf32, #tpu.memory_space<hbm>>
        tpu.enqueue_dma source(%dma_start3A_1230 : memref<64xf32, #tpu.memory_space<hbm>>) target(%dma_start3A_1227 : memref<64xf32, #tpu.memory_space<vmem>>) target_semaphore(%arg43 : memref<!tpu.dma_semaphore, #tpu.memory_space<semaphore_mem>>)
      } else {
      }
      %add3A_952 = arith.constant 3 : i32
      %add3A_953 = arith.addi %add3A_882, %add3A_952 : i32
      %lt3A_954 = arith.constant 160 : i32
      %lt3A_955 = arith.cmpi slt, %add3A_953, %lt3A_954 : i32
      %convert_element_type3A_956 = arith.extui %lt3A_955 : i1 to i32
      %cond3A_957 = arith.constant 0 : i32
      %cond3A_958 = arith.cmpi ne, %convert_element_type3A_956, %cond3A_957 : i32
      scf.if %cond3A_958 {
        %add3A_1193 = arith.constant 3 : i32
        %add3A_1194 = arith.addi %add3A_882, %add3A_1193 : i32
        %dma_wait3A_1195 = arith.constant 9 : i32
        %dma_wait3A_1196 = arith.constant 0 : i32
        %dma_wait3A_1197 = arith.constant 0 : i32
        %dma_wait3A_1198 = tpu.memref_slice %arg7[%dma_wait3A_1195, %dma_wait3A_1196, %dma_wait3A_1197] : memref<10x2x64xi32, #tpu.memory_space<vmem>> -> memref<1x2x64xi32, #tpu.memory_space<vmem>>
        %dma_wait3A_1199 = tpu.memref_squeeze %dma_wait3A_1198 : memref<1x2x64xi32, #tpu.memory_space<vmem>> -> memref<2x64xi32, #tpu.memory_space<vmem>>
        %dma_wait3A_1200 = arith.constant 0 : i32
        %dma_wait3A_1201 = arith.constant 0 : i32
        %dma_wait3A_1202 = tpu.memref_slice %arg3[%add3A, %add3A_1194, %dma_wait3A_1200, %dma_wait3A_1201] : memref<32x160x2x64xi32, #tpu.memory_space<hbm>> -> memref<1x1x2x64xi32, #tpu.memory_space<hbm>>
        %dma_wait3A_1203 = tpu.memref_squeeze %dma_wait3A_1202 : memref<1x1x2x64xi32, #tpu.memory_space<hbm>> -> memref<2x64xi32, #tpu.memory_space<hbm>>
        %dma_wait3A_1204 = arith.constant 0 : i32
        %dma_wait3A_1205 = arith.constant 0 : i32
        %dma_wait3A_1206 = tpu.memref_slice %arg7[%dma_wait3A_1195, %dma_wait3A_1204, %dma_wait3A_1205] : memref<10x2x64xi32, #tpu.memory_space<vmem>> -> memref<1x2x64xi32, #tpu.memory_space<vmem>>
        %dma_wait3A_1207 = tpu.memref_squeeze %dma_wait3A_1206 : memref<1x2x64xi32, #tpu.memory_space<vmem>> -> memref<2x64xi32, #tpu.memory_space<vmem>>
        %dma_wait3A_1208 = arith.constant 0 : i32
        %dma_wait3A_1209 = arith.constant 0 : i32
        %dma_wait3A_1210 = tpu.memref_slice %arg3[%add3A, %add3A_1194, %dma_wait3A_1208, %dma_wait3A_1209] : memref<32x160x2x64xi32, #tpu.memory_space<hbm>> -> memref<1x1x2x64xi32, #tpu.memory_space<hbm>>
        %dma_wait3A_1211 = tpu.memref_squeeze %dma_wait3A_1210 : memref<1x1x2x64xi32, #tpu.memory_space<hbm>> -> memref<2x64xi32, #tpu.memory_space<hbm>>
        tpu.wait_dma2 semaphore(%arg38 : memref<!tpu.dma_semaphore, #tpu.memory_space<semaphore_mem>>) src(%dma_wait3A_1211 : memref<2x64xi32, #tpu.memory_space<hbm>>) dst(%dma_wait3A_1207 : memref<2x64xi32, #tpu.memory_space<vmem>>)
        %add3A_1212 = arith.constant 3 : i32
        %add3A_1213 = arith.addi %add3A_882, %add3A_1212 : i32
        %dma_wait3A_1214 = arith.constant 9 : i32
        %dma_wait3A_1215 = arith.constant 0 : i32
        %dma_wait3A_1216 = tpu.memref_slice %arg8[%dma_wait3A_1214, %dma_wait3A_1215] : memref<10x64xf32, #tpu.memory_space<vmem>> -> memref<1x64xf32, #tpu.memory_space<vmem>>
        %dma_wait3A_1217 = tpu.memref_squeeze %dma_wait3A_1216 : memref<1x64xf32, #tpu.memory_space<vmem>> -> memref<64xf32, #tpu.memory_space<vmem>>
        %dma_wait3A_1218 = arith.constant 0 : i32
        %dma_wait3A_1219 = tpu.memref_slice %arg4[%add3A, %add3A_1213, %dma_wait3A_1218] : memref<32x160x64xf32, #tpu.memory_space<hbm>> -> memref<1x1x64xf32, #tpu.memory_space<hbm>>
        %dma_wait3A_1220 = tpu.memref_squeeze %dma_wait3A_1219 : memref<1x1x64xf32, #tpu.memory_space<hbm>> -> memref<64xf32, #tpu.memory_space<hbm>>
        %dma_wait3A_1221 = arith.constant 0 : i32
        %dma_wait3A_1222 = tpu.memref_slice %arg8[%dma_wait3A_1214, %dma_wait3A_1221] : memref<10x64xf32, #tpu.memory_space<vmem>> -> memref<1x64xf32, #tpu.memory_space<vmem>>
        %dma_wait3A_1223 = tpu.memref_squeeze %dma_wait3A_1222 : memref<1x64xf32, #tpu.memory_space<vmem>> -> memref<64xf32, #tpu.memory_space<vmem>>
        %dma_wait3A_1224 = arith.constant 0 : i32
        %dma_wait3A_1225 = tpu.memref_slice %arg4[%add3A, %add3A_1213, %dma_wait3A_1224] : memref<32x160x64xf32, #tpu.memory_space<hbm>> -> memref<1x1x64xf32, #tpu.memory_space<hbm>>
        %dma_wait3A_1226 = tpu.memref_squeeze %dma_wait3A_1225 : memref<1x1x64xf32, #tpu.memory_space<hbm>> -> memref<64xf32, #tpu.memory_space<hbm>>
        tpu.wait_dma2 semaphore(%arg48 : memref<!tpu.dma_semaphore, #tpu.memory_space<semaphore_mem>>) src(%dma_wait3A_1226 : memref<64xf32, #tpu.memory_space<hbm>>) dst(%dma_wait3A_1223 : memref<64xf32, #tpu.memory_space<vmem>>)
        %dma_start3A_1227 = arith.constant 9 : i32
        %dma_start3A_1228 = arith.constant 1 : i32
        %dma_start3A_1229 = arith.constant 0 : i32
        %dma_start3A_1230 = tpu.memref_slice %arg7[%dma_start3A_1227, %dma_start3A_1228, %dma_start3A_1229] : memref<10x2x64xi32, #tpu.memory_space<vmem>> -> memref<1x1x64xi32, #tpu.memory_space<vmem>>
        %dma_start3A_1231 = tpu.memref_squeeze %dma_start3A_1230 : memref<1x1x64xi32, #tpu.memory_space<vmem>> -> memref<64xi32, #tpu.memory_space<vmem>>
        %dma_start3A_1232 = arith.constant 0 : i32
        %dma_start3A_1233 = arith.constant 0 : i32
        %dma_start3A_1234 = tpu.memref_slice %arg2[%dma_start3A_1232, %dma_start3A_1233] : memref<10000x128xf32, #tpu.memory_space<hbm>> -> memref<10000x128xf32, #tpu.memory_space<hbm>>
        tpu.enqueue_indirect_dma source(%dma_start3A_1234 : memref<10000x128xf32, #tpu.memory_space<hbm>>) target(%arg18 : memref<64x128xf32, #tpu.memory_space<vmem>>) offsets(%dma_start3A_1231 : memref<64xi32, #tpu.memory_space<vmem>>) semaphore(%arg23 : memref<!tpu.dma_semaphore, #tpu.memory_space<semaphore_mem>>)
      } else {
      }
      %add3A_959 = arith.constant 7 : i32
      %add3A_960 = arith.addi %add3A_418, %add3A_959 : i32
      %dma_wait3A_961 = arith.constant 7 : i32
      %dma_wait3A_962 = arith.constant 1 : i32
      %dma_wait3A_963 = arith.constant 0 : i32
      %dma_wait3A_964 = tpu.memref_slice %arg7[%dma_wait3A_961, %dma_wait3A_962, %dma_wait3A_963] : memref<10x2x64xi32, #tpu.memory_space<vmem>> -> memref<1x1x64xi32, #tpu.memory_space<vmem>>
      %dma_wait3A_965 = tpu.memref_squeeze %dma_wait3A_964 : memref<1x1x64xi32, #tpu.memory_space<vmem>> -> memref<64xi32, #tpu.memory_space<vmem>>
      %dma_wait3A_966 = arith.constant 0 : i32
      %dma_wait3A_967 = arith.constant 0 : i32
      %dma_wait3A_968 = tpu.memref_slice %arg2[%dma_wait3A_966, %dma_wait3A_967] : memref<10000x128xf32, #tpu.memory_space<hbm>> -> memref<10000x128xf32, #tpu.memory_space<hbm>>
      tpu.wait_indirect_dma semaphore(%arg21 : memref<!tpu.dma_semaphore, #tpu.memory_space<semaphore_mem>>) src(%dma_wait3A_968 : memref<10000x128xf32, #tpu.memory_space<hbm>>) dst(%arg16 : memref<64x128xf32, #tpu.memory_space<vmem>>)
      %get3A_969 = arith.constant 7 : i32
      %get3A_970 = arith.constant 0 : i32
      %get3A_971 = arith.index_cast %get3A_969 : i32 to index
      %get3A_972 = arith.index_cast %get3A_970 : i32 to index
      %get3A_973 = arith.constant 0 : index
      %get3A_974 = tpu.vector_load %arg7[%get3A_971, %get3A_972, %get3A_973] {strides = array<i32>} : memref<10x2x64xi32, #tpu.memory_space<vmem>>, vector<1x1x16xi32>,
      %get3A_975 = vector.shape_cast %get3A_974 : vector<1x1x16xi32> to vector<16xi32>
      %swap3A_976 = arith.constant 0 : index
      %swap3A_977 = tpu.vector_load %arg11[%swap3A_976] {strides = array<i32>} : memref<64xi32, #tpu.memory_space<vmem>>, vector<16xi32>,
      %swap3A_978 = vector.shape_cast %swap3A_977 : vector<16xi32> to vector<16xi32>
      %swap3A_979 = vector.shape_cast %get3A_975 : vector<16xi32> to vector<16xi32>
      tpu.vector_store %arg11[%swap3A_976], %swap3A_979 {strides = array<i32>} : memref<64xi32, #tpu.memory_space<vmem>>, vector<16xi32>,
      %get3A_980 = arith.constant 7 : i32
      %get3A_981 = arith.constant 0 : i32
      %get3A_982 = arith.index_cast %get3A_980 : i32 to index
      %get3A_983 = arith.index_cast %get3A_981 : i32 to index
      %get3A_984 = arith.constant 16 : index
      %get3A_985 = tpu.vector_load %arg7[%get3A_982, %get3A_983, %get3A_984] {strides = array<i32>} : memref<10x2x64xi32, #tpu.memory_space<vmem>>, vector<1x1x16xi32>,
      %get3A_986 = vector.shape_cast %get3A_985 : vector<1x1x16xi32> to vector<16xi32>
      %swap3A_987 = arith.constant 16 : index
      %swap3A_988 = tpu.vector_load %arg11[%swap3A_987] {strides = array<i32>} : memref<64xi32, #tpu.memory_space<vmem>>, vector<16xi32>,
      %swap3A_989 = vector.shape_cast %swap3A_988 : vector<16xi32> to vector<16xi32>
      %swap3A_990 = vector.shape_cast %get3A_986 : vector<16xi32> to vector<16xi32>
      tpu.vector_store %arg11[%swap3A_987], %swap3A_990 {strides = array<i32>} : memref<64xi32, #tpu.memory_space<vmem>>, vector<16xi32>,
      %get3A_991 = arith.constant 7 : i32
      %get3A_992 = arith.constant 0 : i32
      %get3A_993 = arith.index_cast %get3A_991 : i32 to index
      %get3A_994 = arith.index_cast %get3A_992 : i32 to index
      %get3A_995 = arith.constant 32 : index
      %get3A_996 = tpu.vector_load %arg7[%get3A_993, %get3A_994, %get3A_995] {strides = array<i32>} : memref<10x2x64xi32, #tpu.memory_space<vmem>>, vector<1x1x16xi32>,
      %get3A_997 = vector.shape_cast %get3A_996 : vector<1x1x16xi32> to vector<16xi32>
      %swap3A_998 = arith.constant 32 : index
      %swap3A_999 = tpu.vector_load %arg11[%swap3A_998] {strides = array<i32>} : memref<64xi32, #tpu.memory_space<vmem>>, vector<16xi32>,
      %swap3A_1000 = vector.shape_cast %swap3A_999 : vector<16xi32> to vector<16xi32>
      %swap3A_1001 = vector.shape_cast %get3A_997 : vector<16xi32> to vector<16xi32>
      tpu.vector_store %arg11[%swap3A_998], %swap3A_1001 {strides = array<i32>} : memref<64xi32, #tpu.memory_space<vmem>>, vector<16xi32>,
      %get3A_1002 = arith.constant 7 : i32
      %get3A_1003 = arith.constant 0 : i32
      %get3A_1004 = arith.index_cast %get3A_1002 : i32 to index
      %get3A_1005 = arith.index_cast %get3A_1003 : i32 to index
      %get3A_1006 = arith.constant 48 : index
      %get3A_1007 = tpu.vector_load %arg7[%get3A_1004, %get3A_1005, %get3A_1006] {strides = array<i32>} : memref<10x2x64xi32, #tpu.memory_space<vmem>>, vector<1x1x16xi32>,
      %get3A_1008 = vector.shape_cast %get3A_1007 : vector<1x1x16xi32> to vector<16xi32>
      %swap3A_1009 = arith.constant 48 : index
      %swap3A_1010 = tpu.vector_load %arg11[%swap3A_1009] {strides = array<i32>} : memref<64xi32, #tpu.memory_space<vmem>>, vector<16xi32>,
      %swap3A_1011 = vector.shape_cast %swap3A_1010 : vector<16xi32> to vector<16xi32>
      %swap3A_1012 = vector.shape_cast %get3A_1008 : vector<16xi32> to vector<16xi32>
      tpu.vector_store %arg11[%swap3A_1009], %swap3A_1012 {strides = array<i32>} : memref<64xi32, #tpu.memory_space<vmem>>, vector<16xi32>,
      %dma_start3A_1013 = arith.constant 0 : i32
      %dma_start3A_1014 = arith.constant 0 : i32
      %dma_start3A_1015 = tpu.memref_slice %arg6[%dma_start3A_1013, %dma_start3A_1014] : memref<10000x128xf32, #tpu.memory_space<vmem_shared>> -> memref<10000x128xf32, #tpu.memory_space<vmem_shared>>
      tpu.enqueue_indirect_dma source(%arg16 : memref<64x128xf32, #tpu.memory_space<vmem>>) target(%dma_start3A_1015 : memref<10000x128xf32, #tpu.memory_space<vmem_shared>>) offsets(%arg11 : memref<64xi32, #tpu.memory_space<vmem>>) semaphore(%arg26 : memref<!tpu.dma_semaphore, #tpu.memory_space<semaphore_mem>>) {add = true}
      %ge3A_1016 = arith.constant 2 : i32
      %ge3A_1017 = arith.cmpi sge, %add3A_960, %ge3A_1016 : i32
      %convert_element_type3A_1018 = arith.extui %ge3A_1017 : i1 to i32
      %cond3A_1019 = arith.constant 0 : i32
      %cond3A_1020 = arith.cmpi ne, %convert_element_type3A_1018, %cond3A_1019 : i32
      scf.if %cond3A_1020 {
        %dma_wait3A_1193 = arith.constant 0 : i32
        %dma_wait3A_1194 = arith.constant 0 : i32
        %dma_wait3A_1195 = tpu.memref_slice %arg6[%dma_wait3A_1193, %dma_wait3A_1194] : memref<10000x128xf32, #tpu.memory_space<vmem_shared>> -> memref<10000x128xf32, #tpu.memory_space<vmem_shared>>
        tpu.wait_indirect_dma semaphore(%arg24 : memref<!tpu.dma_semaphore, #tpu.memory_space<semaphore_mem>>) src(%arg14 : memref<64x128xf32, #tpu.memory_space<vmem>>) dst(%dma_wait3A_1195 : memref<10000x128xf32, #tpu.memory_space<vmem_shared>>)
      } else {
      }
      %add3A_1021 = arith.constant 10 : i32
      %add3A_1022 = arith.addi %add3A_960, %add3A_1021 : i32
      %sub3A_1023 = arith.constant 2 : i32
      %sub3A_1024 = arith.subi %add3A_1022, %sub3A_1023 : i32
      %lt3A_1025 = arith.constant 160 : i32
      %lt3A_1026 = arith.cmpi slt, %sub3A_1024, %lt3A_1025 : i32
      %convert_element_type3A_1027 = arith.extui %lt3A_1026 : i1 to i32
      %cond3A_1028 = arith.constant 0 : i32
      %cond3A_1029 = arith.cmpi ne, %convert_element_type3A_1027, %cond3A_1028 : i32
      scf.if %cond3A_1029 {
        %add3A_1193 = arith.constant 10 : i32
        %add3A_1194 = arith.addi %add3A_960, %add3A_1193 : i32
        %sub3A_1195 = arith.constant 2 : i32
        %sub3A_1196 = arith.subi %add3A_1194, %sub3A_1195 : i32
        %dma_start3A_1197 = arith.constant 5 : i32
        %dma_start3A_1198 = arith.constant 0 : i32
        %dma_start3A_1199 = arith.constant 0 : i32
        %dma_start3A_1200 = tpu.memref_slice %arg7[%dma_start3A_1197, %dma_start3A_1198, %dma_start3A_1199] : memref<10x2x64xi32, #tpu.memory_space<vmem>> -> memref<1x2x64xi32, #tpu.memory_space<vmem>>
        %dma_start3A_1201 = tpu.memref_squeeze %dma_start3A_1200 : memref<1x2x64xi32, #tpu.memory_space<vmem>> -> memref<2x64xi32, #tpu.memory_space<vmem>>
        %dma_start3A_1202 = arith.constant 0 : i32
        %dma_start3A_1203 = arith.constant 0 : i32
        %dma_start3A_1204 = tpu.memref_slice %arg3[%add3A, %sub3A_1196, %dma_start3A_1202, %dma_start3A_1203] : memref<32x160x2x64xi32, #tpu.memory_space<hbm>> -> memref<1x1x2x64xi32, #tpu.memory_space<hbm>>
        %dma_start3A_1205 = tpu.memref_squeeze %dma_start3A_1204 : memref<1x1x2x64xi32, #tpu.memory_space<hbm>> -> memref<2x64xi32, #tpu.memory_space<hbm>>
        %dma_start3A_1206 = arith.constant 0 : i32
        %dma_start3A_1207 = arith.constant 0 : i32
        %dma_start3A_1208 = tpu.memref_slice %arg7[%dma_start3A_1197, %dma_start3A_1206, %dma_start3A_1207] : memref<10x2x64xi32, #tpu.memory_space<vmem>> -> memref<1x2x64xi32, #tpu.memory_space<vmem>>
        %dma_start3A_1209 = tpu.memref_squeeze %dma_start3A_1208 : memref<1x2x64xi32, #tpu.memory_space<vmem>> -> memref<2x64xi32, #tpu.memory_space<vmem>>
        %dma_start3A_1210 = arith.constant 0 : i32
        %dma_start3A_1211 = arith.constant 0 : i32
        %dma_start3A_1212 = tpu.memref_slice %arg3[%add3A, %sub3A_1196, %dma_start3A_1210, %dma_start3A_1211] : memref<32x160x2x64xi32, #tpu.memory_space<hbm>> -> memref<1x1x2x64xi32, #tpu.memory_space<hbm>>
        %dma_start3A_1213 = tpu.memref_squeeze %dma_start3A_1212 : memref<1x1x2x64xi32, #tpu.memory_space<hbm>> -> memref<2x64xi32, #tpu.memory_space<hbm>>
        tpu.enqueue_dma source(%dma_start3A_1213 : memref<2x64xi32, #tpu.memory_space<hbm>>) target(%dma_start3A_1209 : memref<2x64xi32, #tpu.memory_space<vmem>>) target_semaphore(%arg34 : memref<!tpu.dma_semaphore, #tpu.memory_space<semaphore_mem>>)
        %add3A_1214 = arith.constant 10 : i32
        %add3A_1215 = arith.addi %add3A_960, %add3A_1214 : i32
        %sub3A_1216 = arith.constant 2 : i32
        %sub3A_1217 = arith.subi %add3A_1215, %sub3A_1216 : i32
        %dma_start3A_1218 = arith.constant 5 : i32
        %dma_start3A_1219 = arith.constant 0 : i32
        %dma_start3A_1220 = tpu.memref_slice %arg8[%dma_start3A_1218, %dma_start3A_1219] : memref<10x64xf32, #tpu.memory_space<vmem>> -> memref<1x64xf32, #tpu.memory_space<vmem>>
        %dma_start3A_1221 = tpu.memref_squeeze %dma_start3A_1220 : memref<1x64xf32, #tpu.memory_space<vmem>> -> memref<64xf32, #tpu.memory_space<vmem>>
        %dma_start3A_1222 = arith.constant 0 : i32
        %dma_start3A_1223 = tpu.memref_slice %arg4[%add3A, %sub3A_1217, %dma_start3A_1222] : memref<32x160x64xf32, #tpu.memory_space<hbm>> -> memref<1x1x64xf32, #tpu.memory_space<hbm>>
        %dma_start3A_1224 = tpu.memref_squeeze %dma_start3A_1223 : memref<1x1x64xf32, #tpu.memory_space<hbm>> -> memref<64xf32, #tpu.memory_space<hbm>>
        %dma_start3A_1225 = arith.constant 0 : i32
        %dma_start3A_1226 = tpu.memref_slice %arg8[%dma_start3A_1218, %dma_start3A_1225] : memref<10x64xf32, #tpu.memory_space<vmem>> -> memref<1x64xf32, #tpu.memory_space<vmem>>
        %dma_start3A_1227 = tpu.memref_squeeze %dma_start3A_1226 : memref<1x64xf32, #tpu.memory_space<vmem>> -> memref<64xf32, #tpu.memory_space<vmem>>
        %dma_start3A_1228 = arith.constant 0 : i32
        %dma_start3A_1229 = tpu.memref_slice %arg4[%add3A, %sub3A_1217, %dma_start3A_1228] : memref<32x160x64xf32, #tpu.memory_space<hbm>> -> memref<1x1x64xf32, #tpu.memory_space<hbm>>
        %dma_start3A_1230 = tpu.memref_squeeze %dma_start3A_1229 : memref<1x1x64xf32, #tpu.memory_space<hbm>> -> memref<64xf32, #tpu.memory_space<hbm>>
        tpu.enqueue_dma source(%dma_start3A_1230 : memref<64xf32, #tpu.memory_space<hbm>>) target(%dma_start3A_1227 : memref<64xf32, #tpu.memory_space<vmem>>) target_semaphore(%arg44 : memref<!tpu.dma_semaphore, #tpu.memory_space<semaphore_mem>>)
      } else {
      }
      %add3A_1030 = arith.constant 3 : i32
      %add3A_1031 = arith.addi %add3A_960, %add3A_1030 : i32
      %lt3A_1032 = arith.constant 160 : i32
      %lt3A_1033 = arith.cmpi slt, %add3A_1031, %lt3A_1032 : i32
      %convert_element_type3A_1034 = arith.extui %lt3A_1033 : i1 to i32
      %cond3A_1035 = arith.constant 0 : i32
      %cond3A_1036 = arith.cmpi ne, %convert_element_type3A_1034, %cond3A_1035 : i32
      scf.if %cond3A_1036 {
        %add3A_1193 = arith.constant 3 : i32
        %add3A_1194 = arith.addi %add3A_960, %add3A_1193 : i32
        %dma_wait3A_1195 = arith.constant 0 : i32
        %dma_wait3A_1196 = arith.constant 0 : i32
        %dma_wait3A_1197 = arith.constant 0 : i32
        %dma_wait3A_1198 = tpu.memref_slice %arg7[%dma_wait3A_1195, %dma_wait3A_1196, %dma_wait3A_1197] : memref<10x2x64xi32, #tpu.memory_space<vmem>> -> memref<1x2x64xi32, #tpu.memory_space<vmem>>
        %dma_wait3A_1199 = tpu.memref_squeeze %dma_wait3A_1198 : memref<1x2x64xi32, #tpu.memory_space<vmem>> -> memref<2x64xi32, #tpu.memory_space<vmem>>
        %dma_wait3A_1200 = arith.constant 0 : i32
        %dma_wait3A_1201 = arith.constant 0 : i32
        %dma_wait3A_1202 = tpu.memref_slice %arg3[%add3A, %add3A_1194, %dma_wait3A_1200, %dma_wait3A_1201] : memref<32x160x2x64xi32, #tpu.memory_space<hbm>> -> memref<1x1x2x64xi32, #tpu.memory_space<hbm>>
        %dma_wait3A_1203 = tpu.memref_squeeze %dma_wait3A_1202 : memref<1x1x2x64xi32, #tpu.memory_space<hbm>> -> memref<2x64xi32, #tpu.memory_space<hbm>>
        %dma_wait3A_1204 = arith.constant 0 : i32
        %dma_wait3A_1205 = arith.constant 0 : i32
        %dma_wait3A_1206 = tpu.memref_slice %arg7[%dma_wait3A_1195, %dma_wait3A_1204, %dma_wait3A_1205] : memref<10x2x64xi32, #tpu.memory_space<vmem>> -> memref<1x2x64xi32, #tpu.memory_space<vmem>>
        %dma_wait3A_1207 = tpu.memref_squeeze %dma_wait3A_1206 : memref<1x2x64xi32, #tpu.memory_space<vmem>> -> memref<2x64xi32, #tpu.memory_space<vmem>>
        %dma_wait3A_1208 = arith.constant 0 : i32
        %dma_wait3A_1209 = arith.constant 0 : i32
        %dma_wait3A_1210 = tpu.memref_slice %arg3[%add3A, %add3A_1194, %dma_wait3A_1208, %dma_wait3A_1209] : memref<32x160x2x64xi32, #tpu.memory_space<hbm>> -> memref<1x1x2x64xi32, #tpu.memory_space<hbm>>
        %dma_wait3A_1211 = tpu.memref_squeeze %dma_wait3A_1210 : memref<1x1x2x64xi32, #tpu.memory_space<hbm>> -> memref<2x64xi32, #tpu.memory_space<hbm>>
        tpu.wait_dma2 semaphore(%arg29 : memref<!tpu.dma_semaphore, #tpu.memory_space<semaphore_mem>>) src(%dma_wait3A_1211 : memref<2x64xi32, #tpu.memory_space<hbm>>) dst(%dma_wait3A_1207 : memref<2x64xi32, #tpu.memory_space<vmem>>)
        %add3A_1212 = arith.constant 3 : i32
        %add3A_1213 = arith.addi %add3A_960, %add3A_1212 : i32
        %dma_wait3A_1214 = arith.constant 0 : i32
        %dma_wait3A_1215 = arith.constant 0 : i32
        %dma_wait3A_1216 = tpu.memref_slice %arg8[%dma_wait3A_1214, %dma_wait3A_1215] : memref<10x64xf32, #tpu.memory_space<vmem>> -> memref<1x64xf32, #tpu.memory_space<vmem>>
        %dma_wait3A_1217 = tpu.memref_squeeze %dma_wait3A_1216 : memref<1x64xf32, #tpu.memory_space<vmem>> -> memref<64xf32, #tpu.memory_space<vmem>>
        %dma_wait3A_1218 = arith.constant 0 : i32
        %dma_wait3A_1219 = tpu.memref_slice %arg4[%add3A, %add3A_1213, %dma_wait3A_1218] : memref<32x160x64xf32, #tpu.memory_space<hbm>> -> memref<1x1x64xf32, #tpu.memory_space<hbm>>
        %dma_wait3A_1220 = tpu.memref_squeeze %dma_wait3A_1219 : memref<1x1x64xf32, #tpu.memory_space<hbm>> -> memref<64xf32, #tpu.memory_space<hbm>>
        %dma_wait3A_1221 = arith.constant 0 : i32
        %dma_wait3A_1222 = tpu.memref_slice %arg8[%dma_wait3A_1214, %dma_wait3A_1221] : memref<10x64xf32, #tpu.memory_space<vmem>> -> memref<1x64xf32, #tpu.memory_space<vmem>>
        %dma_wait3A_1223 = tpu.memref_squeeze %dma_wait3A_1222 : memref<1x64xf32, #tpu.memory_space<vmem>> -> memref<64xf32, #tpu.memory_space<vmem>>
        %dma_wait3A_1224 = arith.constant 0 : i32
        %dma_wait3A_1225 = tpu.memref_slice %arg4[%add3A, %add3A_1213, %dma_wait3A_1224] : memref<32x160x64xf32, #tpu.memory_space<hbm>> -> memref<1x1x64xf32, #tpu.memory_space<hbm>>
        %dma_wait3A_1226 = tpu.memref_squeeze %dma_wait3A_1225 : memref<1x1x64xf32, #tpu.memory_space<hbm>> -> memref<64xf32, #tpu.memory_space<hbm>>
        tpu.wait_dma2 semaphore(%arg39 : memref<!tpu.dma_semaphore, #tpu.memory_space<semaphore_mem>>) src(%dma_wait3A_1226 : memref<64xf32, #tpu.memory_space<hbm>>) dst(%dma_wait3A_1223 : memref<64xf32, #tpu.memory_space<vmem>>)
        %dma_start3A_1227 = arith.constant 0 : i32
        %dma_start3A_1228 = arith.constant 1 : i32
        %dma_start3A_1229 = arith.constant 0 : i32
        %dma_start3A_1230 = tpu.memref_slice %arg7[%dma_start3A_1227, %dma_start3A_1228, %dma_start3A_1229] : memref<10x2x64xi32, #tpu.memory_space<vmem>> -> memref<1x1x64xi32, #tpu.memory_space<vmem>>
        %dma_start3A_1231 = tpu.memref_squeeze %dma_start3A_1230 : memref<1x1x64xi32, #tpu.memory_space<vmem>> -> memref<64xi32, #tpu.memory_space<vmem>>
        %dma_start3A_1232 = arith.constant 0 : i32
        %dma_start3A_1233 = arith.constant 0 : i32
        %dma_start3A_1234 = tpu.memref_slice %arg2[%dma_start3A_1232, %dma_start3A_1233] : memref<10000x128xf32, #tpu.memory_space<hbm>> -> memref<10000x128xf32, #tpu.memory_space<hbm>>
        tpu.enqueue_indirect_dma source(%dma_start3A_1234 : memref<10000x128xf32, #tpu.memory_space<hbm>>) target(%arg14 : memref<64x128xf32, #tpu.memory_space<vmem>>) offsets(%dma_start3A_1231 : memref<64xi32, #tpu.memory_space<vmem>>) semaphore(%arg19 : memref<!tpu.dma_semaphore, #tpu.memory_space<semaphore_mem>>)
      } else {
      }
      %add3A_1037 = arith.constant 8 : i32
      %add3A_1038 = arith.addi %add3A_418, %add3A_1037 : i32
      %dma_wait3A_1039 = arith.constant 8 : i32
      %dma_wait3A_1040 = arith.constant 1 : i32
      %dma_wait3A_1041 = arith.constant 0 : i32
      %dma_wait3A_1042 = tpu.memref_slice %arg7[%dma_wait3A_1039, %dma_wait3A_1040, %dma_wait3A_1041] : memref<10x2x64xi32, #tpu.memory_space<vmem>> -> memref<1x1x64xi32, #tpu.memory_space<vmem>>
      %dma_wait3A_1043 = tpu.memref_squeeze %dma_wait3A_1042 : memref<1x1x64xi32, #tpu.memory_space<vmem>> -> memref<64xi32, #tpu.memory_space<vmem>>
      %dma_wait3A_1044 = arith.constant 0 : i32
      %dma_wait3A_1045 = arith.constant 0 : i32
      %dma_wait3A_1046 = tpu.memref_slice %arg2[%dma_wait3A_1044, %dma_wait3A_1045] : memref<10000x128xf32, #tpu.memory_space<hbm>> -> memref<10000x128xf32, #tpu.memory_space<hbm>>
      tpu.wait_indirect_dma semaphore(%arg22 : memref<!tpu.dma_semaphore, #tpu.memory_space<semaphore_mem>>) src(%dma_wait3A_1046 : memref<10000x128xf32, #tpu.memory_space<hbm>>) dst(%arg17 : memref<64x128xf32, #tpu.memory_space<vmem>>)
      %get3A_1047 = arith.constant 8 : i32
      %get3A_1048 = arith.constant 0 : i32
      %get3A_1049 = arith.index_cast %get3A_1047 : i32 to index
      %get3A_1050 = arith.index_cast %get3A_1048 : i32 to index
      %get3A_1051 = arith.constant 0 : index
      %get3A_1052 = tpu.vector_load %arg7[%get3A_1049, %get3A_1050, %get3A_1051] {strides = array<i32>} : memref<10x2x64xi32, #tpu.memory_space<vmem>>, vector<1x1x16xi32>,
      %get3A_1053 = vector.shape_cast %get3A_1052 : vector<1x1x16xi32> to vector<16xi32>
      %swap3A_1054 = arith.constant 0 : index
      %swap3A_1055 = tpu.vector_load %arg12[%swap3A_1054] {strides = array<i32>} : memref<64xi32, #tpu.memory_space<vmem>>, vector<16xi32>,
      %swap3A_1056 = vector.shape_cast %swap3A_1055 : vector<16xi32> to vector<16xi32>
      %swap3A_1057 = vector.shape_cast %get3A_1053 : vector<16xi32> to vector<16xi32>
      tpu.vector_store %arg12[%swap3A_1054], %swap3A_1057 {strides = array<i32>} : memref<64xi32, #tpu.memory_space<vmem>>, vector<16xi32>,
      %get3A_1058 = arith.constant 8 : i32
      %get3A_1059 = arith.constant 0 : i32
      %get3A_1060 = arith.index_cast %get3A_1058 : i32 to index
      %get3A_1061 = arith.index_cast %get3A_1059 : i32 to index
      %get3A_1062 = arith.constant 16 : index
      %get3A_1063 = tpu.vector_load %arg7[%get3A_1060, %get3A_1061, %get3A_1062] {strides = array<i32>} : memref<10x2x64xi32, #tpu.memory_space<vmem>>, vector<1x1x16xi32>,
      %get3A_1064 = vector.shape_cast %get3A_1063 : vector<1x1x16xi32> to vector<16xi32>
      %swap3A_1065 = arith.constant 16 : index
      %swap3A_1066 = tpu.vector_load %arg12[%swap3A_1065] {strides = array<i32>} : memref<64xi32, #tpu.memory_space<vmem>>, vector<16xi32>,
      %swap3A_1067 = vector.shape_cast %swap3A_1066 : vector<16xi32> to vector<16xi32>
      %swap3A_1068 = vector.shape_cast %get3A_1064 : vector<16xi32> to vector<16xi32>
      tpu.vector_store %arg12[%swap3A_1065], %swap3A_1068 {strides = array<i32>} : memref<64xi32, #tpu.memory_space<vmem>>, vector<16xi32>,
      %get3A_1069 = arith.constant 8 : i32
      %get3A_1070 = arith.constant 0 : i32
      %get3A_1071 = arith.index_cast %get3A_1069 : i32 to index
      %get3A_1072 = arith.index_cast %get3A_1070 : i32 to index
      %get3A_1073 = arith.constant 32 : index
      %get3A_1074 = tpu.vector_load %arg7[%get3A_1071, %get3A_1072, %get3A_1073] {strides = array<i32>} : memref<10x2x64xi32, #tpu.memory_space<vmem>>, vector<1x1x16xi32>,
      %get3A_1075 = vector.shape_cast %get3A_1074 : vector<1x1x16xi32> to vector<16xi32>
      %swap3A_1076 = arith.constant 32 : index
      %swap3A_1077 = tpu.vector_load %arg12[%swap3A_1076] {strides = array<i32>} : memref<64xi32, #tpu.memory_space<vmem>>, vector<16xi32>,
      %swap3A_1078 = vector.shape_cast %swap3A_1077 : vector<16xi32> to vector<16xi32>
      %swap3A_1079 = vector.shape_cast %get3A_1075 : vector<16xi32> to vector<16xi32>
      tpu.vector_store %arg12[%swap3A_1076], %swap3A_1079 {strides = array<i32>} : memref<64xi32, #tpu.memory_space<vmem>>, vector<16xi32>,
      %get3A_1080 = arith.constant 8 : i32
      %get3A_1081 = arith.constant 0 : i32
      %get3A_1082 = arith.index_cast %get3A_1080 : i32 to index
      %get3A_1083 = arith.index_cast %get3A_1081 : i32 to index
      %get3A_1084 = arith.constant 48 : index
      %get3A_1085 = tpu.vector_load %arg7[%get3A_1082, %get3A_1083, %get3A_1084] {strides = array<i32>} : memref<10x2x64xi32, #tpu.memory_space<vmem>>, vector<1x1x16xi32>,
      %get3A_1086 = vector.shape_cast %get3A_1085 : vector<1x1x16xi32> to vector<16xi32>
      %swap3A_1087 = arith.constant 48 : index
      %swap3A_1088 = tpu.vector_load %arg12[%swap3A_1087] {strides = array<i32>} : memref<64xi32, #tpu.memory_space<vmem>>, vector<16xi32>,
      %swap3A_1089 = vector.shape_cast %swap3A_1088 : vector<16xi32> to vector<16xi32>
      %swap3A_1090 = vector.shape_cast %get3A_1086 : vector<16xi32> to vector<16xi32>
      tpu.vector_store %arg12[%swap3A_1087], %swap3A_1090 {strides = array<i32>} : memref<64xi32, #tpu.memory_space<vmem>>, vector<16xi32>,
      %dma_start3A_1091 = arith.constant 0 : i32
      %dma_start3A_1092 = arith.constant 0 : i32
      %dma_start3A_1093 = tpu.memref_slice %arg6[%dma_start3A_1091, %dma_start3A_1092] : memref<10000x128xf32, #tpu.memory_space<vmem_shared>> -> memref<10000x128xf32, #tpu.memory_space<vmem_shared>>
      tpu.enqueue_indirect_dma source(%arg17 : memref<64x128xf32, #tpu.memory_space<vmem>>) target(%dma_start3A_1093 : memref<10000x128xf32, #tpu.memory_space<vmem_shared>>) offsets(%arg12 : memref<64xi32, #tpu.memory_space<vmem>>) semaphore(%arg27 : memref<!tpu.dma_semaphore, #tpu.memory_space<semaphore_mem>>) {add = true}
      %ge3A_1094 = arith.constant 2 : i32
      %ge3A_1095 = arith.cmpi sge, %add3A_1038, %ge3A_1094 : i32
      %convert_element_type3A_1096 = arith.extui %ge3A_1095 : i1 to i32
      %cond3A_1097 = arith.constant 0 : i32
      %cond3A_1098 = arith.cmpi ne, %convert_element_type3A_1096, %cond3A_1097 : i32
      scf.if %cond3A_1098 {
        %dma_wait3A_1193 = arith.constant 0 : i32
        %dma_wait3A_1194 = arith.constant 0 : i32
        %dma_wait3A_1195 = tpu.memref_slice %arg6[%dma_wait3A_1193, %dma_wait3A_1194] : memref<10000x128xf32, #tpu.memory_space<vmem_shared>> -> memref<10000x128xf32, #tpu.memory_space<vmem_shared>>
        tpu.wait_indirect_dma semaphore(%arg25 : memref<!tpu.dma_semaphore, #tpu.memory_space<semaphore_mem>>) src(%arg15 : memref<64x128xf32, #tpu.memory_space<vmem>>) dst(%dma_wait3A_1195 : memref<10000x128xf32, #tpu.memory_space<vmem_shared>>)
      } else {
      }
      %add3A_1099 = arith.constant 10 : i32
      %add3A_1100 = arith.addi %add3A_1038, %add3A_1099 : i32
      %sub3A_1101 = arith.constant 2 : i32
      %sub3A_1102 = arith.subi %add3A_1100, %sub3A_1101 : i32
      %lt3A_1103 = arith.constant 160 : i32
      %lt3A_1104 = arith.cmpi slt, %sub3A_1102, %lt3A_1103 : i32
      %convert_element_type3A_1105 = arith.extui %lt3A_1104 : i1 to i32
      %cond3A_1106 = arith.constant 0 : i32
      %cond3A_1107 = arith.cmpi ne, %convert_element_type3A_1105, %cond3A_1106 : i32
      scf.if %cond3A_1107 {
        %add3A_1193 = arith.constant 10 : i32
        %add3A_1194 = arith.addi %add3A_1038, %add3A_1193 : i32
        %sub3A_1195 = arith.constant 2 : i32
        %sub3A_1196 = arith.subi %add3A_1194, %sub3A_1195 : i32
        %dma_start3A_1197 = arith.constant 6 : i32
        %dma_start3A_1198 = arith.constant 0 : i32
        %dma_start3A_1199 = arith.constant 0 : i32
        %dma_start3A_1200 = tpu.memref_slice %arg7[%dma_start3A_1197, %dma_start3A_1198, %dma_start3A_1199] : memref<10x2x64xi32, #tpu.memory_space<vmem>> -> memref<1x2x64xi32, #tpu.memory_space<vmem>>
        %dma_start3A_1201 = tpu.memref_squeeze %dma_start3A_1200 : memref<1x2x64xi32, #tpu.memory_space<vmem>> -> memref<2x64xi32, #tpu.memory_space<vmem>>
        %dma_start3A_1202 = arith.constant 0 : i32
        %dma_start3A_1203 = arith.constant 0 : i32
        %dma_start3A_1204 = tpu.memref_slice %arg3[%add3A, %sub3A_1196, %dma_start3A_1202, %dma_start3A_1203] : memref<32x160x2x64xi32, #tpu.memory_space<hbm>> -> memref<1x1x2x64xi32, #tpu.memory_space<hbm>>
        %dma_start3A_1205 = tpu.memref_squeeze %dma_start3A_1204 : memref<1x1x2x64xi32, #tpu.memory_space<hbm>> -> memref<2x64xi32, #tpu.memory_space<hbm>>
        %dma_start3A_1206 = arith.constant 0 : i32
        %dma_start3A_1207 = arith.constant 0 : i32
        %dma_start3A_1208 = tpu.memref_slice %arg7[%dma_start3A_1197, %dma_start3A_1206, %dma_start3A_1207] : memref<10x2x64xi32, #tpu.memory_space<vmem>> -> memref<1x2x64xi32, #tpu.memory_space<vmem>>
        %dma_start3A_1209 = tpu.memref_squeeze %dma_start3A_1208 : memref<1x2x64xi32, #tpu.memory_space<vmem>> -> memref<2x64xi32, #tpu.memory_space<vmem>>
        %dma_start3A_1210 = arith.constant 0 : i32
        %dma_start3A_1211 = arith.constant 0 : i32
        %dma_start3A_1212 = tpu.memref_slice %arg3[%add3A, %sub3A_1196, %dma_start3A_1210, %dma_start3A_1211] : memref<32x160x2x64xi32, #tpu.memory_space<hbm>> -> memref<1x1x2x64xi32, #tpu.memory_space<hbm>>
        %dma_start3A_1213 = tpu.memref_squeeze %dma_start3A_1212 : memref<1x1x2x64xi32, #tpu.memory_space<hbm>> -> memref<2x64xi32, #tpu.memory_space<hbm>>
        tpu.enqueue_dma source(%dma_start3A_1213 : memref<2x64xi32, #tpu.memory_space<hbm>>) target(%dma_start3A_1209 : memref<2x64xi32, #tpu.memory_space<vmem>>) target_semaphore(%arg35 : memref<!tpu.dma_semaphore, #tpu.memory_space<semaphore_mem>>)
        %add3A_1214 = arith.constant 10 : i32
        %add3A_1215 = arith.addi %add3A_1038, %add3A_1214 : i32
        %sub3A_1216 = arith.constant 2 : i32
        %sub3A_1217 = arith.subi %add3A_1215, %sub3A_1216 : i32
        %dma_start3A_1218 = arith.constant 6 : i32
        %dma_start3A_1219 = arith.constant 0 : i32
        %dma_start3A_1220 = tpu.memref_slice %arg8[%dma_start3A_1218, %dma_start3A_1219] : memref<10x64xf32, #tpu.memory_space<vmem>> -> memref<1x64xf32, #tpu.memory_space<vmem>>
        %dma_start3A_1221 = tpu.memref_squeeze %dma_start3A_1220 : memref<1x64xf32, #tpu.memory_space<vmem>> -> memref<64xf32, #tpu.memory_space<vmem>>
        %dma_start3A_1222 = arith.constant 0 : i32
        %dma_start3A_1223 = tpu.memref_slice %arg4[%add3A, %sub3A_1217, %dma_start3A_1222] : memref<32x160x64xf32, #tpu.memory_space<hbm>> -> memref<1x1x64xf32, #tpu.memory_space<hbm>>
        %dma_start3A_1224 = tpu.memref_squeeze %dma_start3A_1223 : memref<1x1x64xf32, #tpu.memory_space<hbm>> -> memref<64xf32, #tpu.memory_space<hbm>>
        %dma_start3A_1225 = arith.constant 0 : i32
        %dma_start3A_1226 = tpu.memref_slice %arg8[%dma_start3A_1218, %dma_start3A_1225] : memref<10x64xf32, #tpu.memory_space<vmem>> -> memref<1x64xf32, #tpu.memory_space<vmem>>
        %dma_start3A_1227 = tpu.memref_squeeze %dma_start3A_1226 : memref<1x64xf32, #tpu.memory_space<vmem>> -> memref<64xf32, #tpu.memory_space<vmem>>
        %dma_start3A_1228 = arith.constant 0 : i32
        %dma_start3A_1229 = tpu.memref_slice %arg4[%add3A, %sub3A_1217, %dma_start3A_1228] : memref<32x160x64xf32, #tpu.memory_space<hbm>> -> memref<1x1x64xf32, #tpu.memory_space<hbm>>
        %dma_start3A_1230 = tpu.memref_squeeze %dma_start3A_1229 : memref<1x1x64xf32, #tpu.memory_space<hbm>> -> memref<64xf32, #tpu.memory_space<hbm>>
        tpu.enqueue_dma source(%dma_start3A_1230 : memref<64xf32, #tpu.memory_space<hbm>>) target(%dma_start3A_1227 : memref<64xf32, #tpu.memory_space<vmem>>) target_semaphore(%arg45 : memref<!tpu.dma_semaphore, #tpu.memory_space<semaphore_mem>>)
      } else {
      }
      %add3A_1108 = arith.constant 3 : i32
      %add3A_1109 = arith.addi %add3A_1038, %add3A_1108 : i32
      %lt3A_1110 = arith.constant 160 : i32
      %lt3A_1111 = arith.cmpi slt, %add3A_1109, %lt3A_1110 : i32
      %convert_element_type3A_1112 = arith.extui %lt3A_1111 : i1 to i32
      %cond3A_1113 = arith.constant 0 : i32
      %cond3A_1114 = arith.cmpi ne, %convert_element_type3A_1112, %cond3A_1113 : i32
      scf.if %cond3A_1114 {
        %add3A_1193 = arith.constant 3 : i32
        %add3A_1194 = arith.addi %add3A_1038, %add3A_1193 : i32
        %dma_wait3A_1195 = arith.constant 1 : i32
        %dma_wait3A_1196 = arith.constant 0 : i32
        %dma_wait3A_1197 = arith.constant 0 : i32
        %dma_wait3A_1198 = tpu.memref_slice %arg7[%dma_wait3A_1195, %dma_wait3A_1196, %dma_wait3A_1197] : memref<10x2x64xi32, #tpu.memory_space<vmem>> -> memref<1x2x64xi32, #tpu.memory_space<vmem>>
        %dma_wait3A_1199 = tpu.memref_squeeze %dma_wait3A_1198 : memref<1x2x64xi32, #tpu.memory_space<vmem>> -> memref<2x64xi32, #tpu.memory_space<vmem>>
        %dma_wait3A_1200 = arith.constant 0 : i32
        %dma_wait3A_1201 = arith.constant 0 : i32
        %dma_wait3A_1202 = tpu.memref_slice %arg3[%add3A, %add3A_1194, %dma_wait3A_1200, %dma_wait3A_1201] : memref<32x160x2x64xi32, #tpu.memory_space<hbm>> -> memref<1x1x2x64xi32, #tpu.memory_space<hbm>>
        %dma_wait3A_1203 = tpu.memref_squeeze %dma_wait3A_1202 : memref<1x1x2x64xi32, #tpu.memory_space<hbm>> -> memref<2x64xi32, #tpu.memory_space<hbm>>
        %dma_wait3A_1204 = arith.constant 0 : i32
        %dma_wait3A_1205 = arith.constant 0 : i32
        %dma_wait3A_1206 = tpu.memref_slice %arg7[%dma_wait3A_1195, %dma_wait3A_1204, %dma_wait3A_1205] : memref<10x2x64xi32, #tpu.memory_space<vmem>> -> memref<1x2x64xi32, #tpu.memory_space<vmem>>
        %dma_wait3A_1207 = tpu.memref_squeeze %dma_wait3A_1206 : memref<1x2x64xi32, #tpu.memory_space<vmem>> -> memref<2x64xi32, #tpu.memory_space<vmem>>
        %dma_wait3A_1208 = arith.constant 0 : i32
        %dma_wait3A_1209 = arith.constant 0 : i32
        %dma_wait3A_1210 = tpu.memref_slice %arg3[%add3A, %add3A_1194, %dma_wait3A_1208, %dma_wait3A_1209] : memref<32x160x2x64xi32, #tpu.memory_space<hbm>> -> memref<1x1x2x64xi32, #tpu.memory_space<hbm>>
        %dma_wait3A_1211 = tpu.memref_squeeze %dma_wait3A_1210 : memref<1x1x2x64xi32, #tpu.memory_space<hbm>> -> memref<2x64xi32, #tpu.memory_space<hbm>>
        tpu.wait_dma2 semaphore(%arg30 : memref<!tpu.dma_semaphore, #tpu.memory_space<semaphore_mem>>) src(%dma_wait3A_1211 : memref<2x64xi32, #tpu.memory_space<hbm>>) dst(%dma_wait3A_1207 : memref<2x64xi32, #tpu.memory_space<vmem>>)
        %add3A_1212 = arith.constant 3 : i32
        %add3A_1213 = arith.addi %add3A_1038, %add3A_1212 : i32
        %dma_wait3A_1214 = arith.constant 1 : i32
        %dma_wait3A_1215 = arith.constant 0 : i32
        %dma_wait3A_1216 = tpu.memref_slice %arg8[%dma_wait3A_1214, %dma_wait3A_1215] : memref<10x64xf32, #tpu.memory_space<vmem>> -> memref<1x64xf32, #tpu.memory_space<vmem>>
        %dma_wait3A_1217 = tpu.memref_squeeze %dma_wait3A_1216 : memref<1x64xf32, #tpu.memory_space<vmem>> -> memref<64xf32, #tpu.memory_space<vmem>>
        %dma_wait3A_1218 = arith.constant 0 : i32
        %dma_wait3A_1219 = tpu.memref_slice %arg4[%add3A, %add3A_1213, %dma_wait3A_1218] : memref<32x160x64xf32, #tpu.memory_space<hbm>> -> memref<1x1x64xf32, #tpu.memory_space<hbm>>
        %dma_wait3A_1220 = tpu.memref_squeeze %dma_wait3A_1219 : memref<1x1x64xf32, #tpu.memory_space<hbm>> -> memref<64xf32, #tpu.memory_space<hbm>>
        %dma_wait3A_1221 = arith.constant 0 : i32
        %dma_wait3A_1222 = tpu.memref_slice %arg8[%dma_wait3A_1214, %dma_wait3A_1221] : memref<10x64xf32, #tpu.memory_space<vmem>> -> memref<1x64xf32, #tpu.memory_space<vmem>>
        %dma_wait3A_1223 = tpu.memref_squeeze %dma_wait3A_1222 : memref<1x64xf32, #tpu.memory_space<vmem>> -> memref<64xf32, #tpu.memory_space<vmem>>
        %dma_wait3A_1224 = arith.constant 0 : i32
        %dma_wait3A_1225 = tpu.memref_slice %arg4[%add3A, %add3A_1213, %dma_wait3A_1224] : memref<32x160x64xf32, #tpu.memory_space<hbm>> -> memref<1x1x64xf32, #tpu.memory_space<hbm>>
        %dma_wait3A_1226 = tpu.memref_squeeze %dma_wait3A_1225 : memref<1x1x64xf32, #tpu.memory_space<hbm>> -> memref<64xf32, #tpu.memory_space<hbm>>
        tpu.wait_dma2 semaphore(%arg40 : memref<!tpu.dma_semaphore, #tpu.memory_space<semaphore_mem>>) src(%dma_wait3A_1226 : memref<64xf32, #tpu.memory_space<hbm>>) dst(%dma_wait3A_1223 : memref<64xf32, #tpu.memory_space<vmem>>)
        %dma_start3A_1227 = arith.constant 1 : i32
        %dma_start3A_1228 = arith.constant 1 : i32
        %dma_start3A_1229 = arith.constant 0 : i32
        %dma_start3A_1230 = tpu.memref_slice %arg7[%dma_start3A_1227, %dma_start3A_1228, %dma_start3A_1229] : memref<10x2x64xi32, #tpu.memory_space<vmem>> -> memref<1x1x64xi32, #tpu.memory_space<vmem>>
        %dma_start3A_1231 = tpu.memref_squeeze %dma_start3A_1230 : memref<1x1x64xi32, #tpu.memory_space<vmem>> -> memref<64xi32, #tpu.memory_space<vmem>>
        %dma_start3A_1232 = arith.constant 0 : i32
        %dma_start3A_1233 = arith.constant 0 : i32
        %dma_start3A_1234 = tpu.memref_slice %arg2[%dma_start3A_1232, %dma_start3A_1233] : memref<10000x128xf32, #tpu.memory_space<hbm>> -> memref<10000x128xf32, #tpu.memory_space<hbm>>
        tpu.enqueue_indirect_dma source(%dma_start3A_1234 : memref<10000x128xf32, #tpu.memory_space<hbm>>) target(%arg15 : memref<64x128xf32, #tpu.memory_space<vmem>>) offsets(%dma_start3A_1231 : memref<64xi32, #tpu.memory_space<vmem>>) semaphore(%arg20 : memref<!tpu.dma_semaphore, #tpu.memory_space<semaphore_mem>>)
      } else {
      }
      %add3A_1115 = arith.constant 9 : i32
      %add3A_1116 = arith.addi %add3A_418, %add3A_1115 : i32
      %dma_wait3A_1117 = arith.constant 9 : i32
      %dma_wait3A_1118 = arith.constant 1 : i32
      %dma_wait3A_1119 = arith.constant 0 : i32
      %dma_wait3A_1120 = tpu.memref_slice %arg7[%dma_wait3A_1117, %dma_wait3A_1118, %dma_wait3A_1119] : memref<10x2x64xi32, #tpu.memory_space<vmem>> -> memref<1x1x64xi32, #tpu.memory_space<vmem>>
      %dma_wait3A_1121 = tpu.memref_squeeze %dma_wait3A_1120 : memref<1x1x64xi32, #tpu.memory_space<vmem>> -> memref<64xi32, #tpu.memory_space<vmem>>
      %dma_wait3A_1122 = arith.constant 0 : i32
      %dma_wait3A_1123 = arith.constant 0 : i32
      %dma_wait3A_1124 = tpu.memref_slice %arg2[%dma_wait3A_1122, %dma_wait3A_1123] : memref<10000x128xf32, #tpu.memory_space<hbm>> -> memref<10000x128xf32, #tpu.memory_space<hbm>>
      tpu.wait_indirect_dma semaphore(%arg23 : memref<!tpu.dma_semaphore, #tpu.memory_space<semaphore_mem>>) src(%dma_wait3A_1124 : memref<10000x128xf32, #tpu.memory_space<hbm>>) dst(%arg18 : memref<64x128xf32, #tpu.memory_space<vmem>>)
      %get3A_1125 = arith.constant 9 : i32
      %get3A_1126 = arith.constant 0 : i32
      %get3A_1127 = arith.index_cast %get3A_1125 : i32 to index
      %get3A_1128 = arith.index_cast %get3A_1126 : i32 to index
      %get3A_1129 = arith.constant 0 : index
      %get3A_1130 = tpu.vector_load %arg7[%get3A_1127, %get3A_1128, %get3A_1129] {strides = array<i32>} : memref<10x2x64xi32, #tpu.memory_space<vmem>>, vector<1x1x16xi32>,
      %get3A_1131 = vector.shape_cast %get3A_1130 : vector<1x1x16xi32> to vector<16xi32>
      %swap3A_1132 = arith.constant 0 : index
      %swap3A_1133 = tpu.vector_load %arg13[%swap3A_1132] {strides = array<i32>} : memref<64xi32, #tpu.memory_space<vmem>>, vector<16xi32>,
      %swap3A_1134 = vector.shape_cast %swap3A_1133 : vector<16xi32> to vector<16xi32>
      %swap3A_1135 = vector.shape_cast %get3A_1131 : vector<16xi32> to vector<16xi32>
      tpu.vector_store %arg13[%swap3A_1132], %swap3A_1135 {strides = array<i32>} : memref<64xi32, #tpu.memory_space<vmem>>, vector<16xi32>,
      %get3A_1136 = arith.constant 9 : i32
      %get3A_1137 = arith.constant 0 : i32
      %get3A_1138 = arith.index_cast %get3A_1136 : i32 to index
      %get3A_1139 = arith.index_cast %get3A_1137 : i32 to index
      %get3A_1140 = arith.constant 16 : index
      %get3A_1141 = tpu.vector_load %arg7[%get3A_1138, %get3A_1139, %get3A_1140] {strides = array<i32>} : memref<10x2x64xi32, #tpu.memory_space<vmem>>, vector<1x1x16xi32>,
      %get3A_1142 = vector.shape_cast %get3A_1141 : vector<1x1x16xi32> to vector<16xi32>
      %swap3A_1143 = arith.constant 16 : index
      %swap3A_1144 = tpu.vector_load %arg13[%swap3A_1143] {strides = array<i32>} : memref<64xi32, #tpu.memory_space<vmem>>, vector<16xi32>,
      %swap3A_1145 = vector.shape_cast %swap3A_1144 : vector<16xi32> to vector<16xi32>
      %swap3A_1146 = vector.shape_cast %get3A_1142 : vector<16xi32> to vector<16xi32>
      tpu.vector_store %arg13[%swap3A_1143], %swap3A_1146 {strides = array<i32>} : memref<64xi32, #tpu.memory_space<vmem>>, vector<16xi32>,
      %get3A_1147 = arith.constant 9 : i32
      %get3A_1148 = arith.constant 0 : i32
      %get3A_1149 = arith.index_cast %get3A_1147 : i32 to index
      %get3A_1150 = arith.index_cast %get3A_1148 : i32 to index
      %get3A_1151 = arith.constant 32 : index
      %get3A_1152 = tpu.vector_load %arg7[%get3A_1149, %get3A_1150, %get3A_1151] {strides = array<i32>} : memref<10x2x64xi32, #tpu.memory_space<vmem>>, vector<1x1x16xi32>,
      %get3A_1153 = vector.shape_cast %get3A_1152 : vector<1x1x16xi32> to vector<16xi32>
      %swap3A_1154 = arith.constant 32 : index
      %swap3A_1155 = tpu.vector_load %arg13[%swap3A_1154] {strides = array<i32>} : memref<64xi32, #tpu.memory_space<vmem>>, vector<16xi32>,
      %swap3A_1156 = vector.shape_cast %swap3A_1155 : vector<16xi32> to vector<16xi32>
      %swap3A_1157 = vector.shape_cast %get3A_1153 : vector<16xi32> to vector<16xi32>
      tpu.vector_store %arg13[%swap3A_1154], %swap3A_1157 {strides = array<i32>} : memref<64xi32, #tpu.memory_space<vmem>>, vector<16xi32>,
      %get3A_1158 = arith.constant 9 : i32
      %get3A_1159 = arith.constant 0 : i32
      %get3A_1160 = arith.index_cast %get3A_1158 : i32 to index
      %get3A_1161 = arith.index_cast %get3A_1159 : i32 to index
      %get3A_1162 = arith.constant 48 : index
      %get3A_1163 = tpu.vector_load %arg7[%get3A_1160, %get3A_1161, %get3A_1162] {strides = array<i32>} : memref<10x2x64xi32, #tpu.memory_space<vmem>>, vector<1x1x16xi32>,
      %get3A_1164 = vector.shape_cast %get3A_1163 : vector<1x1x16xi32> to vector<16xi32>
      %swap3A_1165 = arith.constant 48 : index
      %swap3A_1166 = tpu.vector_load %arg13[%swap3A_1165] {strides = array<i32>} : memref<64xi32, #tpu.memory_space<vmem>>, vector<16xi32>,
      %swap3A_1167 = vector.shape_cast %swap3A_1166 : vector<16xi32> to vector<16xi32>
      %swap3A_1168 = vector.shape_cast %get3A_1164 : vector<16xi32> to vector<16xi32>
      tpu.vector_store %arg13[%swap3A_1165], %swap3A_1168 {strides = array<i32>} : memref<64xi32, #tpu.memory_space<vmem>>, vector<16xi32>,
      %dma_start3A_1169 = arith.constant 0 : i32
      %dma_start3A_1170 = arith.constant 0 : i32
      %dma_start3A_1171 = tpu.memref_slice %arg6[%dma_start3A_1169, %dma_start3A_1170] : memref<10000x128xf32, #tpu.memory_space<vmem_shared>> -> memref<10000x128xf32, #tpu.memory_space<vmem_shared>>
      tpu.enqueue_indirect_dma source(%arg18 : memref<64x128xf32, #tpu.memory_space<vmem>>) target(%dma_start3A_1171 : memref<10000x128xf32, #tpu.memory_space<vmem_shared>>) offsets(%arg13 : memref<64xi32, #tpu.memory_space<vmem>>) semaphore(%arg28 : memref<!tpu.dma_semaphore, #tpu.memory_space<semaphore_mem>>) {add = true}
      %ge3A_1172 = arith.constant 2 : i32
      %ge3A_1173 = arith.cmpi sge, %add3A_1116, %ge3A_1172 : i32
      %convert_element_type3A_1174 = arith.extui %ge3A_1173 : i1 to i32
      %cond3A_1175 = arith.constant 0 : i32
      %cond3A_1176 = arith.cmpi ne, %convert_element_type3A_1174, %cond3A_1175 : i32
      scf.if %cond3A_1176 {
        %dma_wait3A_1193 = arith.constant 0 : i32
        %dma_wait3A_1194 = arith.constant 0 : i32
        %dma_wait3A_1195 = tpu.memref_slice %arg6[%dma_wait3A_1193, %dma_wait3A_1194] : memref<10000x128xf32, #tpu.memory_space<vmem_shared>> -> memref<10000x128xf32, #tpu.memory_space<vmem_shared>>
        tpu.wait_indirect_dma semaphore(%arg26 : memref<!tpu.dma_semaphore, #tpu.memory_space<semaphore_mem>>) src(%arg16 : memref<64x128xf32, #tpu.memory_space<vmem>>) dst(%dma_wait3A_1195 : memref<10000x128xf32, #tpu.memory_space<vmem_shared>>)
      } else {
      }
      %add3A_1177 = arith.constant 10 : i32
      %add3A_1178 = arith.addi %add3A_1116, %add3A_1177 : i32
      %sub3A_1179 = arith.constant 2 : i32
      %sub3A_1180 = arith.subi %add3A_1178, %sub3A_1179 : i32
      %lt3A_1181 = arith.constant 160 : i32
      %lt3A_1182 = arith.cmpi slt, %sub3A_1180, %lt3A_1181 : i32
      %convert_element_type3A_1183 = arith.extui %lt3A_1182 : i1 to i32
      %cond3A_1184 = arith.constant 0 : i32
      %cond3A_1185 = arith.cmpi ne, %convert_element_type3A_1183, %cond3A_1184 : i32
      scf.if %cond3A_1185 {
        %add3A_1193 = arith.constant 10 : i32
        %add3A_1194 = arith.addi %add3A_1116, %add3A_1193 : i32
        %sub3A_1195 = arith.constant 2 : i32
        %sub3A_1196 = arith.subi %add3A_1194, %sub3A_1195 : i32
        %dma_start3A_1197 = arith.constant 7 : i32
        %dma_start3A_1198 = arith.constant 0 : i32
        %dma_start3A_1199 = arith.constant 0 : i32
        %dma_start3A_1200 = tpu.memref_slice %arg7[%dma_start3A_1197, %dma_start3A_1198, %dma_start3A_1199] : memref<10x2x64xi32, #tpu.memory_space<vmem>> -> memref<1x2x64xi32, #tpu.memory_space<vmem>>
        %dma_start3A_1201 = tpu.memref_squeeze %dma_start3A_1200 : memref<1x2x64xi32, #tpu.memory_space<vmem>> -> memref<2x64xi32, #tpu.memory_space<vmem>>
        %dma_start3A_1202 = arith.constant 0 : i32
        %dma_start3A_1203 = arith.constant 0 : i32
        %dma_start3A_1204 = tpu.memref_slice %arg3[%add3A, %sub3A_1196, %dma_start3A_1202, %dma_start3A_1203] : memref<32x160x2x64xi32, #tpu.memory_space<hbm>> -> memref<1x1x2x64xi32, #tpu.memory_space<hbm>>
        %dma_start3A_1205 = tpu.memref_squeeze %dma_start3A_1204 : memref<1x1x2x64xi32, #tpu.memory_space<hbm>> -> memref<2x64xi32, #tpu.memory_space<hbm>>
        %dma_start3A_1206 = arith.constant 0 : i32
        %dma_start3A_1207 = arith.constant 0 : i32
        %dma_start3A_1208 = tpu.memref_slice %arg7[%dma_start3A_1197, %dma_start3A_1206, %dma_start3A_1207] : memref<10x2x64xi32, #tpu.memory_space<vmem>> -> memref<1x2x64xi32, #tpu.memory_space<vmem>>
        %dma_start3A_1209 = tpu.memref_squeeze %dma_start3A_1208 : memref<1x2x64xi32, #tpu.memory_space<vmem>> -> memref<2x64xi32, #tpu.memory_space<vmem>>
        %dma_start3A_1210 = arith.constant 0 : i32
        %dma_start3A_1211 = arith.constant 0 : i32
        %dma_start3A_1212 = tpu.memref_slice %arg3[%add3A, %sub3A_1196, %dma_start3A_1210, %dma_start3A_1211] : memref<32x160x2x64xi32, #tpu.memory_space<hbm>> -> memref<1x1x2x64xi32, #tpu.memory_space<hbm>>
        %dma_start3A_1213 = tpu.memref_squeeze %dma_start3A_1212 : memref<1x1x2x64xi32, #tpu.memory_space<hbm>> -> memref<2x64xi32, #tpu.memory_space<hbm>>
        tpu.enqueue_dma source(%dma_start3A_1213 : memref<2x64xi32, #tpu.memory_space<hbm>>) target(%dma_start3A_1209 : memref<2x64xi32, #tpu.memory_space<vmem>>) target_semaphore(%arg36 : memref<!tpu.dma_semaphore, #tpu.memory_space<semaphore_mem>>)
        %add3A_1214 = arith.constant 10 : i32
        %add3A_1215 = arith.addi %add3A_1116, %add3A_1214 : i32
        %sub3A_1216 = arith.constant 2 : i32
        %sub3A_1217 = arith.subi %add3A_1215, %sub3A_1216 : i32
        %dma_start3A_1218 = arith.constant 7 : i32
        %dma_start3A_1219 = arith.constant 0 : i32
        %dma_start3A_1220 = tpu.memref_slice %arg8[%dma_start3A_1218, %dma_start3A_1219] : memref<10x64xf32, #tpu.memory_space<vmem>> -> memref<1x64xf32, #tpu.memory_space<vmem>>
        %dma_start3A_1221 = tpu.memref_squeeze %dma_start3A_1220 : memref<1x64xf32, #tpu.memory_space<vmem>> -> memref<64xf32, #tpu.memory_space<vmem>>
        %dma_start3A_1222 = arith.constant 0 : i32
        %dma_start3A_1223 = tpu.memref_slice %arg4[%add3A, %sub3A_1217, %dma_start3A_1222] : memref<32x160x64xf32, #tpu.memory_space<hbm>> -> memref<1x1x64xf32, #tpu.memory_space<hbm>>
        %dma_start3A_1224 = tpu.memref_squeeze %dma_start3A_1223 : memref<1x1x64xf32, #tpu.memory_space<hbm>> -> memref<64xf32, #tpu.memory_space<hbm>>
        %dma_start3A_1225 = arith.constant 0 : i32
        %dma_start3A_1226 = tpu.memref_slice %arg8[%dma_start3A_1218, %dma_start3A_1225] : memref<10x64xf32, #tpu.memory_space<vmem>> -> memref<1x64xf32, #tpu.memory_space<vmem>>
        %dma_start3A_1227 = tpu.memref_squeeze %dma_start3A_1226 : memref<1x64xf32, #tpu.memory_space<vmem>> -> memref<64xf32, #tpu.memory_space<vmem>>
        %dma_start3A_1228 = arith.constant 0 : i32
        %dma_start3A_1229 = tpu.memref_slice %arg4[%add3A, %sub3A_1217, %dma_start3A_1228] : memref<32x160x64xf32, #tpu.memory_space<hbm>> -> memref<1x1x64xf32, #tpu.memory_space<hbm>>
        %dma_start3A_1230 = tpu.memref_squeeze %dma_start3A_1229 : memref<1x1x64xf32, #tpu.memory_space<hbm>> -> memref<64xf32, #tpu.memory_space<hbm>>
        tpu.enqueue_dma source(%dma_start3A_1230 : memref<64xf32, #tpu.memory_space<hbm>>) target(%dma_start3A_1227 : memref<64xf32, #tpu.memory_space<vmem>>) target_semaphore(%arg46 : memref<!tpu.dma_semaphore, #tpu.memory_space<semaphore_mem>>)
      } else {
      }
      %add3A_1186 = arith.constant 3 : i32
      %add3A_1187 = arith.addi %add3A_1116, %add3A_1186 : i32
      %lt3A_1188 = arith.constant 160 : i32
      %lt3A_1189 = arith.cmpi slt, %add3A_1187, %lt3A_1188 : i32
      %convert_element_type3A_1190 = arith.extui %lt3A_1189 : i1 to i32
      %cond3A_1191 = arith.constant 0 : i32
      %cond3A_1192 = arith.cmpi ne, %convert_element_type3A_1190, %cond3A_1191 : i32
      scf.if %cond3A_1192 {
        %add3A_1193 = arith.constant 3 : i32
        %add3A_1194 = arith.addi %add3A_1116, %add3A_1193 : i32
        %dma_wait3A_1195 = arith.constant 2 : i32
        %dma_wait3A_1196 = arith.constant 0 : i32
        %dma_wait3A_1197 = arith.constant 0 : i32
        %dma_wait3A_1198 = tpu.memref_slice %arg7[%dma_wait3A_1195, %dma_wait3A_1196, %dma_wait3A_1197] : memref<10x2x64xi32, #tpu.memory_space<vmem>> -> memref<1x2x64xi32, #tpu.memory_space<vmem>>
        %dma_wait3A_1199 = tpu.memref_squeeze %dma_wait3A_1198 : memref<1x2x64xi32, #tpu.memory_space<vmem>> -> memref<2x64xi32, #tpu.memory_space<vmem>>
        %dma_wait3A_1200 = arith.constant 0 : i32
        %dma_wait3A_1201 = arith.constant 0 : i32
        %dma_wait3A_1202 = tpu.memref_slice %arg3[%add3A, %add3A_1194, %dma_wait3A_1200, %dma_wait3A_1201] : memref<32x160x2x64xi32, #tpu.memory_space<hbm>> -> memref<1x1x2x64xi32, #tpu.memory_space<hbm>>
        %dma_wait3A_1203 = tpu.memref_squeeze %dma_wait3A_1202 : memref<1x1x2x64xi32, #tpu.memory_space<hbm>> -> memref<2x64xi32, #tpu.memory_space<hbm>>
        %dma_wait3A_1204 = arith.constant 0 : i32
        %dma_wait3A_1205 = arith.constant 0 : i32
        %dma_wait3A_1206 = tpu.memref_slice %arg7[%dma_wait3A_1195, %dma_wait3A_1204, %dma_wait3A_1205] : memref<10x2x64xi32, #tpu.memory_space<vmem>> -> memref<1x2x64xi32, #tpu.memory_space<vmem>>
        %dma_wait3A_1207 = tpu.memref_squeeze %dma_wait3A_1206 : memref<1x2x64xi32, #tpu.memory_space<vmem>> -> memref<2x64xi32, #tpu.memory_space<vmem>>
        %dma_wait3A_1208 = arith.constant 0 : i32
        %dma_wait3A_1209 = arith.constant 0 : i32
        %dma_wait3A_1210 = tpu.memref_slice %arg3[%add3A, %add3A_1194, %dma_wait3A_1208, %dma_wait3A_1209] : memref<32x160x2x64xi32, #tpu.memory_space<hbm>> -> memref<1x1x2x64xi32, #tpu.memory_space<hbm>>
        %dma_wait3A_1211 = tpu.memref_squeeze %dma_wait3A_1210 : memref<1x1x2x64xi32, #tpu.memory_space<hbm>> -> memref<2x64xi32, #tpu.memory_space<hbm>>
        tpu.wait_dma2 semaphore(%arg31 : memref<!tpu.dma_semaphore, #tpu.memory_space<semaphore_mem>>) src(%dma_wait3A_1211 : memref<2x64xi32, #tpu.memory_space<hbm>>) dst(%dma_wait3A_1207 : memref<2x64xi32, #tpu.memory_space<vmem>>)
        %add3A_1212 = arith.constant 3 : i32
        %add3A_1213 = arith.addi %add3A_1116, %add3A_1212 : i32
        %dma_wait3A_1214 = arith.constant 2 : i32
        %dma_wait3A_1215 = arith.constant 0 : i32
        %dma_wait3A_1216 = tpu.memref_slice %arg8[%dma_wait3A_1214, %dma_wait3A_1215] : memref<10x64xf32, #tpu.memory_space<vmem>> -> memref<1x64xf32, #tpu.memory_space<vmem>>
        %dma_wait3A_1217 = tpu.memref_squeeze %dma_wait3A_1216 : memref<1x64xf32, #tpu.memory_space<vmem>> -> memref<64xf32, #tpu.memory_space<vmem>>
        %dma_wait3A_1218 = arith.constant 0 : i32
        %dma_wait3A_1219 = tpu.memref_slice %arg4[%add3A, %add3A_1213, %dma_wait3A_1218] : memref<32x160x64xf32, #tpu.memory_space<hbm>> -> memref<1x1x64xf32, #tpu.memory_space<hbm>>
        %dma_wait3A_1220 = tpu.memref_squeeze %dma_wait3A_1219 : memref<1x1x64xf32, #tpu.memory_space<hbm>> -> memref<64xf32, #tpu.memory_space<hbm>>
        %dma_wait3A_1221 = arith.constant 0 : i32
        %dma_wait3A_1222 = tpu.memref_slice %arg8[%dma_wait3A_1214, %dma_wait3A_1221] : memref<10x64xf32, #tpu.memory_space<vmem>> -> memref<1x64xf32, #tpu.memory_space<vmem>>
        %dma_wait3A_1223 = tpu.memref_squeeze %dma_wait3A_1222 : memref<1x64xf32, #tpu.memory_space<vmem>> -> memref<64xf32, #tpu.memory_space<vmem>>
        %dma_wait3A_1224 = arith.constant 0 : i32
        %dma_wait3A_1225 = tpu.memref_slice %arg4[%add3A, %add3A_1213, %dma_wait3A_1224] : memref<32x160x64xf32, #tpu.memory_space<hbm>> -> memref<1x1x64xf32, #tpu.memory_space<hbm>>
        %dma_wait3A_1226 = tpu.memref_squeeze %dma_wait3A_1225 : memref<1x1x64xf32, #tpu.memory_space<hbm>> -> memref<64xf32, #tpu.memory_space<hbm>>
        tpu.wait_dma2 semaphore(%arg41 : memref<!tpu.dma_semaphore, #tpu.memory_space<semaphore_mem>>) src(%dma_wait3A_1226 : memref<64xf32, #tpu.memory_space<hbm>>) dst(%dma_wait3A_1223 : memref<64xf32, #tpu.memory_space<vmem>>)
        %dma_start3A_1227 = arith.constant 2 : i32
        %dma_start3A_1228 = arith.constant 1 : i32
        %dma_start3A_1229 = arith.constant 0 : i32
        %dma_start3A_1230 = tpu.memref_slice %arg7[%dma_start3A_1227, %dma_start3A_1228, %dma_start3A_1229] : memref<10x2x64xi32, #tpu.memory_space<vmem>> -> memref<1x1x64xi32, #tpu.memory_space<vmem>>
        %dma_start3A_1231 = tpu.memref_squeeze %dma_start3A_1230 : memref<1x1x64xi32, #tpu.memory_space<vmem>> -> memref<64xi32, #tpu.memory_space<vmem>>
        %dma_start3A_1232 = arith.constant 0 : i32
        %dma_start3A_1233 = arith.constant 0 : i32
        %dma_start3A_1234 = tpu.memref_slice %arg2[%dma_start3A_1232, %dma_start3A_1233] : memref<10000x128xf32, #tpu.memory_space<hbm>> -> memref<10000x128xf32, #tpu.memory_space<hbm>>
        tpu.enqueue_indirect_dma source(%dma_start3A_1234 : memref<10000x128xf32, #tpu.memory_space<hbm>>) target(%arg16 : memref<64x128xf32, #tpu.memory_space<vmem>>) offsets(%dma_start3A_1231 : memref<64xi32, #tpu.memory_space<vmem>>) semaphore(%arg21 : memref<!tpu.dma_semaphore, #tpu.memory_space<semaphore_mem>>)
      } else {
      }
    }
    %scan3A_406 = arith.constant 16 : i32
    %dma_wait3A_407 = arith.constant 0 : i32
    %dma_wait3A_408 = arith.constant 0 : i32
    %dma_wait3A_409 = tpu.memref_slice %arg6[%dma_wait3A_407, %dma_wait3A_408] : memref<10000x128xf32, #tpu.memory_space<vmem_shared>> -> memref<10000x128xf32, #tpu.memory_space<vmem_shared>>
    tpu.wait_indirect_dma semaphore(%arg27 : memref<!tpu.dma_semaphore, #tpu.memory_space<semaphore_mem>>) src(%arg17 : memref<64x128xf32, #tpu.memory_space<vmem>>) dst(%dma_wait3A_409 : memref<10000x128xf32, #tpu.memory_space<vmem_shared>>)
    %dma_wait3A_410 = arith.constant 0 : i32
    %dma_wait3A_411 = arith.constant 0 : i32
    %dma_wait3A_412 = tpu.memref_slice %arg6[%dma_wait3A_410, %dma_wait3A_411] : memref<10000x128xf32, #tpu.memory_space<vmem_shared>> -> memref<10000x128xf32, #tpu.memory_space<vmem_shared>>
    tpu.wait_indirect_dma semaphore(%arg28 : memref<!tpu.dma_semaphore, #tpu.memory_space<semaphore_mem>>) src(%arg18 : memref<64x128xf32, #tpu.memory_space<vmem>>) dst(%dma_wait3A_412 : memref<10000x128xf32, #tpu.memory_space<vmem_shared>>)
    %barrier3A_413 = arith.constant 0 : index
    tpu.barrier barrier_id(%barrier3A_413)
    "tpu.region"() ({
      %run_scoped3A = tpu.sem_alloc : memref<!tpu.dma_semaphore, #tpu.memory_space<semaphore_mem>>
      %dma_start3A_414 = arith.constant 0 : i32
      %dma_start3A_415 = arith.constant 0 : i32
      %dma_start3A_416 = tpu.memref_slice %arg5[%arg0, %arg1, %dma_start3A_414, %dma_start3A_415] : memref<2x16x625x128xf32, #tpu.memory_space<hbm>> -> memref<1x1x625x128xf32, #tpu.memory_space<hbm>>
      %dma_start3A_417 = tpu.memref_squeeze %dma_start3A_416 : memref<1x1x625x128xf32, #tpu.memory_space<hbm>> -> memref<625x128xf32, #tpu.memory_space<hbm>>
      %dma_start3A_418 = arith.constant 0 : i32
      %dma_start3A_419 = tpu.memref_slice %arg6[%mul3A_6, %dma_start3A_418] : memref<10000x128xf32, #tpu.memory_space<vmem_shared>> -> memref<625x128xf32, #tpu.memory_space<vmem_shared>>
      tpu.enqueue_dma source(%dma_start3A_419 : memref<625x128xf32, #tpu.memory_space<vmem_shared>>) target(%dma_start3A_417 : memref<625x128xf32, #tpu.memory_space<hbm>>) target_semaphore(%run_scoped3A : memref<!tpu.dma_semaphore, #tpu.memory_space<semaphore_mem>>)
      %dma_wait3A_420 = arith.constant 0 : i32
      %dma_wait3A_421 = arith.constant 0 : i32
      %dma_wait3A_422 = tpu.memref_slice %arg5[%arg0, %arg1, %dma_wait3A_420, %dma_wait3A_421] : memref<2x16x625x128xf32, #tpu.memory_space<hbm>> -> memref<1x1x625x128xf32, #tpu.memory_space<hbm>>
      %dma_wait3A_423 = tpu.memref_squeeze %dma_wait3A_422 : memref<1x1x625x128xf32, #tpu.memory_space<hbm>> -> memref<625x128xf32, #tpu.memory_space<hbm>>
      %dma_wait3A_424 = arith.constant 0 : i32
      %dma_wait3A_425 = tpu.memref_slice %arg6[%mul3A_6, %dma_wait3A_424] : memref<10000x128xf32, #tpu.memory_space<vmem_shared>> -> memref<625x128xf32, #tpu.memory_space<vmem_shared>>
      tpu.wait_dma2 semaphore(%run_scoped3A : memref<!tpu.dma_semaphore, #tpu.memory_space<semaphore_mem>>) src(%dma_wait3A_425 : memref<625x128xf32, #tpu.memory_space<vmem_shared>>) dst(%dma_wait3A_423 : memref<625x128xf32, #tpu.memory_space<hbm>>)
      tpu.yield
    }) : () -> ()
    return
  }
}

module attributes {stable_mosaic.version = 14 : i64} {
  func.func @_mm_body(%arg0: i32, %arg1: memref<1000x128xf32, #tpu.memory_space<vmem>>, %arg2: memref<128x128xf32, #tpu.memory_space<vmem>>, %arg3: memref<1000x128xf32, #tpu.memory_space<vmem>>) attributes {dimension_semantics = [#tpu.dimension_semantics<arbitrary>], iteration_bounds = array<i64: 10>, scalar_prefetch = 0 : i64, scratch_operands = 0 : i64, tpu.core_type = #tpu.core_type<tc>, window_params = [{transform_indices = @transform_0, window_bounds = array<i64: 1000, 128>}, {pipeline_mode = #tpu.pipeline_mode<synchronous>, transform_indices = @transform_1, window_bounds = array<i64: 128, 128>}, {transform_indices = @transform_2, window_bounds = array<i64: 1000, 128>}]} {
    %get3A = arith.constant 0 : index
    %get3A_0 = arith.constant 0 : index
    %get3A_1 = vector.load %arg1[%get3A, %get3A_0] : memref<1000x128xf32, #tpu.memory_space<vmem>>, vector<1000x128xf32>
    %get3A_2 = arith.constant 0 : index
    %get3A_3 = arith.constant 0 : index
    %get3A_4 = vector.load %arg2[%get3A_2, %get3A_3] : memref<128x128xf32, #tpu.memory_space<vmem>>, vector<128x128xf32>
    %dot_general3A = arith.constant dense<0.000000e+00> : vector<1000x128xf32>
    %dot_general3A_5 = tpu.matmul %get3A_1, %get3A_4, %dot_general3A {dimension_numbers = #tpu.dot_dimension_numbers<[1], [0], [0], [1], [0, 0, 1, 1], [], []>, transpose_lhs_hint = false} : vector<1000x128xf32>, vector<128x128xf32>, vector<1000x128xf32> -> vector<1000x128xf32>
    %swap3A = arith.constant 0 : index
    %swap3A_6 = arith.constant 0 : index
    %swap3A_7 = vector.load %arg3[%swap3A, %swap3A_6] : memref<1000x128xf32, #tpu.memory_space<vmem>>, vector<1000x128xf32>
    tpu.vector_store %arg3[%swap3A, %swap3A_6], %dot_general3A_5 {strides = array<i32>} : memref<1000x128xf32, #tpu.memory_space<vmem>>, vector<1000x128xf32>,
    return
  }
  func.func @transform_0(%arg0: i32) -> (i32, i32) {
    %c0_i32 = arith.constant 0 : i32
    %c0_i32_0 = arith.constant 0 : i32
    return %arg0, %c0_i32 : i32, i32
  }
  func.func @transform_1(%arg0: i32) -> (i32, i32) {
    %c0_i32 = arith.constant 0 : i32
    %c0_i32_0 = arith.constant 0 : i32
    %c0_i32_1 = arith.constant 0 : i32
    return %c0_i32, %c0_i32_0 : i32, i32
  }
  func.func @transform_2(%arg0: i32) -> (i32, i32) {
    %c0_i32 = arith.constant 0 : i32
    %c0_i32_0 = arith.constant 0 : i32
    return %arg0, %c0_i32 : i32, i32
  }
}

module attributes {stable_mosaic.version = 14 : i64} {
  func.func @_combine_body(%arg0: i32, %arg1: memref<2x1000x128xf32, #tpu.memory_space<vmem>>, %arg2: memref<1000x128xf32, #tpu.memory_space<vmem>>) attributes {dimension_semantics = [#tpu.dimension_semantics<arbitrary>], iteration_bounds = array<i64: 10>, scalar_prefetch = 0 : i64, scratch_operands = 0 : i64, tpu.core_type = #tpu.core_type<tc>, window_params = [{transform_indices = @transform_0, window_bounds = array<i64: 2, 1000, 128>}, {transform_indices = @transform_1, window_bounds = array<i64: 1000, 128>}]} {
    %get3A = arith.constant 0 : index
    %get3A_0 = arith.constant 0 : index
    %get3A_1 = arith.constant 0 : index
    %get3A_2 = vector.load %arg1[%get3A, %get3A_0, %get3A_1] : memref<2x1000x128xf32, #tpu.memory_space<vmem>>, vector<1x1000x128xf32>
    %get3A_3 = vector.shape_cast %get3A_2 : vector<1x1000x128xf32> to vector<1000x128xf32>
    %get3A_4 = arith.constant 1 : index
    %get3A_5 = arith.constant 0 : index
    %get3A_6 = arith.constant 0 : index
    %get3A_7 = vector.load %arg1[%get3A_4, %get3A_5, %get3A_6] : memref<2x1000x128xf32, #tpu.memory_space<vmem>>, vector<1x1000x128xf32>
    %get3A_8 = vector.shape_cast %get3A_7 : vector<1x1000x128xf32> to vector<1000x128xf32>
    %add3A = arith.addf %get3A_3, %get3A_8 : vector<1000x128xf32>
    %max3A = arith.constant 0.000000e+00 : f32
    %max3A_9 = vector.broadcast %max3A : f32 to vector<1000x128xf32>
    %max3A_10 = arith.maximumf %add3A, %max3A_9 : vector<1000x128xf32>
    %swap3A = arith.constant 0 : index
    %swap3A_11 = arith.constant 0 : index
    %swap3A_12 = vector.load %arg2[%swap3A, %swap3A_11] : memref<1000x128xf32, #tpu.memory_space<vmem>>, vector<1000x128xf32>
    tpu.vector_store %arg2[%swap3A, %swap3A_11], %max3A_10 {strides = array<i32>} : memref<1000x128xf32, #tpu.memory_space<vmem>>, vector<1000x128xf32>,
    return
  }
  func.func @transform_0(%arg0: i32) -> (i32, i32, i32) {
    %c0_i32 = arith.constant 0 : i32
    %c0_i32_0 = arith.constant 0 : i32
    %c0_i32_1 = arith.constant 0 : i32
    return %c0_i32, %arg0, %c0_i32_0 : i32, i32, i32
  }
  func.func @transform_1(%arg0: i32) -> (i32, i32) {
    %c0_i32 = arith.constant 0 : i32
    %c0_i32_0 = arith.constant 0 : i32
    return %arg0, %c0_i32 : i32, i32
  }
}

</mosaic_0001>

<sc_bundles>
// kernel: kernel.5.cloned.1.call-start
scs
__scs_entry_jumppad:
0x0: {  	(pc) =	sbr.rel $0x88, $3  }
0x1: {  	(tag) =	ssettag $0x0;
	lr =	simm.s32 $0x1  }
0x2: {  	[smem:$0x3F9D] =	sst lr;
	_ =	strace $0xD0000000  }
0x3: {  	_ = 	snop  }
0x4: {  	_ = 	snop  }
0x5: {  	_ = 	snop  }
0x6: {  	_ = 	snop  }
0x7: {  	_ = 	snop  }
__scs_overlays_trampoline_lowered:
0x8: {  	[smem:$0x3FAC] =	sst s0  }
0x9: {  	[smem:$0x3FAD] =	sst s1  }
0xa: {  	[smem:$0x3FAE] =	sst s2  }
0xb: {  	[smem:$0x3FAF] =	sst s3  }
0xc: {  	[smem:$0x3FB0] =	sst s4  }
0xd: {  	[smem:$0x3FB1] =	sst s5  }
0xe: {  	[smem:$0x3FB2] =	sst s6  }
0xf: {  	[smem:$0x3FB3] =	sst s7  }
0x10: {  	[smem:$0x3FB4] =	sst s8  }
0x11: {  	[smem:$0x3FB5] =	sst s9;
	s0 =	simm.s32 @!p0 $0x0  }
0x12: {  	s1 =	sld [smem:$0x3F9B];
	s0 =	simm.s32 @p0 $0x1  }
0x13: {  	[smem:$0x3FB6] =	sst s0;
	s0 =	simm.s32 @!p1 $0x0  }
0x14: {  	s2 =	sld [smem:$0x3F9A];
	s0 =	simm.s32 @p1 $0x1  }
0x15: {  	[smem:$0x3FB7] =	sst s0;
	s0 =	simm.s32 @!p2 $0x0  }
0x16: {  	s3 =	sld [smem:$0x3FDB];
	s0 =	simm.s32 @p2 $0x1  }
0x17: {  	s4 =	simm.s32 $0x1BF5;
	[smem:$0x3FB9] =	sst s0  }
0x18: {  	s0 =	sld [smem:$0x3F9C];
	_ =	swait.ge [sflag:s4], $0x0  }
0x19: {  	s7 =	sld [smem:$0x3F9D]  }
0x1a: {  	s8 =	sadd.s32 $0xFFFFE003, lr  }
0x1b: {  	s9 =	sadd.s32 $0xFFFFFEF7, lr;
	s5 =	simm.s32 $0xFFFFFFFF;
	p2 =	slt.u32 s8, $0xFFFFF086  }
0x1c: {  	p1 =	slt.u32 s9, $0xF7A;
	s5 =	simm.s32 @!p2 $0x0  }
0x1d: {  	s5 =	simm.s32 @p1 $0x1;
	p0 =	seq.s32 s7, s2  }
0x1e: {  	s7 =	smul.u32 @!p0 $0xF7A, s2;
	p2 =	seq.s32 @!p0 s5, $0x0  }
0x1f: {  	s9 =	smul.u32 $0xF7A, s1;
	s8 =	simm.s32 @!p0 $0x1BF5;
	p2 =	por !p2, p0  }
0x20: {  	[sflag:s8] =	ssyncset.s32 @!p0 $0xFFFFF086;
	s6 =	sadd.s32 @!p0 s3, s7;
	s7 =	simm.s32 @!p0 $0x108  }
0x21: {  	s3 =	sadd.s32 s3, s9;
	s6 =	sadd.s32 @!p0 $0x88, s6;
	s7 =	simm.s32 @p2 $0x1082  }
0x22: {  	[simem:s7], [sflag:s8] =	dma.local @!p0 [hbm:s6], $0xF7A  }
0x23: {  	s9 =	sor.u32 $0xD0000000, s2;
	s6 =	simm.s32 $0x108;
	_ =	swait.ge @!p0 [sflag:s8], $0x0  }
0x24: {  	s3 =	sadd.s32 $0x88, s3;
	s6 =	simm.s32 @!p1 $0x1082;
	[sflag:s4] =	ssyncset.s32 $0xFFFFF086  }
0x25: {  	[simem:s6], [sflag:s4] =	dma.local [hbm:s3], $0xF7A  }
0x26: {  	[smem:$0x3F9D] =	sst s1;
	(tag) =	ssettag s2;
	_ =	strace s9  }
0x27: {  	s1 =	sld [smem:$0x3FAD]  }
0x28: {  	s2 =	sld [smem:$0x3FAE]  }
0x29: {  	s4 =	sld [smem:$0x3FB0]  }
0x2a: {  	p0 =	seq.s32 s5, $0x0;
	s5 =	sld [smem:$0x3FB1]  }
0x2b: {  	s6 =	sld [smem:$0x3FB2]  }
0x2c: {  	s7 =	sld [smem:$0x3FB3]  }
0x2d: {  	s3 =	simm.s32 $0x108;
	s8 =	sld [smem:$0x3FB4]  }
0x2e: {  	s3 =	simm.s32 @!p0 $0x1082;
	s9 =	sld [smem:$0x3FB5]  }
0x2f: {  	lr =	sadd.s32 s0, s3;
	s0 =	sld [smem:$0x3FAC]  }
0x30: {  	s3 =	sld [smem:$0x3FAF]  }
0x31: {  	[smem:$0x3FB8] =	sst s10  }
0x32: {  	s10 =	sld [smem:$0x3FB6];
	_ =	sdelay $0x3  }
0x33: {  	p0 =	seq.s32 s10, $0x1;
	s10 =	sld [smem:$0x3FB8];
	_ =	sdelay $0x3  }
0x34: {  	[smem:$0x3FB8] =	sst s10  }
0x35: {  	s10 =	sld [smem:$0x3FB7];
	_ =	sdelay $0x3  }
0x36: {  	p1 =	seq.s32 s10, $0x1;
	s10 =	sld [smem:$0x3FB8];
	_ =	sdelay $0x3  }
0x37: {  	[smem:$0x3FB8] =	sst s10  }
0x38: {  	s10 =	sld [smem:$0x3FB9]  }
0x39: {  	_ = 	snop;
	(pc) =	sbr.ind lr, $3  }
0x3a: {  	_ = 	snop  }
0x3b: {  	_ = 	snop  }
0x3c: {  	p2 =	seq.s32 s10, $0x1;
	s10 =	sld [smem:$0x3FB8]  }
0x3d: {  	_ =	shalt  }
0x3e: {  	_ =	shalt  }
0x3f: {  	_ =	shalt  }
0x40: {  	_ =	shalt  }
0x41: {  	_ =	shalt  }
0x42: {  	_ =	shalt  }
0x43: {  	_ =	shalt  }
0x44: {  	_ =	shalt  }
0x45: {  	_ =	shalt  }
0x46: {  	_ =	shalt  }
0x47: {  	_ =	shalt  }
0x48: {  	_ =	shalt  }
0x49: {  	_ =	shalt  }
0x4a: {  	_ =	shalt  }
0x4b: {  	_ =	shalt  }
0x4c: {  	_ =	shalt  }
0x4d: {  	_ =	shalt  }
0x4e: {  	_ =	shalt  }
0x4f: {  	_ =	shalt  }
0x50: {  	_ =	shalt  }
0x51: {  	_ =	shalt  }
0x52: {  	_ =	shalt  }
0x53: {  	_ =	shalt  }
0x54: {  	_ =	shalt  }
0x55: {  	_ =	shalt  }
0x56: {  	_ =	shalt  }
0x57: {  	_ =	shalt  }
0x58: {  	_ =	shalt  }
0x59: {  	_ =	shalt  }
0x5a: {  	_ =	shalt  }
0x5b: {  	_ =	shalt  }
0x5c: {  	_ =	shalt  }
0x5d: {  	_ =	shalt  }
0x5e: {  	_ =	shalt  }
0x5f: {  	_ =	shalt  }
0x60: {  	_ =	shalt  }
0x61: {  	_ =	shalt  }
0x62: {  	_ =	shalt  }
0x63: {  	_ =	shalt  }
0x64: {  	_ =	shalt  }
0x65: {  	_ =	shalt  }
0x66: {  	_ =	shalt  }
0x67: {  	_ =	shalt  }
0x68: {  	_ =	shalt  }
0x69: {  	_ =	shalt  }
0x6a: {  	_ =	shalt  }
0x6b: {  	_ =	shalt  }
0x6c: {  	_ =	shalt  }
0x6d: {  	_ =	shalt  }
0x6e: {  	_ =	shalt  }
0x6f: {  	_ =	shalt  }
0x70: {  	_ =	shalt  }
0x71: {  	_ =	shalt  }
0x72: {  	_ =	shalt  }
0x73: {  	_ =	shalt  }
0x74: {  	_ =	shalt  }
0x75: {  	_ =	shalt  }
0x76: {  	_ =	shalt  }
0x77: {  	_ =	shalt  }
0x78: {  	_ =	shalt  }
0x79: {  	_ =	shalt  }
0x7a: {  	_ =	shalt  }
0x7b: {  	_ =	shalt  }
0x7c: {  	_ =	shalt  }
0x7d: {  	_ =	shalt  }
0x7e: {  	_ =	shalt  }
0x7f: {  	_ =	shalt  }
0x80: {  	_ =	shalt  }
0x81: {  	_ =	shalt  }
0x82: {  	_ =	shalt  }
0x83: {  	_ =	shalt  }
0x84: {  	_ =	shalt  }
0x85: {  	_ =	shalt  }
0x86: {  	_ =	shalt  }
0x87: {  	_ =	shalt  }
.Lfunc_end0:
.L_simem_size_0:
called_computation_lowered:
.L_overlay_start_0:
0x88: {  	s2 =	sld [smem:$0x3FD9]  }
0x89: {  	s3 =	sld [smem:$0x3FFE];
	_ =	sdelay $0x1  }
0x8a: {  	s1 =	srdreg.scid  }
0x8b: {  	s0 =	sand.u32 $0x1, s1  }
0x8c: {  	s17 =	sshll.u32 s0, $0xA;
	s2 =	sadd.s32 s3, s2  }
0x8d: {  	s2 =	sadd.s32 s2, s17  }
0x8e: {  	[smem:$0x3FC4] =	sst s2  }
0x8f: {  	_ = 	snop  }
0x90: {  	s2 =	sld [smem:$0x3FD0];
	(tm) =	ssettm $0x1  }
0x91: {  	s18 =	sld [smem:$0x3FFB];
	_ =	sdelay $0x3  }
0x92: {  	_ =	strace s18  }
0x93: {  	s3 =	sld [smem:$0x3FFC];
	_ =	sdelay $0x3  }
0x94: {  	_ =	strace s3  }
0x95: {  	s3 =	sld [smem:$0x3FFD];
	_ =	sdelay $0x3  }
0x96: {  	_ =	strace s3  }
0x97: {  	_ =	strace $0x8FFFFFFF  }
0x98: {  	s19 =	sld [smem:$0x3FDB];
	_ =	sdelay $0x1  }
0x99: {  	s4 =	simm.s32 $_scs_section_size  }
0x9a: {  	s5 =	simm.s32 $_size__tile_overlayer_lowered;
	s6 =	simm.s32 $_tile_overlayer_lowered  }
0x9b: {  	s22 =	simm.s32 $0x1BFF;
	s21 =	sshll.u32 s6, $0x1;
	s3 =	sadd.s32 s4, s19  }
0x9c: {  	s7 =	simm.s32 $0x0;
	s20 =	sshll.u32 s5, $0x1;
	s5 =	sadd.s32 s21, s3  }
0x9d: {  	[timem:s7], [sflag:s22] =	dma.local [hbm:s5], s20  }
0x9e: {  	_ =	swait.ge [sflag:s22], s20  }
0x9f: {  	s4 =	ssub.s32 $0x0, s20;
	[sflag:s22] =	ssyncset.done $0x0  }
0xa0: {  	[sflag:s22] =	ssyncadd.s32 s4;
	_ =	sdelay $0x1  }
0xa1: {  	s23 =	simm.s32 $0x1B8B  }
0xa2: {  	_ =	swait.ge [sflag:s23], $0x1  }
0xa3: {  	[sflag:s23] =	ssyncset.done $0x0  }
0xa4: {  	s25 =	simm.s32 $0x1B8E;
	s24 =	sld [smem:$0x3FFE];
	[sflag:s23] =	ssyncadd.s32 $0xFFFFFFFF  }
0xa5: {  	s26 =	simm.s32 $execute0_lowered;
	[smem:$0x3FD2] =	sst s25  }
0xa6: {  	s5 =	sshll.u32 s26, $0x1;
	_ =	strace $0x80000046;
	[dreg:$0x1] =	wrdreg $0xFFFFFFFF  }
0xa7: {  	s28 =	simm.s32 $_size_execute0_lowered;
	s3 =	sadd.s32 s3, s5;
	[dreg:$0x0] =	wrdreg $0x0  }
0xa8: {  	s5 =	sshll.u32 s28, $0x1;
	[dreg:$0x2] =	wrdreg s3  }
0xa9: {  	[dreg:$0x3] =	wrdreg s5  }
0xaa: {  	[dreg:$0x4] =	wrdreg $0xC0  }
0xab: {  	_ =	task [dreg:s7], $0x5FFFF  }
0xac: {  	[dreg:$0x1] =	wrdreg $0xFFFFFFFF  }
0xad: {  	[dreg:$0x0] =	wrdreg $0x60  }
0xae: {  	[dreg:$0x2] =	wrdreg s2  }
0xaf: {  	[dreg:$0x3] =	wrdreg s24  }
0xb0: {  	[dreg:$0x4] =	wrdreg $0x0  }
0xb1: {  	[dreg:$0x5] =	wrdreg $0x9  }
0xb2: {  	_ =	task.clear_ibuf [dreg:s7], $0x6FFFF;
	_ =	strace $0x90000046  }
0xb3: {  	s29 =	simm.s32 $0x9;
	_ =	strace $0x80000048  }
0xb4: {  	_ =	swait.ge [sflag:s29], $0x1  }
0xb5: {  	[sflag:s29] =	ssyncadd.s32 $0xFFFFFFFF  }
0xb6: {  	_ =	strace $0x90000048  }
0xb7: {  	_ =	sfence  }
0xb8: {  	s30 =	sld [smem:$0x0];
	_ =	sdelay $0x2  }
0xb9: {  	s31 =	sshll.u32 s1, $0xD;
	s1 =	sshrl.u32 s1, $0x2  }
0xba: {  	s3 =	sand.u32 $0x4000, s31;
	s1 =	sadd.s32 s1, s30  }
0xbb: {  	s0 =	sor.u32 s3, s0;
	s1 =	sshll.u32 s1, $0x11  }
0xbc: {  	s0 =	sor.u32 s1, s0  }
0xbd: {  	s0 =	sadd.s32 $0x8F2B, s0  }
0xbe: {  	[sflag:s0] =	ssyncadd.remote.s32 $0x1  }
0xbf: {  	_ =	sfence.sel $0xFFFF  }
0xc0: {  	[dreg:$0x0] =	wrdreg $0xFFFFFFFF;
	(pc) =	sbr.abs _section_cstart, $3  }
0xc1: {  	[dreg:$0x1] =	wrdreg $0xFFFFFFFF  }
0xc2: {  	_ =	task.clear_ibuf [dreg:s7], $0x2FFFF;
	_ =	strace $0x9FFFFFFF  }
0xc3: {  	(tm) =	ssettm $0x7FFFFFFF  }
tec
execute0_lowered:
.L_overlay_start_1:
0x0: {  	(tag) =	ssettag $0x1  }
0x1: {  	s1 =	rddreg [dreg:$0x0];
	s11 =	stileid.u32  }
0x2: {  	s0 =	rddreg [dreg:$0x1];
	s6 =	smul.u32 $0x13C00, s11  }
0x3: {  	s3 =	srdreg.scid;
	s8 =	smul.u32 $0x4E200, s11  }
0x4: {  	s3 =	sand.u32 $0x1, s3;
	s7 =	sshll.u32 s11, $0x1;
	s11 =	smul.u32 $0x14000, s11  }
0x5: {  	s12 =	rddreg [dreg:$0x2];
	s4 =	simm.s32 $0x0;
	s5 =	smul.u32 $0x13C000, s3  }
0x6: {  	s7 =	sor.u32 s3, s7;
	s20 =	ssub.s32 $0x2, s3;
	s3 =	smul.u32 $0xA000, s3  }
0x7: {  	[smem:$0x7FF] =	sst s4;
	s2 =	sadd.s32 $0x14A00, s0;
	s9 =	smul.u32 $0xA000, s7  }
0x8: {  	_ =	strace $0x80000047;
	[dreg:$0x4] =	wrdreg s2;
	s7 =	smul.u32 $0x5000, s7  }
0x9: {  	s10 =	sshrl.u32 s20, $0x1;
	s5 =	sadd.s32 s6, s5;
	s6 =	sadd.s32 $0xA00, s0  }
0xa: {  	s3 =	sadd.s32 s3, s11;
	s5 =	sshrl.u32 s5, $0x3;
	s23 =	sshrl.u32 s9, $0x3  }
0xb: {  	s25 =	sor.u32 $0x1100, s3;
	s11 =	sor.u32 $0xE00, s3;
	s0 =	sadd.s32 s5, s0  }
0xc: {  	s5 =	ssub.s32 s20, s10;
	s10 =	sadd.s32 s2, s23;
	s2 =	sshrl.u32 s25, $0x3  }
0xd: {  	s16 =	sor.u32 $0xC00, s3;
	s14 =	sshrl.u32 s11, $0x3;
	[dreg:$0xd] =	wrdreg s2  }
0xe: {  	s17 =	sor.u32 $0xB00, s3;
	s18 =	sshrl.u32 s16, $0x3;
	[dreg:$0x10] =	wrdreg s14  }
0xf: {  	s19 =	sshrl.u32 s17, $0x3;
	[dreg:$0x12] =	wrdreg s18  }
0x10: {  	s24 =	sshrl.u32 s7, $0x3;
	[dreg:$0x13] =	wrdreg s19  }
0x11: {  	s8 =	sshrl.u32 s8, $0x2;
	s9 =	sadd.s32 s6, s24;
	[dreg:$0x9] =	wrdreg s10  }
0x12: {  	s20 =	sadd.s32 s8, s12;
	[dreg:$0xa] =	wrdreg s9  }
0x13: {  	s8 =	sadd.s32 $0x2000, s20;
	[dreg:$0x5] =	wrdreg s20  }
0x14: {  	s21 =	sadd.s32 $0x4000, s20;
	[dreg:$0x6] =	wrdreg s8  }
0x15: {  	s22 =	sadd.s32 $0x6000, s20;
	[dreg:$0x7] =	wrdreg s21  }
0x16: {  	s0 =	sadd.s32 $0x3CA00, s0;
	[dreg:$0x8] =	wrdreg s22  }
0x17: {  	s26 =	smax.u32 s5, $0x1;
	[dreg:$0xb] =	wrdreg s0  }
0x18: {  	s25 =	sadd.s32 $0x8000, s20;
	[dreg:$0xc] =	wrdreg s26  }
0x19: {  	s2 =	sadd.s32 $0xC000, s20;
	[dreg:$0x17] =	wrdreg s25  }
0x1a: {  	s11 =	sadd.s32 $0x20, s10;
	[dreg:$0x19] =	wrdreg s2  }
0x1b: {  	s14 =	sadd.s32 $0x40, s10;
	[dreg:$0x1d] =	wrdreg s11  }
0x1c: {  	s16 =	sadd.s32 $0x60, s10;
	[dreg:$0x1f] =	wrdreg s14  }
0x1d: {  	s17 =	sadd.s32 $0x30, s9;
	[smem:$0x7F4] =	sst s16  }
0x1e: {  	s30 =	simm.s32 $0x16D00;
	s18 =	sadd.s32 $0x80, s10;
	[smem:$0x7F5] =	sst s17  }
0x1f: {  	s5 =	sor.u32 $0x1000, s3;
	s19 =	sadd.s32 $0x40, s9;
	[smem:$0x7F6] =	sst s18  }
0x20: {  	s28 =	simm.s32 $0x1AD00;
	s0 =	sshrl.u32 s5, $0x3;
	[smem:$0x7F7] =	sst s19  }
0x21: {  	s31 =	simm.s32 $0x14B80;
	s26 =	sadd.s32 $0xA000, s20;
	[dreg:$0xe] =	wrdreg s0  }
0x22: {  	s15 =	sor.u32 $0xD00, s3;
	s5 =	sadd.s32 $0x10000, s20;
	[dreg:$0x18] =	wrdreg s26  }
0x23: {  	s8 =	sor.u32 $0xF00, s3;
	s25 =	sadd.s32 $0xE0, s10;
	[dreg:$0x1b] =	wrdreg s5  }
0x24: {  	s21 =	sor.u32 $0xA00, s3;
	s13 =	sshrl.u32 s8, $0x3;
	[smem:$0x7FC] =	sst s25  }
0x25: {  	s22 =	sor.u32 $0x900, s3;
	s0 =	sshrl.u32 s15, $0x3;
	[dreg:$0xf] =	wrdreg s13  }
0x26: {  	s3 =	sor.u32 $0x800, s3;
	s23 =	sshrl.u32 s22, $0x3;
	[dreg:$0x11] =	wrdreg s0  }
0x27: {  	s29 =	simm.s32 $0x14C00;
	s24 =	sshrl.u32 s3, $0x3;
	[dreg:$0x15] =	wrdreg s23  }
0x28: {  	s16 =	simm.s32 $0x2;
	s3 =	sadd.s32 $0xE000, s20;
	[dreg:$0x16] =	wrdreg s24  }
0x29: {  	s11 =	simm.s32 $0x14B00;
	s8 =	sadd.s32 $0x12000, s20;
	[dreg:$0x1a] =	wrdreg s3  }
0x2a: {  	s18 =	simm.s32 $0x3;
	s15 =	sadd.s32 $0x20, s9;
	[dreg:$0x1c] =	wrdreg s8  }
0x2b: {  	s14 =	simm.s32 $0x7;
	s22 =	sadd.s32 $0x50, s9;
	[smem:$0x7F3] =	sst s15  }
0x2c: {  	s17 =	simm.s32 $0x5;
	s26 =	sadd.s32 $0x70, s9;
	[smem:$0x7F9] =	sst s22  }
0x2d: {  	s5 =	simm.s32 $0x18D00;
	s0 =	sshrl.u32 s21, $0x3;
	[smem:$0x7FD] =	sst s26  }
0x2e: {  	s13 =	sadd.s32 $0x10, s9;
	s21 =	sadd.s32 $0xA0, s10;
	[dreg:$0x14] =	wrdreg s0  }
.Ltmp0:
0x2f: {  	s23 =	sadd.s32 $0xC0, s10;
	[dreg:$0x1e] =	wrdreg s13;
	(pc) =	sbr.rel .LBB2_1-.Ltmp0, $4  }
0x30: {  	s24 =	sadd.s32 $0x60, s9;
	s9 =	simm.s32 $0x1F;
	[smem:$0x7F8] =	sst s21  }
0x31: {  	s26 =	simm.s32 $0x40;
	s10 =	simm.s32 $0x1;
	[smem:$0x7FA] =	sst s23  }
0x32: {  	s8 =	simm.s32 $0x16D00;
	[smem:$0x7FB] =	sst s24;
	s0 =	simm.s32 $0x0  }
0x33: {  	v0 =	vimm.f32 $0.0e+00;
	s13 =	simm.s32 $0x0;
	s21 =	simm.s32 $0x6;
	s23 =	simm.s32 $0x4  }
.LBB2_6:
0x34: {  	s0 =	simm.s32 $0x9  }
0x35: {  	_ =	swait.ge [sflag:s0], $0x2000  }
0x36: {  	[sflag:s0] =	ssyncset.done $0x0  }
0x37: {  	s22 =	simm.s32 $0xA;
	[sflag:s0] =	ssyncadd.s32 $0xFFFFE000  }
0x38: {  	_ =	swait.ge [sflag:s22], $0x2000  }
0x39: {  	[sflag:s22] =	ssyncset.done $0x0  }
0x3a: {  	[sflag:s22] =	ssyncadd.s32 $0xFFFFE000  }
0x3b: {  	s3 =	stileid.u32;
	[bflag:$0x0] =	sbarrier.arrive $0xFFFF  }
0x3c: {  	s3 =	sshll.u32 s3, $0x6;
	s20 =	rddreg [dreg:$0x5]  }
0x3d: {  	s3 =	sor.u32 $0x1C1F, s3;
	s15 =	rddreg [dreg:$0xb];
	s9 =	sshrl.u32 s20, $0x3  }
0x3e: {  	[hbm:s15], [sflag:s3] =	dma.local [spmem:s9], $0x2710  }
0x3f: {  	s9 =	simm.s32 $0x1F  }
0x40: {  	_ =	swait.ge [sflag:s9], $0x2710  }
0x41: {  	s24 =	sld [smem:$0x7F2];
	_ =	sdelay $0x2  }
0x42: {  	s25 =	rddreg [dreg:$0xc];
	s0 =	sadd.s32 $0x1, s24  }
0x43: {  	p0 =	sne.s32 s0, s25  }
.Ltmp1:
0x44: {  	_ = 	snop;
	(pc) =	sbr.rel @!p0 .LBB2_7-.Ltmp1, $3  }
0x45: {  	_ =	sdelay $0x1  }
0x46: {  	[sflag:s9] =	ssyncset.done $0x0  }
0x47: {  	s4 =	simm.s32 $0x0;
	[sflag:s9] =	ssyncadd.s32 $0xFFFFD8F0  }
.LBB2_1:
0x48: {  	[smem:$0x7F2] =	sst s0;
	s15 =	simm.s32 $0x0;
	s19 =	simm.s32 $0x200  }
.LBB2_2:
0x49: {  	p0 =	sne.s32 s19, $0x7E00;
	[tilespmem:s15+$0x14D70] =	vst v0  }
0x4a: {  	[tilespmem:s15+$0x14D00] =	vst v0  }
0x4b: {  	[tilespmem:s15+$0x14D10] =	vst v0  }
.Ltmp2:
0x4c: {  	[tilespmem:s15+$0x14D20] =	vst v0;
	(pc) =	sbr.rel @p0 .LBB2_2-.Ltmp2, $4  }
0x4d: {  	[tilespmem:s15+$0x14D30] =	vst v0  }
0x4e: {  	[tilespmem:s15+$0x14D40] =	vst v0  }
0x4f: {  	[tilespmem:s15+$0x14D50] =	vst v0  }
0x50: {  	[tilespmem:s15+$0x14D60] =	vst v0;
	s15 =	sshra.s32 s19, $0x2;
	s19 =	sadd.s32 $0x200, s19  }
0x51: {  	[tilespmem:s15+$0x14D70] =	vst v0  }
0x52: {  	[tilespmem:s15+$0x14D00] =	vst v0  }
0x53: {  	[tilespmem:s15+$0x14D10] =	vst v0  }
0x54: {  	[tilespmem:s15+$0x14D20] =	vst v0  }
0x55: {  	[tilespmem:s15+$0x14D30] =	vst v0  }
0x56: {  	[tilespmem:s15+$0x14D40] =	vst v0  }
0x57: {  	[tilespmem:s15+$0x14D50] =	vst v0  }
0x58: {  	[tilespmem:s15+$0x14D60] =	vst v0;
	s0 =	simm.s32 $0x14D00  }
0x59: {  	[spmem:s20] =	stream.linear.scatter [tilespmem:s0], [sflag:$0x1F], $0x2000, $0x38;
	[tilespmem:$0x1ED00] =	vst v63  }
0x5a: {  	_ =	swait.ge [sflag:s9], $0x2000  }
0x5b: {  	[sflag:s9] =	ssyncset.done $0x0  }
0x5c: {  	s3 =	rddreg [dreg:$0x6];
	[sflag:s9] =	ssyncadd.s32 $0xFFFFE000  }
0x5d: {  	[spmem:s3] =	stream.linear.scatter [tilespmem:s0], [sflag:$0x1F], $0x2000, $0x38;
	[tilespmem:$0x1ED00] =	vst v63  }
0x5e: {  	_ =	swait.ge [sflag:s9], $0x2000  }
0x5f: {  	[sflag:s9] =	ssyncset.done $0x0  }
0x60: {  	s20 =	rddreg [dreg:$0x7];
	[sflag:s9] =	ssyncadd.s32 $0xFFFFE000  }
0x61: {  	[spmem:s20] =	stream.linear.scatter [tilespmem:s0], [sflag:$0x1F], $0x2000, $0x38;
	[tilespmem:$0x1ED00] =	vst v63  }
0x62: {  	_ =	swait.ge [sflag:s9], $0x2000  }
0x63: {  	[sflag:s9] =	ssyncset.done $0x0  }
0x64: {  	s22 =	rddreg [dreg:$0x8];
	[sflag:s9] =	ssyncadd.s32 $0xFFFFE000  }
0x65: {  	[spmem:s22] =	stream.linear.scatter [tilespmem:s0], [sflag:$0x1F], $0x2000, $0x38;
	[tilespmem:$0x1ED00] =	vst v63  }
0x66: {  	_ =	swait.ge [sflag:s9], $0x2000  }
0x67: {  	[sflag:s9] =	ssyncset.done $0x0  }
0x68: {  	s24 =	rddreg [dreg:$0x17];
	[sflag:s9] =	ssyncadd.s32 $0xFFFFE000  }
0x69: {  	[spmem:s24] =	stream.linear.scatter [tilespmem:s0], [sflag:$0x1F], $0x2000, $0x38;
	[tilespmem:$0x1ED00] =	vst v63  }
0x6a: {  	_ =	swait.ge [sflag:s9], $0x2000  }
0x6b: {  	[sflag:s9] =	ssyncset.done $0x0  }
0x6c: {  	s25 =	rddreg [dreg:$0x18];
	[sflag:s9] =	ssyncadd.s32 $0xFFFFE000  }
0x6d: {  	[spmem:s25] =	stream.linear.scatter [tilespmem:s0], [sflag:$0x1F], $0x2000, $0x38;
	[tilespmem:$0x1ED00] =	vst v63  }
0x6e: {  	_ =	swait.ge [sflag:s9], $0x2000  }
0x6f: {  	[sflag:s9] =	ssyncset.done $0x0  }
0x70: {  	s2 =	rddreg [dreg:$0x19];
	[sflag:s9] =	ssyncadd.s32 $0xFFFFE000  }
0x71: {  	[spmem:s2] =	stream.linear.scatter [tilespmem:s0], [sflag:$0x1F], $0x2000, $0x38;
	[tilespmem:$0x1ED00] =	vst v63  }
0x72: {  	_ =	swait.ge [sflag:s9], $0x2000  }
0x73: {  	[sflag:s9] =	ssyncset.done $0x0  }
0x74: {  	s15 =	rddreg [dreg:$0x1a];
	[sflag:s9] =	ssyncadd.s32 $0xFFFFE000  }
0x75: {  	[spmem:s15] =	stream.linear.scatter [tilespmem:s0], [sflag:$0x1F], $0x2000, $0x38;
	[tilespmem:$0x1ED00] =	vst v63  }
0x76: {  	_ =	swait.ge [sflag:s9], $0x2000  }
0x77: {  	[sflag:s9] =	ssyncset.done $0x0  }
0x78: {  	s19 =	rddreg [dreg:$0x1b];
	[sflag:s9] =	ssyncadd.s32 $0xFFFFE000  }
0x79: {  	[spmem:s19] =	stream.linear.scatter [tilespmem:s0], [sflag:$0x1F], $0x2000, $0x38;
	[tilespmem:$0x1ED00] =	vst v63  }
0x7a: {  	_ =	swait.ge [sflag:s9], $0x2000  }
0x7b: {  	[sflag:s9] =	ssyncset.done $0x0  }
0x7c: {  	s20 =	rddreg [dreg:$0x1c];
	[sflag:s9] =	ssyncadd.s32 $0xFFFFE000  }
0x7d: {  	[spmem:s20] =	stream.linear.scatter [tilespmem:s0], [sflag:$0x1F], $0x1880, $0x38;
	[tilespmem:$0x1ED00] =	vst v63  }
0x7e: {  	_ =	swait.ge [sflag:s9], $0x1880  }
0x7f: {  	[sflag:s9] =	ssyncset.done $0x0  }
0x80: {  	[sflag:s9] =	ssyncadd.s32 $0xFFFFE780  }
0x81: {  	[bflag:$0x0] =	sbarrier.arrive $0xFFFF  }
0x82: {  	s22 =	rddreg [dreg:$0x9]  }
0x83: {  	s24 =	simm.s32 $0x13880;
	s15 =	simm.s32 $0x0;
	s25 =	rddreg [dreg:$0xa]  }
0x84: {  	[tilespmem:s24], [sflag:$0xB] =	stream.linear.gather [hbm4b:s22+s15], $0x100, $0x38;
	[tilespmem:$0x1ED00] =	vst v63  }
0x85: {  	s2 =	simm.s32 $0x14280;
	s19 =	rddreg [dreg:$0x1d]  }
0x86: {  	[tilespmem:s2], [sflag:$0x15] =	stream.linear.gather [hbm4b:s25+s15], $0x80, $0x38;
	[tilespmem:$0x1ED00] =	vst v63  }
0x87: {  	s20 =	simm.s32 $0x13980;
	s22 =	rddreg [dreg:$0x1e]  }
0x88: {  	[tilespmem:s20], [sflag:$0xC] =	stream.linear.gather [hbm4b:s19+s15], $0x100, $0x38;
	[tilespmem:$0x1ED00] =	vst v63  }
0x89: {  	s24 =	simm.s32 $0x14300;
	s25 =	rddreg [dreg:$0x1f]  }
0x8a: {  	[tilespmem:s24], [sflag:$0x16] =	stream.linear.gather [hbm4b:s22+s15], $0x80, $0x38;
	[tilespmem:$0x1ED00] =	vst v63  }
0x8b: {  	s2 =	simm.s32 $0x13A80;
	s19 =	sld [smem:$0x7F3]  }
0x8c: {  	[tilespmem:s2], [sflag:$0xD] =	stream.linear.gather [hbm4b:s25+s15], $0x100, $0x38;
	[tilespmem:$0x1ED00] =	vst v63  }
0x8d: {  	s20 =	simm.s32 $0x14380;
	s22 =	sld [smem:$0x7F4]  }
0x8e: {  	[tilespmem:s20], [sflag:$0x17] =	stream.linear.gather [hbm4b:s19+s15], $0x80, $0x38;
	[tilespmem:$0x1ED00] =	vst v63  }
0x8f: {  	s24 =	simm.s32 $0x13B80;
	s25 =	sld [smem:$0x7F5]  }
0x90: {  	[tilespmem:s24], [sflag:$0xE] =	stream.linear.gather [hbm4b:s22+s15], $0x100, $0x38;
	[tilespmem:$0x1ED00] =	vst v63  }
0x91: {  	s2 =	simm.s32 $0x14400;
	s19 =	sld [smem:$0x7F6]  }
0x92: {  	[tilespmem:s2], [sflag:$0x18] =	stream.linear.gather [hbm4b:s25+s15], $0x80, $0x38;
	[tilespmem:$0x1ED00] =	vst v63  }
0x93: {  	s20 =	simm.s32 $0x13C80;
	s22 =	sld [smem:$0x7F7]  }
0x94: {  	[tilespmem:s20], [sflag:$0xF] =	stream.linear.gather [hbm4b:s19+s15], $0x100, $0x38;
	[tilespmem:$0x1ED00] =	vst v63  }
0x95: {  	s24 =	simm.s32 $0x14480;
	s25 =	sld [smem:$0x7F8]  }
0x96: {  	[tilespmem:s24], [sflag:$0x19] =	stream.linear.gather [hbm4b:s22+s15], $0x80, $0x38;
	[tilespmem:$0x1ED00] =	vst v63  }
0x97: {  	s2 =	simm.s32 $0x13D80;
	s19 =	sld [smem:$0x7F9]  }
0x98: {  	[tilespmem:s2], [sflag:$0x10] =	stream.linear.gather [hbm4b:s25+s15], $0x100, $0x38;
	[tilespmem:$0x1ED00] =	vst v63  }
0x99: {  	s20 =	simm.s32 $0x14500;
	s22 =	sld [smem:$0x7FA]  }
0x9a: {  	[tilespmem:s20], [sflag:$0x1A] =	stream.linear.gather [hbm4b:s19+s15], $0x80, $0x38;
	[tilespmem:$0x1ED00] =	vst v63  }
0x9b: {  	s24 =	simm.s32 $0x13E80;
	s25 =	sld [smem:$0x7FB]  }
0x9c: {  	[tilespmem:s24], [sflag:$0x11] =	stream.linear.gather [hbm4b:s22+s15], $0x100, $0x38;
	[tilespmem:$0x1ED00] =	vst v63  }
0x9d: {  	s2 =	simm.s32 $0x14580;
	s19 =	sld [smem:$0x7FC]  }
0x9e: {  	[tilespmem:s2], [sflag:$0x1B] =	stream.linear.gather [hbm4b:s25+s15], $0x80, $0x38;
	[tilespmem:$0x1ED00] =	vst v63  }
0x9f: {  	s20 =	simm.s32 $0x13F80;
	s22 =	sld [smem:$0x7FD]  }
0xa0: {  	[tilespmem:s20], [sflag:$0x12] =	stream.linear.gather [hbm4b:s19+s15], $0x100, $0x38;
	[tilespmem:$0x1ED00] =	vst v63  }
0xa1: {  	s24 =	simm.s32 $0x14600;
	s25 =	simm.s32 $0xB  }
0xa2: {  	[tilespmem:s24], [sflag:$0x1C] =	stream.linear.gather [hbm4b:s22+s15], $0x80, $0x38;
	[tilespmem:$0x1ED00] =	vst v63  }
0xa3: {  	_ =	swait.ge [sflag:s25], $0x100  }
0xa4: {  	[sflag:s25] =	ssyncset.done $0x0  }
0xa5: {  	s2 =	simm.s32 $0x15;
	[sflag:s25] =	ssyncadd.s32 $0xFFFFFF00  }
0xa6: {  	_ =	swait.ge [sflag:s2], $0x80  }
0xa7: {  	[sflag:s2] =	ssyncset.done $0x0  }
0xa8: {  	s9 =	simm.s32 $0x13900;
	s19 =	simm.s32 $0xC;
	[sflag:s2] =	ssyncadd.s32 $0xFFFFFF80  }
0xa9: {  	[tilespmem:s0], [sflag:$0x1] =	stream.indirect.gather [hbm4b:s1+s26], $0x80, s9, s26, $0xb8;
	[tilespmem:$0x1ED00] =	vst v63  }
0xaa: {  	_ =	swait.ge [sflag:s19], $0x100  }
0xab: {  	[sflag:s19] =	ssyncset.done $0x0  }
0xac: {  	s20 =	simm.s32 $0x16;
	[sflag:s19] =	ssyncadd.s32 $0xFFFFFF00  }
0xad: {  	_ =	swait.ge [sflag:s20], $0x80  }
0xae: {  	[sflag:s20] =	ssyncset.done $0x0  }
0xaf: {  	s22 =	simm.s32 $0x13A00;
	s24 =	simm.s32 $0xD;
	[sflag:s20] =	ssyncadd.s32 $0xFFFFFF80  }
0xb0: {  	[tilespmem:s30], [sflag:$0x2] =	stream.indirect.gather [hbm4b:s1+s26], $0x80, s22, s26, $0xb8;
	[tilespmem:$0x1ED00] =	vst v63  }
0xb1: {  	_ =	swait.ge [sflag:s24], $0x100  }
0xb2: {  	[sflag:s24] =	ssyncset.done $0x0  }
0xb3: {  	s25 =	simm.s32 $0x17;
	[sflag:s24] =	ssyncadd.s32 $0xFFFFFF00  }
0xb4: {  	_ =	swait.ge [sflag:s25], $0x80  }
0xb5: {  	[sflag:s25] =	ssyncset.done $0x0  }
0xb6: {  	s30 =	simm.s32 $0x13B00;
	[sflag:s25] =	ssyncadd.s32 $0xFFFFFF80  }
0xb7: {  	[tilespmem:s5], [sflag:$0x3] =	stream.indirect.gather [hbm4b:s1+s26], $0x80, s30, s26, $0xb8;
	[tilespmem:$0x1ED00] =	vst v63  }
0xb8: {  	s19 =	simm.s32 $0x880;
	s20 =	rddreg [dreg:$0x4];
	s5 =	simm.s32 $0x18D00  }
.LBB2_4:
0xb9: {  	_ =	swait.ge [sflag:s10], $0x2000  }
0xba: {  	[sflag:s10] =	ssyncset.done $0x0  }
0xbb: {  	[sflag:s10] =	ssyncadd.s32 $0xFFFFE000  }
0xbc: {  	v1 =	vld [tilespmem:$0x13880]  }
0xbd: {  	v2 =	vld [tilespmem:$0x13890]  }
0xbe: {  	v3 =	vld [tilespmem:$0x138A0]  }
0xbf: {  	v4 =	vld [tilespmem:$0x138B0];
	_ =	sdelay $0x1  }
0xc0: {  	[tilespmem:$0x14A80] =	vst v1  }
0xc1: {  	[tilespmem:$0x14A90] =	vst v2  }
0xc2: {  	p0 =	seq.s32 s19, $0x880;
	[tilespmem:$0x14AA0] =	vst v3  }
0xc3: {  	s0 =	simm.s32 $0x14D00;
	s30 =	simm.s32 $0x14A80;
	s24 =	simm.s32 @!p0 $0x9;
	[tilespmem:$0x14AB0] =	vst v4  }
0xc4: {  	[spmem:s12] =	stream.indirect.scatter.add.f32 [tilespmem:s0], [sflag:$0x6], $0x80, s30, s26, $0xb8;
	[tilespmem:$0x1ED00] =	vst v63  }
0xc5: {  	s22 =	simm.s32 $0x14080;
	_ =	swait.ge @!p0 [sflag:s24], $0x2000  }
0xc6: {  	s25 =	sadd.s32 $0xFFFFFB80, s19;
	[sflag:s24] =	ssyncset.done @!p0 $0x0;
	s3 =	rddreg [dreg:$0x16]  }
0xc7: {  	[sflag:s24] =	ssyncadd.s32 @!p0 $0xFFFFE000;
	s9 =	sadd.s32 s20, s3;
	s24 =	sand.u32 $0xFC00, s25  }
0xc8: {  	[tilespmem:s22], [sflag:$0x13] =	stream.linear.gather [hbm4b:s9+s4], $0x100, $0x38;
	[tilespmem:$0x1ED00] =	vst v63  }
0xc9: {  	s25 =	sadd.s32 s7, s24;
	s24 =	sand.u32 $0x300, s15  }
0xca: {  	s25 =	sor.u32 s24, s25  }
0xcb: {  	s25 =	sshrl.u32 s25, $0x3  }
0xcc: {  	s2 =	simm.s32 $0x14680;
	s9 =	simm.s32 $0xE;
	s25 =	sadd.s32 s6, s25  }
0xcd: {  	[tilespmem:s2], [sflag:$0x1D] =	stream.linear.gather [hbm4b:s25+s4], $0x80, $0x38;
	[tilespmem:$0x1ED00] =	vst v63  }
0xce: {  	_ =	swait.ge [sflag:s9], $0x100  }
0xcf: {  	[sflag:s9] =	ssyncset.done $0x0  }
0xd0: {  	s22 =	simm.s32 $0x18;
	[sflag:s9] =	ssyncadd.s32 $0xFFFFFF00  }
0xd1: {  	_ =	swait.ge [sflag:s22], $0x80  }
0xd2: {  	[sflag:s22] =	ssyncset.done $0x0  }
0xd3: {  	s25 =	simm.s32 $0x13C00;
	[sflag:s22] =	ssyncadd.s32 $0xFFFFFF80  }
0xd4: {  	[tilespmem:s28], [sflag:$0x4] =	stream.indirect.gather [hbm4b:s1+s26], $0x80, s25, s26, $0xb8;
	[tilespmem:$0x1ED00] =	vst v63  }
0xd5: {  	_ =	swait.ge [sflag:s16], $0x2000  }
0xd6: {  	[sflag:s16] =	ssyncset.done $0x0  }
0xd7: {  	[sflag:s16] =	ssyncadd.s32 $0xFFFFE000  }
0xd8: {  	v1 =	vld [tilespmem:$0x13980]  }
0xd9: {  	v2 =	vld [tilespmem:$0x13990]  }
0xda: {  	v3 =	vld [tilespmem:$0x139A0]  }
0xdb: {  	v55 =	vld [tilespmem:$0x139B0];
	_ =	sdelay $0x1  }
0xdc: {  	[tilespmem:$0x14B00] =	vst v1  }
0xdd: {  	[tilespmem:$0x14B10] =	vst v2  }
0xde: {  	[tilespmem:$0x14B20] =	vst v3  }
0xdf: {  	s25 =	simm.s32 @!p0 $0xA;
	[tilespmem:$0x14B30] =	vst v55  }
0xe0: {  	[spmem:s12] =	stream.indirect.scatter.add.f32 [tilespmem:s8], [sflag:$0x7], $0x80, s11, s26, $0xb8;
	[tilespmem:$0x1ED00] =	vst v63  }
0xe1: {  	_ =	swait.ge @!p0 [sflag:s25], $0x2000  }
0xe2: {  	s9 =	simm.s32 $0x14180;
	[sflag:s25] =	ssyncset.done @!p0 $0x0;
	s2 =	rddreg [dreg:$0x15]  }
0xe3: {  	s22 =	sadd.s32 $0xFFFFFC00, s19;
	[sflag:s25] =	ssyncadd.s32 @!p0 $0xFFFFE000;
	s3 =	sadd.s32 s20, s2  }
0xe4: {  	[tilespmem:s9], [sflag:$0x14] =	stream.linear.gather [hbm4b:s3+s4], $0x100, $0x38;
	[tilespmem:$0x1ED00] =	vst v63  }
0xe5: {  	s9 =	sand.u32 $0xFC00, s22  }
0xe6: {  	s25 =	sand.u32 $0x380, s22;
	s9 =	sadd.s32 s7, s9  }
0xe7: {  	s9 =	sor.u32 s25, s9  }
0xe8: {  	s9 =	sshrl.u32 s9, $0x3  }
0xe9: {  	s2 =	simm.s32 $0xF;
	s25 =	simm.s32 $0x14700;
	s9 =	sadd.s32 s6, s9  }
0xea: {  	[tilespmem:s25], [sflag:$0x1E] =	stream.linear.gather [hbm4b:s9+s4], $0x80, $0x38;
	[tilespmem:$0x1ED00] =	vst v63  }
0xeb: {  	_ =	swait.ge [sflag:s2], $0x100  }
0xec: {  	[sflag:s2] =	ssyncset.done $0x0  }
0xed: {  	s4 =	simm.s32 $0x19;
	[sflag:s2] =	ssyncadd.s32 $0xFFFFFF00  }
0xee: {  	_ =	swait.ge [sflag:s4], $0x80  }
0xef: {  	[sflag:s4] =	ssyncset.done $0x0  }
0xf0: {  	s9 =	simm.s32 $0x13D00;
	[sflag:s4] =	ssyncadd.s32 $0xFFFFFF80;
	s4 =	simm.s32 $0x1CD00  }
0xf1: {  	[tilespmem:s4], [sflag:$0x5] =	stream.indirect.gather [hbm4b:s1+s26], $0x80, s9, s26, $0xb8;
	[tilespmem:$0x1ED00] =	vst v63  }
0xf2: {  	_ =	swait.ge [sflag:s18], $0x2000  }
0xf3: {  	[sflag:s18] =	ssyncset.done $0x0  }
0xf4: {  	[sflag:s18] =	ssyncadd.s32 $0xFFFFE000  }
0xf5: {  	v1 =	vld [tilespmem:$0x13A80]  }
0xf6: {  	v2 =	vld [tilespmem:$0x13A90]  }
0xf7: {  	v3 =	vld [tilespmem:$0x13AA0]  }
0xf8: {  	v56 =	vld [tilespmem:$0x13AB0];
	_ =	sdelay $0x1  }
0xf9: {  	[tilespmem:$0x14B80] =	vst v1  }
0xfa: {  	[tilespmem:$0x14B90] =	vst v2  }
0xfb: {  	[tilespmem:$0x14BA0] =	vst v3  }
0xfc: {  	[tilespmem:$0x14BB0] =	vst v56  }
0xfd: {  	[spmem:s12] =	stream.indirect.scatter.add.f32 [tilespmem:s5], [sflag:$0x8], $0x80, s31, s26, $0xb8;
	[tilespmem:$0x1ED00] =	vst v63  }
0xfe: {  	p0 =	seq.s32 s19, $0x5380;
	_ =	swait.ge [sflag:s21], $0x2000  }
0xff: {  	s22 =	simm.s32 @!p0 $0x13880;
	[sflag:s21] =	ssyncset.done $0x0;
	s3 =	rddreg [dreg:$0x14]  }
0x100: {  	s25 =	simm.s32 @!p0 $0x0;
	[sflag:s21] =	ssyncadd.s32 $0xFFFFE000;
	s9 =	sadd.s32 @!p0 s20, s3  }
0x101: {  	[tilespmem:s22], [sflag:$0xB] =	stream.linear.gather @!p0 [hbm4b:s9+s25], $0x100, $0x38;
	[tilespmem:$0x1ED00] =	vst v63  }
0x102: {  	s9 =	sadd.s32 @!p0 $0xFFFFFC80, s19  }
0x103: {  	s22 =	sand.u32 @!p0 $0xFC00, s9  }
0x104: {  	s9 =	sand.u32 @!p0 $0x300, s9;
	s22 =	sadd.s32 @!p0 s7, s22  }
0x105: {  	s9 =	sor.u32 @!p0 s9, s22  }
0x106: {  	s9 =	sshrl.u32 @!p0 s9, $0x3  }
0x107: {  	s22 =	simm.s32 @!p0 $0x14280;
	s9 =	sadd.s32 @!p0 s6, s9  }
0x108: {  	[tilespmem:s22], [sflag:$0x15] =	stream.linear.gather @!p0 [hbm4b:s9+s25], $0x80, $0x38;
	[tilespmem:$0x1ED00] =	vst v63  }
0x109: {  	s22 =	simm.s32 $0x10  }
0x10a: {  	_ =	swait.ge [sflag:s22], $0x100  }
0x10b: {  	[sflag:s22] =	ssyncset.done $0x0  }
0x10c: {  	s2 =	simm.s32 $0x1A;
	[sflag:s22] =	ssyncadd.s32 $0xFFFFFF00  }
0x10d: {  	_ =	swait.ge [sflag:s2], $0x80  }
0x10e: {  	[sflag:s2] =	ssyncset.done $0x0  }
0x10f: {  	s9 =	simm.s32 $0x13E00;
	[sflag:s2] =	ssyncadd.s32 $0xFFFFFF80  }
0x110: {  	[tilespmem:s0], [sflag:$0x1] =	stream.indirect.gather [hbm4b:s1+s26], $0x80, s9, s26, $0xb8;
	[tilespmem:$0x1ED00] =	vst v63  }
0x111: {  	_ =	swait.ge [sflag:s23], $0x2000  }
0x112: {  	[sflag:s23] =	ssyncset.done $0x0  }
0x113: {  	[sflag:s23] =	ssyncadd.s32 $0xFFFFE000  }
0x114: {  	v1 =	vld [tilespmem:$0x13B80]  }
0x115: {  	v2 =	vld [tilespmem:$0x13B90]  }
0x116: {  	v3 =	vld [tilespmem:$0x13BA0]  }
0x117: {  	v57 =	vld [tilespmem:$0x13BB0];
	_ =	sdelay $0x1  }
0x118: {  	[tilespmem:$0x14C00] =	vst v1  }
0x119: {  	[tilespmem:$0x14C10] =	vst v2  }
0x11a: {  	[tilespmem:$0x14C20] =	vst v3  }
0x11b: {  	[tilespmem:$0x14C30] =	vst v57  }
0x11c: {  	[spmem:s12] =	stream.indirect.scatter.add.f32 [tilespmem:s28], [sflag:$0x9], $0x80, s29, s26, $0xb8;
	[tilespmem:$0x1ED00] =	vst v63  }
0x11d: {  	_ =	swait.ge [sflag:s14], $0x2000  }
0x11e: {  	[sflag:s14] =	ssyncset.done $0x0;
	s3 =	rddreg [dreg:$0x13]  }
0x11f: {  	s22 =	simm.s32 @!p0 $0x13980;
	[sflag:s14] =	ssyncadd.s32 $0xFFFFE000;
	s9 =	sadd.s32 @!p0 s20, s3  }
0x120: {  	[tilespmem:s22], [sflag:$0xC] =	stream.linear.gather @!p0 [hbm4b:s9+s25], $0x100, $0x38;
	[tilespmem:$0x1ED00] =	vst v63  }
0x121: {  	s9 =	sadd.s32 @!p0 $0xFFFFFD00, s19  }
0x122: {  	s22 =	sand.u32 @!p0 $0xFC00, s9  }
0x123: {  	s9 =	sand.u32 @!p0 $0x380, s9;
	s22 =	sadd.s32 @!p0 s7, s22  }
0x124: {  	s9 =	sor.u32 @!p0 s9, s22  }
0x125: {  	s9 =	sshrl.u32 @!p0 s9, $0x3  }
0x126: {  	s22 =	simm.s32 @!p0 $0x14300;
	s9 =	sadd.s32 @!p0 s6, s9  }
0x127: {  	[tilespmem:s22], [sflag:$0x16] =	stream.linear.gather @!p0 [hbm4b:s9+s25], $0x80, $0x38;
	[tilespmem:$0x1ED00] =	vst v63  }
0x128: {  	s22 =	simm.s32 $0x11  }
0x129: {  	_ =	swait.ge [sflag:s22], $0x100  }
0x12a: {  	[sflag:s22] =	ssyncset.done $0x0  }
0x12b: {  	s2 =	simm.s32 $0x1B;
	[sflag:s22] =	ssyncadd.s32 $0xFFFFFF00  }
0x12c: {  	_ =	swait.ge [sflag:s2], $0x80  }
0x12d: {  	[sflag:s2] =	ssyncset.done $0x0  }
0x12e: {  	s9 =	simm.s32 $0x13F00;
	[sflag:s2] =	ssyncadd.s32 $0xFFFFFF80  }
0x12f: {  	[tilespmem:s8], [sflag:$0x2] =	stream.indirect.gather [hbm4b:s1+s26], $0x80, s9, s26, $0xb8;
	[tilespmem:$0x1ED00] =	vst v63  }
0x130: {  	_ =	swait.ge [sflag:s17], $0x2000  }
0x131: {  	[sflag:s17] =	ssyncset.done $0x0  }
0x132: {  	[sflag:s17] =	ssyncadd.s32 $0xFFFFE000  }
0x133: {  	v1 =	vld [tilespmem:$0x13C80]  }
0x134: {  	v2 =	vld [tilespmem:$0x13C90]  }
0x135: {  	v3 =	vld [tilespmem:$0x13CA0]  }
0x136: {  	v58 =	vld [tilespmem:$0x13CB0];
	_ =	sdelay $0x1  }
0x137: {  	[tilespmem:$0x14C80] =	vst v1  }
0x138: {  	[tilespmem:$0x14C90] =	vst v2  }
0x139: {  	[tilespmem:$0x14CA0] =	vst v3  }
0x13a: {  	s2 =	simm.s32 $0x14C80;
	[tilespmem:$0x14CB0] =	vst v58  }
0x13b: {  	[spmem:s12] =	stream.indirect.scatter.add.f32 [tilespmem:s4], [sflag:$0xA], $0x80, s2, s26, $0xb8;
	[tilespmem:$0x1ED00] =	vst v63  }
0x13c: {  	s2 =	simm.s32 $0x8  }
0x13d: {  	_ =	swait.ge [sflag:s2], $0x2000  }
0x13e: {  	[sflag:s2] =	ssyncset.done $0x0;
	s3 =	rddreg [dreg:$0x12]  }
0x13f: {  	s22 =	simm.s32 @!p0 $0x13A80;
	[sflag:s2] =	ssyncadd.s32 $0xFFFFE000;
	s9 =	sadd.s32 @!p0 s20, s3  }
0x140: {  	[tilespmem:s22], [sflag:$0xD] =	stream.linear.gather @!p0 [hbm4b:s9+s25], $0x100, $0x38;
	[tilespmem:$0x1ED00] =	vst v63  }
0x141: {  	s9 =	sadd.s32 @!p0 $0xFFFFFD80, s19  }
0x142: {  	s22 =	sand.u32 @!p0 $0xFC00, s9  }
0x143: {  	s9 =	sand.u32 @!p0 $0x300, s9;
	s22 =	sadd.s32 @!p0 s7, s22  }
0x144: {  	s9 =	sor.u32 @!p0 s9, s22  }
0x145: {  	s9 =	sshrl.u32 @!p0 s9, $0x3  }
0x146: {  	s22 =	simm.s32 @!p0 $0x14380;
	s9 =	sadd.s32 @!p0 s6, s9  }
0x147: {  	[tilespmem:s22], [sflag:$0x17] =	stream.linear.gather @!p0 [hbm4b:s9+s25], $0x80, $0x38;
	[tilespmem:$0x1ED00] =	vst v63  }
0x148: {  	s22 =	simm.s32 $0x12  }
0x149: {  	_ =	swait.ge [sflag:s22], $0x100  }
0x14a: {  	[sflag:s22] =	ssyncset.done $0x0  }
0x14b: {  	s9 =	simm.s32 $0x1C;
	[sflag:s22] =	ssyncadd.s32 $0xFFFFFF00  }
0x14c: {  	_ =	swait.ge [sflag:s9], $0x80  }
0x14d: {  	[sflag:s9] =	ssyncset.done $0x0  }
0x14e: {  	s22 =	simm.s32 $0x14000;
	[sflag:s9] =	ssyncadd.s32 $0xFFFFFF80  }
0x14f: {  	[tilespmem:s5], [sflag:$0x3] =	stream.indirect.gather [hbm4b:s1+s26], $0x80, s22, s26, $0xb8;
	[tilespmem:$0x1ED00] =	vst v63  }
0x150: {  	_ =	swait.ge [sflag:s10], $0x2000  }
0x151: {  	[sflag:s10] =	ssyncset.done $0x0  }
0x152: {  	[sflag:s10] =	ssyncadd.s32 $0xFFFFE000  }
0x153: {  	v1 =	vld [tilespmem:$0x13D80]  }
0x154: {  	v2 =	vld [tilespmem:$0x13D90]  }
0x155: {  	v3 =	vld [tilespmem:$0x13DA0]  }
0x156: {  	v59 =	vld [tilespmem:$0x13DB0];
	_ =	sdelay $0x1  }
0x157: {  	[tilespmem:$0x14A80] =	vst v1  }
0x158: {  	[tilespmem:$0x14A90] =	vst v2  }
0x159: {  	[tilespmem:$0x14AA0] =	vst v3  }
0x15a: {  	s9 =	simm.s32 $0x9;
	[tilespmem:$0x14AB0] =	vst v59  }
0x15b: {  	[spmem:s12] =	stream.indirect.scatter.add.f32 [tilespmem:s0], [sflag:$0x6], $0x80, s30, s26, $0xb8;
	[tilespmem:$0x1ED00] =	vst v63  }
0x15c: {  	_ =	swait.ge [sflag:s9], $0x2000  }
0x15d: {  	[sflag:s9] =	ssyncset.done $0x0;
	s3 =	rddreg [dreg:$0x11]  }
0x15e: {  	s22 =	simm.s32 @!p0 $0x13B80;
	[sflag:s9] =	ssyncadd.s32 $0xFFFFE000;
	s9 =	sadd.s32 @!p0 s20, s3  }
0x15f: {  	[tilespmem:s22], [sflag:$0xE] =	stream.linear.gather @!p0 [hbm4b:s9+s25], $0x100, $0x38;
	[tilespmem:$0x1ED00] =	vst v63  }
0x160: {  	s9 =	sadd.s32 @!p0 $0xFFFFFE00, s19  }
0x161: {  	s22 =	sand.u32 @!p0 $0xFC00, s9  }
0x162: {  	s9 =	sand.u32 @!p0 $0x380, s9;
	s22 =	sadd.s32 @!p0 s7, s22  }
0x163: {  	s9 =	sor.u32 @!p0 s9, s22  }
0x164: {  	s9 =	sshrl.u32 @!p0 s9, $0x3  }
0x165: {  	s22 =	simm.s32 @!p0 $0x14400;
	s9 =	sadd.s32 @!p0 s6, s9  }
0x166: {  	[tilespmem:s22], [sflag:$0x18] =	stream.linear.gather @!p0 [hbm4b:s9+s25], $0x80, $0x38;
	[tilespmem:$0x1ED00] =	vst v63  }
0x167: {  	s22 =	simm.s32 $0x13  }
0x168: {  	_ =	swait.ge [sflag:s22], $0x100  }
0x169: {  	[sflag:s22] =	ssyncset.done $0x0  }
0x16a: {  	s3 =	simm.s32 $0x1D;
	[sflag:s22] =	ssyncadd.s32 $0xFFFFFF00  }
0x16b: {  	_ =	swait.ge [sflag:s3], $0x80  }
0x16c: {  	[sflag:s3] =	ssyncset.done $0x0  }
0x16d: {  	s9 =	simm.s32 $0x14100;
	[sflag:s3] =	ssyncadd.s32 $0xFFFFFF80  }
0x16e: {  	[tilespmem:s28], [sflag:$0x4] =	stream.indirect.gather [hbm4b:s1+s26], $0x80, s9, s26, $0xb8;
	[tilespmem:$0x1ED00] =	vst v63  }
0x16f: {  	_ =	swait.ge [sflag:s16], $0x2000  }
0x170: {  	[sflag:s16] =	ssyncset.done $0x0  }
0x171: {  	[sflag:s16] =	ssyncadd.s32 $0xFFFFE000  }
0x172: {  	v1 =	vld [tilespmem:$0x13E80]  }
0x173: {  	v2 =	vld [tilespmem:$0x13E90]  }
0x174: {  	v3 =	vld [tilespmem:$0x13EA0]  }
0x175: {  	v60 =	vld [tilespmem:$0x13EB0];
	_ =	sdelay $0x1  }
0x176: {  	[tilespmem:$0x14B00] =	vst v1  }
0x177: {  	[tilespmem:$0x14B10] =	vst v2  }
0x178: {  	[tilespmem:$0x14B20] =	vst v3  }
0x179: {  	s22 =	simm.s32 $0xA;
	[tilespmem:$0x14B30] =	vst v60  }
0x17a: {  	[spmem:s12] =	stream.indirect.scatter.add.f32 [tilespmem:s8], [sflag:$0x7], $0x80, s11, s26, $0xb8;
	[tilespmem:$0x1ED00] =	vst v63  }
0x17b: {  	_ =	swait.ge [sflag:s22], $0x2000  }
0x17c: {  	[sflag:s22] =	ssyncset.done $0x0;
	s3 =	rddreg [dreg:$0x10]  }
0x17d: {  	[sflag:s22] =	ssyncadd.s32 $0xFFFFE000;
	s9 =	sadd.s32 @!p0 s20, s3;
	s22 =	simm.s32 @!p0 $0x13C80  }
0x17e: {  	[tilespmem:s22], [sflag:$0xF] =	stream.linear.gather @!p0 [hbm4b:s9+s25], $0x100, $0x38;
	[tilespmem:$0x1ED00] =	vst v63  }
0x17f: {  	s9 =	sadd.s32 @!p0 $0xFFFFFE80, s19  }
0x180: {  	s22 =	sand.u32 @!p0 $0xFC00, s9  }
0x181: {  	s9 =	sand.u32 @!p0 $0x300, s9;
	s22 =	sadd.s32 @!p0 s7, s22  }
0x182: {  	s9 =	sor.u32 @!p0 s9, s22  }
0x183: {  	s9 =	sshrl.u32 @!p0 s9, $0x3  }
0x184: {  	s3 =	simm.s32 $0x14;
	s22 =	simm.s32 @!p0 $0x14480;
	s9 =	sadd.s32 @!p0 s6, s9  }
0x185: {  	[tilespmem:s22], [sflag:$0x19] =	stream.linear.gather @!p0 [hbm4b:s9+s25], $0x80, $0x38;
	[tilespmem:$0x1ED00] =	vst v63  }
0x186: {  	_ =	swait.ge [sflag:s3], $0x100  }
0x187: {  	[sflag:s3] =	ssyncset.done $0x0  }
0x188: {  	s9 =	simm.s32 $0x1E;
	[sflag:s3] =	ssyncadd.s32 $0xFFFFFF00  }
0x189: {  	_ =	swait.ge [sflag:s9], $0x80  }
0x18a: {  	[sflag:s9] =	ssyncset.done $0x0  }
0x18b: {  	s22 =	simm.s32 $0x14200;
	[sflag:s9] =	ssyncadd.s32 $0xFFFFFF80  }
0x18c: {  	[tilespmem:s4], [sflag:$0x5] =	stream.indirect.gather [hbm4b:s1+s26], $0x80, s22, s26, $0xb8;
	[tilespmem:$0x1ED00] =	vst v63  }
0x18d: {  	_ =	swait.ge [sflag:s18], $0x2000  }
0x18e: {  	[sflag:s18] =	ssyncset.done $0x0  }
0x18f: {  	[sflag:s18] =	ssyncadd.s32 $0xFFFFE000  }
0x190: {  	v1 =	vld [tilespmem:$0x13F80]  }
0x191: {  	v2 =	vld [tilespmem:$0x13F90]  }
0x192: {  	v3 =	vld [tilespmem:$0x13FA0]  }
0x193: {  	v61 =	vld [tilespmem:$0x13FB0];
	_ =	sdelay $0x1  }
0x194: {  	[tilespmem:$0x14B80] =	vst v1  }
0x195: {  	[tilespmem:$0x14B90] =	vst v2  }
0x196: {  	[tilespmem:$0x14BA0] =	vst v3  }
0x197: {  	[tilespmem:$0x14BB0] =	vst v61  }
0x198: {  	[spmem:s12] =	stream.indirect.scatter.add.f32 [tilespmem:s5], [sflag:$0x8], $0x80, s31, s26, $0xb8;
	[tilespmem:$0x1ED00] =	vst v63  }
0x199: {  	_ =	swait.ge [sflag:s21], $0x2000  }
0x19a: {  	[sflag:s21] =	ssyncset.done $0x0;
	s3 =	rddreg [dreg:$0xf]  }
0x19b: {  	s22 =	simm.s32 @!p0 $0x13D80;
	[sflag:s21] =	ssyncadd.s32 $0xFFFFE000;
	s9 =	sadd.s32 @!p0 s20, s3  }
0x19c: {  	[tilespmem:s22], [sflag:$0x10] =	stream.linear.gather @!p0 [hbm4b:s9+s25], $0x100, $0x38;
	[tilespmem:$0x1ED00] =	vst v63  }
0x19d: {  	s9 =	sadd.s32 @!p0 $0xFFFFFF00, s19  }
0x19e: {  	s22 =	sand.u32 @!p0 $0xFC00, s9  }
0x19f: {  	s9 =	sand.u32 @!p0 $0x380, s9;
	s22 =	sadd.s32 @!p0 s7, s22  }
0x1a0: {  	s9 =	sor.u32 @!p0 s9, s22  }
0x1a1: {  	s9 =	sshrl.u32 @!p0 s9, $0x3  }
0x1a2: {  	s22 =	simm.s32 @!p0 $0x14500;
	s9 =	sadd.s32 @!p0 s6, s9  }
0x1a3: {  	[tilespmem:s22], [sflag:$0x1A] =	stream.linear.gather @!p0 [hbm4b:s9+s25], $0x80, $0x38;
	[tilespmem:$0x1ED00] =	vst v63  }
0x1a4: {  	s9 =	simm.s32 @!p0 $0xB  }
0x1a5: {  	_ =	swait.ge @!p0 [sflag:s9], $0x100  }
0x1a6: {  	[sflag:s9] =	ssyncset.done @!p0 $0x0  }
0x1a7: {  	[sflag:s9] =	ssyncadd.s32 @!p0 $0xFFFFFF00;
	s9 =	simm.s32 @!p0 $0x15  }
0x1a8: {  	_ =	swait.ge @!p0 [sflag:s9], $0x80  }
0x1a9: {  	s3 =	simm.s32 @!p0 $0x14D00;
	[sflag:s9] =	ssyncset.done @!p0 $0x0  }
0x1aa: {  	s22 =	simm.s32 @!p0 $0x13900;
	[sflag:s9] =	ssyncadd.s32 @!p0 $0xFFFFFF80;
	s9 =	simm.s32 @!p0 $0x40  }
0x1ab: {  	[tilespmem:s3], [sflag:$0x1] =	stream.indirect.gather @!p0 [hbm4b:s1+s9], $0x80, s22, s9, $0xb8;
	[tilespmem:$0x1ED00] =	vst v63  }
0x1ac: {  	_ =	swait.ge [sflag:s23], $0x2000  }
0x1ad: {  	[sflag:s23] =	ssyncset.done $0x0  }
0x1ae: {  	[sflag:s23] =	ssyncadd.s32 $0xFFFFE000  }
0x1af: {  	v1 =	vld [tilespmem:$0x14080]  }
0x1b0: {  	v2 =	vld [tilespmem:$0x14090]  }
0x1b1: {  	v3 =	vld [tilespmem:$0x140A0]  }
0x1b2: {  	v62 =	vld [tilespmem:$0x140B0];
	_ =	sdelay $0x1  }
0x1b3: {  	[tilespmem:$0x14C00] =	vst v1  }
0x1b4: {  	[tilespmem:$0x14C10] =	vst v2  }
0x1b5: {  	[tilespmem:$0x14C20] =	vst v3  }
0x1b6: {  	[tilespmem:$0x14C30] =	vst v62  }
0x1b7: {  	[spmem:s12] =	stream.indirect.scatter.add.f32 [tilespmem:s28], [sflag:$0x9], $0x80, s29, s26, $0xb8;
	[tilespmem:$0x1ED00] =	vst v63  }
0x1b8: {  	_ =	swait.ge [sflag:s14], $0x2000  }
0x1b9: {  	[sflag:s14] =	ssyncset.done $0x0;
	s3 =	rddreg [dreg:$0xe]  }
0x1ba: {  	s22 =	simm.s32 @!p0 $0x13E80;
	[sflag:s14] =	ssyncadd.s32 $0xFFFFE000;
	s3 =	sadd.s32 @!p0 s20, s3  }
0x1bb: {  	[tilespmem:s22], [sflag:$0x11] =	stream.linear.gather @!p0 [hbm4b:s3+s25], $0x100, $0x38;
	[tilespmem:$0x1ED00] =	vst v63  }
0x1bc: {  	s3 =	sadd.s32 @!p0 $0xFFFFFF80, s19  }
0x1bd: {  	s3 =	sand.u32 @!p0 $0xFC00, s3  }
0x1be: {  	s3 =	sadd.s32 @!p0 s7, s3  }
0x1bf: {  	s3 =	sor.u32 @!p0 s24, s3  }
0x1c0: {  	s3 =	sshrl.u32 @!p0 s3, $0x3  }
0x1c1: {  	s22 =	simm.s32 @!p0 $0x14580;
	s3 =	sadd.s32 @!p0 s6, s3  }
0x1c2: {  	[tilespmem:s22], [sflag:$0x1B] =	stream.linear.gather @!p0 [hbm4b:s3+s25], $0x80, $0x38;
	[tilespmem:$0x1ED00] =	vst v63  }
0x1c3: {  	s3 =	simm.s32 @!p0 $0xC  }
0x1c4: {  	_ =	swait.ge @!p0 [sflag:s3], $0x100  }
0x1c5: {  	[sflag:s3] =	ssyncset.done @!p0 $0x0  }
0x1c6: {  	[sflag:s3] =	ssyncadd.s32 @!p0 $0xFFFFFF00;
	s3 =	simm.s32 @!p0 $0x16  }
0x1c7: {  	_ =	swait.ge @!p0 [sflag:s3], $0x80  }
0x1c8: {  	[sflag:s3] =	ssyncset.done @!p0 $0x0  }
0x1c9: {  	s22 =	simm.s32 @!p0 $0x16D00;
	[sflag:s3] =	ssyncadd.s32 @!p0 $0xFFFFFF80;
	s3 =	simm.s32 @!p0 $0x13A00  }
0x1ca: {  	[tilespmem:s22], [sflag:$0x2] =	stream.indirect.gather @!p0 [hbm4b:s1+s9], $0x80, s3, s9, $0xb8;
	[tilespmem:$0x1ED00] =	vst v63  }
0x1cb: {  	_ =	swait.ge [sflag:s17], $0x2000  }
0x1cc: {  	[sflag:s17] =	ssyncset.done $0x0  }
0x1cd: {  	[sflag:s17] =	ssyncadd.s32 $0xFFFFE000  }
0x1ce: {  	v1 =	vld [tilespmem:$0x14180]  }
0x1cf: {  	v2 =	vld [tilespmem:$0x14190]  }
0x1d0: {  	v3 =	vld [tilespmem:$0x141A0]  }
0x1d1: {  	v63 =	vld [tilespmem:$0x141B0];
	_ =	sdelay $0x1  }
0x1d2: {  	[tilespmem:$0x14C80] =	vst v1  }
0x1d3: {  	[tilespmem:$0x14C90] =	vst v2  }
0x1d4: {  	[tilespmem:$0x14CA0] =	vst v3  }
.Ltmp3:
0x1d5: {  	s25 =	simm.s32 $0x14C80;
	[tilespmem:$0x14CB0] =	vst v63;
	(pc) =	sbr.rel @p0 .LBB2_6-.Ltmp3, $4  }
0x1d6: {  	[spmem:s12] =	stream.indirect.scatter.add.f32 [tilespmem:s4], [sflag:$0xA], $0x80, s25, s26, $0xb8;
	[tilespmem:$0x1ED00] =	vst v63  }
0x1d7: {  	_ =	swait.ge [sflag:s2], $0x2000  }
0x1d8: {  	[sflag:s2] =	ssyncset.done $0x0  }
0x1d9: {  	s30 =	simm.s32 $0x16D00;
	s5 =	simm.s32 $0x18D00;
	[sflag:s2] =	ssyncadd.s32 $0xFFFFE000  }
0x1da: {  	s3 =	rddreg [dreg:$0xd]  }
0x1db: {  	s0 =	simm.s32 $0x13F80;
	s9 =	sand.u32 $0xFC00, s19;
	s3 =	sadd.s32 s20, s3  }
0x1dc: {  	[tilespmem:s0], [sflag:$0x12] =	stream.linear.gather [hbm4b:s3+s13], $0x100, $0x38;
	[tilespmem:$0x1ED00] =	vst v63  }
0x1dd: {  	s3 =	sadd.s32 s7, s9;
	s9 =	sand.u32 $0x380, s19  }
0x1de: {  	s3 =	sor.u32 s9, s3  }
0x1df: {  	s3 =	sshrl.u32 s3, $0x3  }
0x1e0: {  	s22 =	simm.s32 $0x14600;
	s24 =	simm.s32 $0xD;
	s3 =	sadd.s32 s6, s3  }
0x1e1: {  	[tilespmem:s22], [sflag:$0x1C] =	stream.linear.gather [hbm4b:s3+s13], $0x80, $0x38;
	[tilespmem:$0x1ED00] =	vst v63  }
0x1e2: {  	_ =	swait.ge [sflag:s24], $0x100  }
0x1e3: {  	[sflag:s24] =	ssyncset.done $0x0  }
0x1e4: {  	s25 =	simm.s32 $0x17;
	[sflag:s24] =	ssyncadd.s32 $0xFFFFFF00  }
.Ltmp4:
0x1e5: {  	_ =	swait.ge [sflag:s25], $0x80;
	(pc) =	sbr.rel .LBB2_4-.Ltmp4, $4  }
0x1e6: {  	s30 =	simm.s32 $0x13B00;
	[sflag:s25] =	ssyncset.done $0x0  }
0x1e7: {  	s15 =	sadd.s32 $0x100, s15;
	s4 =	simm.s32 $0x0;
	[sflag:s25] =	ssyncadd.s32 $0xFFFFFF80  }
0x1e8: {  	[tilespmem:s5], [sflag:$0x3] =	stream.indirect.gather [hbm4b:s1+s26], $0x80, s30, s26, $0xb8;
	[tilespmem:$0x1ED00] =	vst v63  }
0x1e9: {  	s20 =	sadd.s32 $0x140, s20;
	s19 =	sadd.s32 $0x500, s19;
	s5 =	simm.s32 $0x18D00  }
.LBB2_7:
0x1ea: {  	_ =	sfence.sel $0x180000  }
0x1eb: {  	[bflag:$0x0] =	sbarrier.arrive $0xFFFF  }
0x1ec: {  	_ =	strace $0x90000047  }
0x1ed: {  	s0 =	stileid.u32;
	[bflag:$0x2] =	sbarrier.arrive $0xFFFF  }
0x1ee: {  	p0 =	sne.s32 s0, $0x0;
	s0 =	rddreg [dreg:$0x3]  }
0x1ef: {  	s0 =	sadd.s32 @!p0 $0x100000, s0  }
0x1f0: {  	[sflag:s0] =	ssyncadd.tile.s32 @!p0 $0x1;
	_ =	shalt  }
.Lfunc_end2:
_tile_overlayer_lowered:
.L_overlay_start_2:
0x1f1: {  	(tag) =	ssettag $0x2  }
0x1f2: {  	s0 =	rddreg [dreg:$0x0];
	s2 =	stileid.u32  }
0x1f3: {  	s1 =	rddreg [dreg:$0x1];
	p0 =	sne.s32 s2, $0x0  }
0x1f4: {  	s3 =	rddreg [dreg:$0x2];
	[bflag:$0x3] =	sbarrier.arrive $0xFFFF;
	s2 =	simm.s32 @!p0 $0x1C1F  }
0x1f5: {  	[timem:s3], [sflag:s2] =	dma.local @!p0 [hbm:s0], s1  }
0x1f6: {  	s0 =	simm.s32 @!p0 $0x1F  }
0x1f7: {  	_ =	swait.ge @!p0 [sflag:s0], s1  }
0x1f8: {  	s1 =	ssub.s32 @!p0 $0x0, s1;
	[sflag:s0] =	ssyncset.done @!p0 $0x0  }
0x1f9: {  	[sflag:s0] =	ssyncadd.s32 @!p0 s1  }
0x1fa: {  	[bflag:$0x3] =	sbarrier.arrive $0xFFFF  }
0x1fb: {  	_ =	shalt  }

</sc_bundles>
